<compile_context>
chip_gen: v7x
topology: tpu7x:2x2x1
jax: 0.10.2.dev20260603
libtpu: 0.0.44.dev20260713+nightly
codegen_flags: <defaults>
</compile_context>

<pallas_src>
import functools

import jax
import jax.numpy as jnp
from jax import lax
from jax.experimental import pallas as pl
from jax.experimental.pallas import tpu as pltpu
from jax.experimental.pallas import tpu_sc as plsc

N = 10000
E = 320000
D = 128
G = 64
C = 10

NC = 2
NS = 16
NW = NC * NS
CH = 80
NCHUNK = 125
EW = NCHUNK * CH
NPAD = NS * 632
RPT = NPAD // NS
MSG_BYTES = CH * D * 4

BM = 2000
GRID = N // BM

_mesh = plsc.VectorSubcoreMesh(
    core_axis_name="c", subcore_axis_name="s", num_cores=NC, num_subcores=NS)


@functools.partial(
    pl.kernel,
    out_type=jax.ShapeDtypeStruct((NC, NPAD, D), jnp.float32),
    mesh=_mesh,
    scratch_types=[
        pltpu.VMEM((EW,), jnp.int32),
        pltpu.VMEM((NCHUNK, CH), jnp.int32),
        [pltpu.VMEM((CH, D), jnp.float32) for _ in range(2)],
        [pltpu.SemaphoreType.DMA for _ in range(2)],
        [pltpu.SemaphoreType.DMA for _ in range(2)],
        pltpu.VMEM_SHARED((NPAD, D), jnp.float32),
    ],
)
def _seg_sum(y_hbm, src_hbm, dst_hbm, out_hbm, src_v, dst_v, msgs, gsems, ssems,
             acc_sh):
    c = lax.axis_index("c")
    s = lax.axis_index("s")
    wid = s * NC + c

    zeros16 = jnp.zeros((16,), jnp.float32)

    def _zero_row(r, carry):
        for j in range(D // 16):
            msgs[0][r, pl.ds(j * 16, 16)] = zeros16
        return carry

    lax.fori_loop(0, CH, _zero_row, 0)
    idx_copy = pltpu.async_copy(src_hbm.at[wid], src_v, gsems[0])
    idx_copy2 = pltpu.async_copy(dst_hbm.at[wid], dst_v, gsems[1])
    row0 = s * RPT
    zcopies = []
    for k in range(RPT // CH):
        zcopies.append(pltpu.async_copy(
            msgs[0], acc_sh.at[pl.ds(row0 + k * CH, CH)], ssems[0]))
    zcopies.append(pltpu.async_copy(
        msgs[0].at[pl.ds(0, RPT % CH)],
        acc_sh.at[pl.ds(row0 + RPT - RPT % CH, RPT % CH)], ssems[1]))
    idx_copy.wait()
    idx_copy2.wait()
    for cp in zcopies:
        cp.wait()
    plsc.subcore_barrier()

    def _fire_gather(j, b):
        base = pl.multiple_of(j * CH, CH)
        pltpu.async_copy(y_hbm.at[src_v.at[pl.ds(base, CH)]], msgs[b], gsems[b])

    def _sem_wait(sem, b):
        pltpu.make_async_copy(y_hbm.at[pl.ds(0, CH)], msgs[b], sem).wait()

    def _visit(j, b, mode):
        if mode != 2:
            if mode == 1:
                _sem_wait(ssems[1 - b], 1 - b)
            _fire_gather(j + 1, 1 - b)
        _sem_wait(gsems[b], b)
        pltpu.async_copy(msgs[b], acc_sh.at[dst_v.at[j]], ssems[b], add=True)

    _fire_gather(0, 0)
    _visit(0, 0, 0)

    def _ring(it, carry):
        j0 = 1 + 2 * it
        _visit(j0, 1, 1)
        _visit(j0 + 1, 0, 1)
        return carry

    lax.fori_loop(0, (NCHUNK - 2) // 2, _ring, 0)
    _visit(NCHUNK - 1, 1, 2)
    _sem_wait(ssems[0], 0)
    _sem_wait(ssems[1], 1)
    plsc.subcore_barrier()

    pltpu.sync_copy(acc_sh.at[pl.ds(row0, RPT)], out_hbm.at[c, pl.ds(row0, RPT)])


def _mm_nt_body(x_ref, w_ref, o_ref):
    o_ref[...] = lax.dot_general(
        x_ref[...], w_ref[...], (((1,), (1,)), ((), ())),
        preferred_element_type=jnp.float32)


def _mm_nt(x, w):
    return pl.pallas_call(
        _mm_nt_body,
        grid=(GRID,),
        in_specs=[
            pl.BlockSpec((BM, D), lambda i: (i, 0)),
            pl.BlockSpec(w.shape, lambda i: (0, 0)),
        ],
        out_specs=pl.BlockSpec((BM, D), lambda i: (i, 0)),
        out_shape=jax.ShapeDtypeStruct((N, D), jnp.float32),
    )(x, w)


def _zlin_body(x_ref, w_ref, b_ref, o_ref):
    o_ref[...] = lax.dot_general(
        x_ref[...], w_ref[...], (((1,), (1,)), ((), ())),
        preferred_element_type=jnp.float32) + b_ref[...]


def _zlin(x, w, b):
    return pl.pallas_call(
        _zlin_body,
        grid=(GRID,),
        in_specs=[
            pl.BlockSpec((BM, D), lambda i: (i, 0)),
            pl.BlockSpec((D, D), lambda i: (0, 0)),
            pl.BlockSpec((D,), lambda i: (0,)),
        ],
        out_specs=pl.BlockSpec((BM, D), lambda i: (i, 0)),
        out_shape=jax.ShapeDtypeStruct((N, D), jnp.float32),
    )(x, w, b)


def _comb_body(a_ref0, a_ref1, z_ref, wn_ref, y_ref):
    h = jnp.maximum(a_ref0[0] + a_ref1[0] + z_ref[...], 0.0)
    y_ref[...] = lax.dot_general(h, wn_ref[...], (((1,), (1,)), ((), ())),
                                 preferred_element_type=jnp.float32)


def _comb(a, z, w_next):
    return pl.pallas_call(
        _comb_body,
        grid=(GRID,),
        in_specs=[
            pl.BlockSpec((1, BM, D), lambda i: (0, i, 0)),
            pl.BlockSpec((1, BM, D), lambda i: (1, i, 0)),
            pl.BlockSpec((BM, D), lambda i: (i, 0)),
            pl.BlockSpec((D, D), lambda i: (0, 0)),
        ],
        out_specs=pl.BlockSpec((BM, D), lambda i: (i, 0)),
        out_shape=jax.ShapeDtypeStruct((N, D), jnp.float32),
    )(a, a, z, w_next)


def _zlin2_body(a_ref0, a_ref1, z_ref, w_ref, b_ref, o_ref):
    h = jnp.maximum(a_ref0[0] + a_ref1[0] + z_ref[...], 0.0)
    o_ref[...] = lax.dot_general(
        h, w_ref[...], (((1,), (1,)), ((), ())),
        preferred_element_type=jnp.float32) + b_ref[...]


def _zlin2(a, z, w, b):
    return pl.pallas_call(
        _zlin2_body,
        grid=(GRID,),
        in_specs=[
            pl.BlockSpec((1, BM, D), lambda i: (0, i, 0)),
            pl.BlockSpec((1, BM, D), lambda i: (1, i, 0)),
            pl.BlockSpec((BM, D), lambda i: (i, 0)),
            pl.BlockSpec((D, D), lambda i: (0, 0)),
            pl.BlockSpec((D,), lambda i: (0,)),
        ],
        out_specs=pl.BlockSpec((BM, D), lambda i: (i, 0)),
        out_shape=jax.ShapeDtypeStruct((N, D), jnp.float32),
    )(a, a, z, w, b)


def _final_body(a_ref0, a_ref1, z_ref, bat_ref, wl_ref, bl_ref,
                o_ref, pool_ref, cnt_ref):
    i = pl.program_id(0)

    @pl.when(i == 0)
    def _init():
        pool_ref[...] = jnp.zeros_like(pool_ref)
        cnt_ref[...] = jnp.zeros_like(cnt_ref)

    h = a_ref0[0] + a_ref1[0] + z_ref[...]
    gids = bat_ref[...]
    iot = lax.broadcasted_iota(jnp.int32, (BM, G), 1)
    onehot = jnp.where(gids == iot, 1.0, 0.0)
    pool_ref[...] += lax.dot_general(
        onehot, h, (((0,), (0,)), ((), ())), preferred_element_type=jnp.float32)
    cnt_ref[...] += lax.dot_general(
        onehot, jnp.ones((BM, D), jnp.float32), (((0,), (0,)), ((), ())),
        preferred_element_type=jnp.float32)

    @pl.when(i == GRID - 1)
    def _done():
        pooled = pool_ref[...] / jnp.maximum(cnt_ref[...], 1.0)
        o_ref[...] = lax.dot_general(
            pooled, wl_ref[...], (((1,), (1,)), ((), ())),
            preferred_element_type=jnp.float32) + bl_ref[...]


def _final(a, z, batch2d, w_lin, b_lin):
    return pl.pallas_call(
        _final_body,
        grid=(GRID,),
        in_specs=[
            pl.BlockSpec((1, BM, D), lambda i: (0, i, 0)),
            pl.BlockSpec((1, BM, D), lambda i: (1, i, 0)),
            pl.BlockSpec((BM, D), lambda i: (i, 0)),
            pl.BlockSpec((BM, 1), lambda i: (i, 0)),
            pl.BlockSpec((C, D), lambda i: (0, 0)),
            pl.BlockSpec((C,), lambda i: (0,)),
        ],
        out_specs=pl.BlockSpec((G, C), lambda i: (0, 0)),
        out_shape=jax.ShapeDtypeStruct((G, C), jnp.float32),
        scratch_shapes=[
            pltpu.VMEM((G, D), jnp.float32),
            pltpu.VMEM((G, D), jnp.float32),
        ],
    )(a, a, z, batch2d, w_lin, b_lin)


def kernel(x, edge_index, batch,
           W1_rel, b1_rel, W1_root,
           W2_rel, b2_rel, W2_root,
           W3_rel, b3_rel, W3_root,
           W_lin, b_lin):
    src = edge_index[0].reshape(NW, EW)
    dst = edge_index[1].reshape(NW, NCHUNK, CH)
    batch2d = batch.reshape(N, 1)

    y1 = _mm_nt(x, W1_rel)
    a1 = _seg_sum(y1, src, dst)
    z1 = _zlin(x, W1_root, b1_rel)
    y2 = _comb(a1, z1, W2_rel)
    a2 = _seg_sum(y2, src, dst)
    z2 = _zlin2(a1, z1, W2_root, b2_rel)
    y3 = _comb(a2, z2, W3_rel)
    a3 = _seg_sum(y3, src, dst)
    z3 = _zlin2(a2, z2, W3_root, b3_rel)
    return _final(a3, z3, batch2d, W_lin, b_lin)

# --- scband reference (transcript-rebuilt; emitter-appended) ---
"""Pipeline reference for scband-graph-gnn-86973087744575 (READ-ONLY COPY).

The authoritative reference and input builder live on the scoring server;
editing this copy changes nothing except your own understanding.
"""

import jax, jax.numpy as jnp
import numpy as np

N = 10000
E = 320000
D = 128
H = 128
C = 10
G = 64

def setup_inputs(seed: int = 0) -> dict:
    key = jax.random.key(seed)
    ks = jax.random.split(key, 16)
    x = jax.random.normal(ks[0], (N, D), dtype=jnp.float32)
    edge_index = jax.random.randint(ks[1], (2, E), 0, N, dtype=jnp.int32)
    batch = jnp.sort(jax.random.randint(ks[2], (N,), 0, G, dtype=jnp.int32))
    def lin_w(k, fan_in, fan_out):
        return jax.random.normal(k, (fan_out, fan_in), dtype=jnp.float32) * (1.0 / np.sqrt(fan_in))
    W1_rel = lin_w(ks[3], D, H); b1_rel = jnp.zeros((H,), jnp.float32); W1_root = lin_w(ks[4], D, H)
    W2_rel = lin_w(ks[5], H, H); b2_rel = jnp.zeros((H,), jnp.float32); W2_root = lin_w(ks[6], H, H)
    W3_rel = lin_w(ks[7], H, H); b3_rel = jnp.zeros((H,), jnp.float32); W3_root = lin_w(ks[8], H, H)
    W_lin = lin_w(ks[9], H, C); b_lin = jnp.zeros((C,), jnp.float32)
    return {"x": x, "edge_index": edge_index, "batch": batch,
            "W1_rel": W1_rel, "b1_rel": b1_rel, "W1_root": W1_root,
            "W2_rel": W2_rel, "b2_rel": b2_rel, "W2_root": W2_root,
            "W3_rel": W3_rel, "b3_rel": b3_rel, "W3_root": W3_root,
            "W_lin": W_lin, "b_lin": b_lin}

def _graph_conv(x, src, dst, W_rel, b_rel, W_root):
    # PyG GraphConv: out_i = W_root x_i + W_rel * sum_{j in N(i)} x_j + b
    msgs = jnp.take(x, src, axis=0)
    agg = jax.ops.segment_sum(msgs, dst, num_segments=N)
    return agg @ W_rel.T + b_rel + x @ W_root.T

def reference(x, edge_index, batch,
              W1_rel, b1_rel, W1_root,
              W2_rel, b2_rel, W2_root,
              W3_rel, b3_rel, W3_root,
              W_lin, b_lin):
    src = edge_index[0]
    dst = edge_index[1]
    h = _graph_conv(x, src, dst, W1_rel, b1_rel, W1_root)
    h = jax.nn.relu(h)
    h = _graph_conv(h, src, dst, W2_rel, b2_rel, W2_root)
    h = jax.nn.relu(h)
    h = _graph_conv(h, src, dst, W3_rel, b3_rel, W3_root)
    # global_mean_pool over batch ids
    sums = jax.ops.segment_sum(h, batch, num_segments=G)
    counts = jax.ops.segment_sum(jnp.ones((N, 1), jnp.float32), batch, num_segments=G)
    pooled = sums / jnp.maximum(counts, 1.0)
    # dropout is identity in eval mode
    out = pooled @ W_lin.T + b_lin
    return out

if __name__ == "__main__":
    import jax
    _d = setup_inputs()
    print(jax.jit(kernel)(*tuple(_d.values())))

</pallas_src>

<mosaic_0001>
#map = affine_map<(d0, d1) -> (0, 0)>
#map1 = affine_map<(d0, d1) -> (0, 0, 0)>
module attributes {stable_mosaic.version = 14 : i64} {
  func.func @_seg_sum(%arg0: i32, %arg1: i32, %arg2: memref<10000x128xf32, #tpu.memory_space<hbm>>, %arg3: memref<32x10000xi32, #tpu.memory_space<hbm>>, %arg4: memref<32x125x80xi32, #tpu.memory_space<hbm>>, %arg5: memref<2x10112x128xf32, #tpu.memory_space<hbm>>, %arg6: memref<10000xi32, #tpu.memory_space<vmem>>, %arg7: memref<125x80xi32, #tpu.memory_space<vmem>>, %arg8: memref<80x128xf32, #tpu.memory_space<vmem>>, %arg9: memref<80x128xf32, #tpu.memory_space<vmem>>, %arg10: memref<!tpu.dma_semaphore, #tpu.memory_space<semaphore_mem>>, %arg11: memref<!tpu.dma_semaphore, #tpu.memory_space<semaphore_mem>>, %arg12: memref<!tpu.dma_semaphore, #tpu.memory_space<semaphore_mem>>, %arg13: memref<!tpu.dma_semaphore, #tpu.memory_space<semaphore_mem>>, %arg14: memref<10112x128xf32, #tpu.memory_space<vmem_shared>>) attributes {dimension_semantics = [#tpu.dimension_semantics<core_parallel>, #tpu.dimension_semantics<subcore_parallel>], iteration_bounds = array<i64: 2, 16>, scalar_prefetch = 0 : i64, scratch_operands = 9 : i64, tpu.core_type = #tpu.core_type<sc_vector_subcore>, window_params = [{transform_indices = #map}, {transform_indices = #map}, {transform_indices = #map1}, {transform_indices = #map1}]} {
    %mul3A = arith.constant 2 : i32
    %mul3A_0 = arith.muli %arg1, %mul3A : i32
    %add3A = arith.addi %mul3A_0, %arg0 : i32
    %broadcast_in_dim3A = arith.constant 0.000000e+00 : f32
    %broadcast_in_dim3A_1 = vector.broadcast %broadcast_in_dim3A : f32 to vector<16xf32>
    %scan3A = arith.constant 0 : i32
    %scan3A_2 = arith.constant 0 : i32
    %scan3A_3 = arith.constant 80 : i32
    %scan3A_4 = arith.addi %scan3A_2, %scan3A_3 : i32
    %scan3A_5 = arith.constant 1 : i32
    scf.for %scan3A_184 = %scan3A_2 to %scan3A_4 step %scan3A_5  : i32 {
      %swap3A = arith.index_cast %scan3A_184 : i32 to index
      %swap3A_185 = arith.constant 0 : index
      %swap3A_186 = tpu.vector_load %arg8[%swap3A, %swap3A_185] {strides = array<i32>} : memref<80x128xf32, #tpu.memory_space<vmem>>, vector<1x16xf32>,
      %swap3A_187 = vector.shape_cast %swap3A_186 : vector<1x16xf32> to vector<16xf32>
      %swap3A_188 = vector.shape_cast %broadcast_in_dim3A_1 : vector<16xf32> to vector<1x16xf32>
      tpu.vector_store %arg8[%swap3A, %swap3A_185], %swap3A_188 {strides = array<i32>} : memref<80x128xf32, #tpu.memory_space<vmem>>, vector<1x16xf32>,
      %swap3A_189 = arith.index_cast %scan3A_184 : i32 to index
      %swap3A_190 = arith.constant 16 : index
      %swap3A_191 = tpu.vector_load %arg8[%swap3A_189, %swap3A_190] {strides = array<i32>} : memref<80x128xf32, #tpu.memory_space<vmem>>, vector<1x16xf32>,
      %swap3A_192 = vector.shape_cast %swap3A_191 : vector<1x16xf32> to vector<16xf32>
      %swap3A_193 = vector.shape_cast %broadcast_in_dim3A_1 : vector<16xf32> to vector<1x16xf32>
      tpu.vector_store %arg8[%swap3A_189, %swap3A_190], %swap3A_193 {strides = array<i32>} : memref<80x128xf32, #tpu.memory_space<vmem>>, vector<1x16xf32>,
      %swap3A_194 = arith.index_cast %scan3A_184 : i32 to index
      %swap3A_195 = arith.constant 32 : index
      %swap3A_196 = tpu.vector_load %arg8[%swap3A_194, %swap3A_195] {strides = array<i32>} : memref<80x128xf32, #tpu.memory_space<vmem>>, vector<1x16xf32>,
      %swap3A_197 = vector.shape_cast %swap3A_196 : vector<1x16xf32> to vector<16xf32>
      %swap3A_198 = vector.shape_cast %broadcast_in_dim3A_1 : vector<16xf32> to vector<1x16xf32>
      tpu.vector_store %arg8[%swap3A_194, %swap3A_195], %swap3A_198 {strides = array<i32>} : memref<80x128xf32, #tpu.memory_space<vmem>>, vector<1x16xf32>,
      %swap3A_199 = arith.index_cast %scan3A_184 : i32 to index
      %swap3A_200 = arith.constant 48 : index
      %swap3A_201 = tpu.vector_load %arg8[%swap3A_199, %swap3A_200] {strides = array<i32>} : memref<80x128xf32, #tpu.memory_space<vmem>>, vector<1x16xf32>,
      %swap3A_202 = vector.shape_cast %swap3A_201 : vector<1x16xf32> to vector<16xf32>
      %swap3A_203 = vector.shape_cast %broadcast_in_dim3A_1 : vector<16xf32> to vector<1x16xf32>
      tpu.vector_store %arg8[%swap3A_199, %swap3A_200], %swap3A_203 {strides = array<i32>} : memref<80x128xf32, #tpu.memory_space<vmem>>, vector<1x16xf32>,
      %swap3A_204 = arith.index_cast %scan3A_184 : i32 to index
      %swap3A_205 = arith.constant 64 : index
      %swap3A_206 = tpu.vector_load %arg8[%swap3A_204, %swap3A_205] {strides = array<i32>} : memref<80x128xf32, #tpu.memory_space<vmem>>, vector<1x16xf32>,
      %swap3A_207 = vector.shape_cast %swap3A_206 : vector<1x16xf32> to vector<16xf32>
      %swap3A_208 = vector.shape_cast %broadcast_in_dim3A_1 : vector<16xf32> to vector<1x16xf32>
      tpu.vector_store %arg8[%swap3A_204, %swap3A_205], %swap3A_208 {strides = array<i32>} : memref<80x128xf32, #tpu.memory_space<vmem>>, vector<1x16xf32>,
      %swap3A_209 = arith.index_cast %scan3A_184 : i32 to index
      %swap3A_210 = arith.constant 80 : index
      %swap3A_211 = tpu.vector_load %arg8[%swap3A_209, %swap3A_210] {strides = array<i32>} : memref<80x128xf32, #tpu.memory_space<vmem>>, vector<1x16xf32>,
      %swap3A_212 = vector.shape_cast %swap3A_211 : vector<1x16xf32> to vector<16xf32>
      %swap3A_213 = vector.shape_cast %broadcast_in_dim3A_1 : vector<16xf32> to vector<1x16xf32>
      tpu.vector_store %arg8[%swap3A_209, %swap3A_210], %swap3A_213 {strides = array<i32>} : memref<80x128xf32, #tpu.memory_space<vmem>>, vector<1x16xf32>,
      %swap3A_214 = arith.index_cast %scan3A_184 : i32 to index
      %swap3A_215 = arith.constant 96 : index
      %swap3A_216 = tpu.vector_load %arg8[%swap3A_214, %swap3A_215] {strides = array<i32>} : memref<80x128xf32, #tpu.memory_space<vmem>>, vector<1x16xf32>,
      %swap3A_217 = vector.shape_cast %swap3A_216 : vector<1x16xf32> to vector<16xf32>
      %swap3A_218 = vector.shape_cast %broadcast_in_dim3A_1 : vector<16xf32> to vector<1x16xf32>
      tpu.vector_store %arg8[%swap3A_214, %swap3A_215], %swap3A_218 {strides = array<i32>} : memref<80x128xf32, #tpu.memory_space<vmem>>, vector<1x16xf32>,
      %swap3A_219 = arith.index_cast %scan3A_184 : i32 to index
      %swap3A_220 = arith.constant 112 : index
      %swap3A_221 = tpu.vector_load %arg8[%swap3A_219, %swap3A_220] {strides = array<i32>} : memref<80x128xf32, #tpu.memory_space<vmem>>, vector<1x16xf32>,
      %swap3A_222 = vector.shape_cast %swap3A_221 : vector<1x16xf32> to vector<16xf32>
      %swap3A_223 = vector.shape_cast %broadcast_in_dim3A_1 : vector<16xf32> to vector<1x16xf32>
      tpu.vector_store %arg8[%swap3A_219, %swap3A_220], %swap3A_223 {strides = array<i32>} : memref<80x128xf32, #tpu.memory_space<vmem>>, vector<1x16xf32>,
    }
    %scan3A_6 = arith.constant 80 : i32
    %dma_start3A = arith.constant 0 : i32
    %dma_start3A_7 = tpu.memref_slice %arg3[%add3A, %dma_start3A] : memref<32x10000xi32, #tpu.memory_space<hbm>> -> memref<1x10000xi32, #tpu.memory_space<hbm>>
    %dma_start3A_8 = tpu.memref_squeeze %dma_start3A_7 : memref<1x10000xi32, #tpu.memory_space<hbm>> -> memref<10000xi32, #tpu.memory_space<hbm>>
    %dma_start3A_9 = arith.constant 0 : i32
    %dma_start3A_10 = tpu.memref_slice %arg3[%add3A, %dma_start3A_9] : memref<32x10000xi32, #tpu.memory_space<hbm>> -> memref<1x10000xi32, #tpu.memory_space<hbm>>
    %dma_start3A_11 = tpu.memref_squeeze %dma_start3A_10 : memref<1x10000xi32, #tpu.memory_space<hbm>> -> memref<10000xi32, #tpu.memory_space<hbm>>
    tpu.enqueue_dma source(%dma_start3A_11 : memref<10000xi32, #tpu.memory_space<hbm>>) target(%arg6 : memref<10000xi32, #tpu.memory_space<vmem>>) target_semaphore(%arg10 : memref<!tpu.dma_semaphore, #tpu.memory_space<semaphore_mem>>)
    %dma_start3A_12 = arith.constant 0 : i32
    %dma_start3A_13 = arith.constant 0 : i32
    %dma_start3A_14 = tpu.memref_slice %arg4[%add3A, %dma_start3A_12, %dma_start3A_13] : memref<32x125x80xi32, #tpu.memory_space<hbm>> -> memref<1x125x80xi32, #tpu.memory_space<hbm>>
    %dma_start3A_15 = tpu.memref_squeeze %dma_start3A_14 : memref<1x125x80xi32, #tpu.memory_space<hbm>> -> memref<125x80xi32, #tpu.memory_space<hbm>>
    %dma_start3A_16 = arith.constant 0 : i32
    %dma_start3A_17 = arith.constant 0 : i32
    %dma_start3A_18 = tpu.memref_slice %arg4[%add3A, %dma_start3A_16, %dma_start3A_17] : memref<32x125x80xi32, #tpu.memory_space<hbm>> -> memref<1x125x80xi32, #tpu.memory_space<hbm>>
    %dma_start3A_19 = tpu.memref_squeeze %dma_start3A_18 : memref<1x125x80xi32, #tpu.memory_space<hbm>> -> memref<125x80xi32, #tpu.memory_space<hbm>>
    tpu.enqueue_dma source(%dma_start3A_19 : memref<125x80xi32, #tpu.memory_space<hbm>>) target(%arg7 : memref<125x80xi32, #tpu.memory_space<vmem>>) target_semaphore(%arg11 : memref<!tpu.dma_semaphore, #tpu.memory_space<semaphore_mem>>)
    %mul3A_20 = arith.constant 632 : i32
    %mul3A_21 = arith.muli %arg1, %mul3A_20 : i32
    %add3A_22 = arith.constant 0 : i32
    %add3A_23 = arith.addi %mul3A_21, %add3A_22 : i32
    %dma_start3A_24 = arith.constant 0 : i32
    %dma_start3A_25 = tpu.memref_slice %arg14[%add3A_23, %dma_start3A_24] : memref<10112x128xf32, #tpu.memory_space<vmem_shared>> -> memref<80x128xf32, #tpu.memory_space<vmem_shared>>
    %dma_start3A_26 = arith.constant 0 : i32
    %dma_start3A_27 = tpu.memref_slice %arg14[%add3A_23, %dma_start3A_26] : memref<10112x128xf32, #tpu.memory_space<vmem_shared>> -> memref<80x128xf32, #tpu.memory_space<vmem_shared>>
    tpu.enqueue_dma source(%arg8 : memref<80x128xf32, #tpu.memory_space<vmem>>) target(%dma_start3A_27 : memref<80x128xf32, #tpu.memory_space<vmem_shared>>) target_semaphore(%arg12 : memref<!tpu.dma_semaphore, #tpu.memory_space<semaphore_mem>>)
    %add3A_28 = arith.constant 80 : i32
    %add3A_29 = arith.addi %mul3A_21, %add3A_28 : i32
    %dma_start3A_30 = arith.constant 0 : i32
    %dma_start3A_31 = tpu.memref_slice %arg14[%add3A_29, %dma_start3A_30] : memref<10112x128xf32, #tpu.memory_space<vmem_shared>> -> memref<80x128xf32, #tpu.memory_space<vmem_shared>>
    %dma_start3A_32 = arith.constant 0 : i32
    %dma_start3A_33 = tpu.memref_slice %arg14[%add3A_29, %dma_start3A_32] : memref<10112x128xf32, #tpu.memory_space<vmem_shared>> -> memref<80x128xf32, #tpu.memory_space<vmem_shared>>
    tpu.enqueue_dma source(%arg8 : memref<80x128xf32, #tpu.memory_space<vmem>>) target(%dma_start3A_33 : memref<80x128xf32, #tpu.memory_space<vmem_shared>>) target_semaphore(%arg12 : memref<!tpu.dma_semaphore, #tpu.memory_space<semaphore_mem>>)
    %add3A_34 = arith.constant 160 : i32
    %add3A_35 = arith.addi %mul3A_21, %add3A_34 : i32
    %dma_start3A_36 = arith.constant 0 : i32
    %dma_start3A_37 = tpu.memref_slice %arg14[%add3A_35, %dma_start3A_36] : memref<10112x128xf32, #tpu.memory_space<vmem_shared>> -> memref<80x128xf32, #tpu.memory_space<vmem_shared>>
    %dma_start3A_38 = arith.constant 0 : i32
    %dma_start3A_39 = tpu.memref_slice %arg14[%add3A_35, %dma_start3A_38] : memref<10112x128xf32, #tpu.memory_space<vmem_shared>> -> memref<80x128xf32, #tpu.memory_space<vmem_shared>>
    tpu.enqueue_dma source(%arg8 : memref<80x128xf32, #tpu.memory_space<vmem>>) target(%dma_start3A_39 : memref<80x128xf32, #tpu.memory_space<vmem_shared>>) target_semaphore(%arg12 : memref<!tpu.dma_semaphore, #tpu.memory_space<semaphore_mem>>)
    %add3A_40 = arith.constant 240 : i32
    %add3A_41 = arith.addi %mul3A_21, %add3A_40 : i32
    %dma_start3A_42 = arith.constant 0 : i32
    %dma_start3A_43 = tpu.memref_slice %arg14[%add3A_41, %dma_start3A_42] : memref<10112x128xf32, #tpu.memory_space<vmem_shared>> -> memref<80x128xf32, #tpu.memory_space<vmem_shared>>
    %dma_start3A_44 = arith.constant 0 : i32
    %dma_start3A_45 = tpu.memref_slice %arg14[%add3A_41, %dma_start3A_44] : memref<10112x128xf32, #tpu.memory_space<vmem_shared>> -> memref<80x128xf32, #tpu.memory_space<vmem_shared>>
    tpu.enqueue_dma source(%arg8 : memref<80x128xf32, #tpu.memory_space<vmem>>) target(%dma_start3A_45 : memref<80x128xf32, #tpu.memory_space<vmem_shared>>) target_semaphore(%arg12 : memref<!tpu.dma_semaphore, #tpu.memory_space<semaphore_mem>>)
    %add3A_46 = arith.constant 320 : i32
    %add3A_47 = arith.addi %mul3A_21, %add3A_46 : i32
    %dma_start3A_48 = arith.constant 0 : i32
    %dma_start3A_49 = tpu.memref_slice %arg14[%add3A_47, %dma_start3A_48] : memref<10112x128xf32, #tpu.memory_space<vmem_shared>> -> memref<80x128xf32, #tpu.memory_space<vmem_shared>>
    %dma_start3A_50 = arith.constant 0 : i32
    %dma_start3A_51 = tpu.memref_slice %arg14[%add3A_47, %dma_start3A_50] : memref<10112x128xf32, #tpu.memory_space<vmem_shared>> -> memref<80x128xf32, #tpu.memory_space<vmem_shared>>
    tpu.enqueue_dma source(%arg8 : memref<80x128xf32, #tpu.memory_space<vmem>>) target(%dma_start3A_51 : memref<80x128xf32, #tpu.memory_space<vmem_shared>>) target_semaphore(%arg12 : memref<!tpu.dma_semaphore, #tpu.memory_space<semaphore_mem>>)
    %add3A_52 = arith.constant 400 : i32
    %add3A_53 = arith.addi %mul3A_21, %add3A_52 : i32
    %dma_start3A_54 = arith.constant 0 : i32
    %dma_start3A_55 = tpu.memref_slice %arg14[%add3A_53, %dma_start3A_54] : memref<10112x128xf32, #tpu.memory_space<vmem_shared>> -> memref<80x128xf32, #tpu.memory_space<vmem_shared>>
    %dma_start3A_56 = arith.constant 0 : i32
    %dma_start3A_57 = tpu.memref_slice %arg14[%add3A_53, %dma_start3A_56] : memref<10112x128xf32, #tpu.memory_space<vmem_shared>> -> memref<80x128xf32, #tpu.memory_space<vmem_shared>>
    tpu.enqueue_dma source(%arg8 : memref<80x128xf32, #tpu.memory_space<vmem>>) target(%dma_start3A_57 : memref<80x128xf32, #tpu.memory_space<vmem_shared>>) target_semaphore(%arg12 : memref<!tpu.dma_semaphore, #tpu.memory_space<semaphore_mem>>)
    %add3A_58 = arith.constant 480 : i32
    %add3A_59 = arith.addi %mul3A_21, %add3A_58 : i32
    %dma_start3A_60 = arith.constant 0 : i32
    %dma_start3A_61 = tpu.memref_slice %arg14[%add3A_59, %dma_start3A_60] : memref<10112x128xf32, #tpu.memory_space<vmem_shared>> -> memref<80x128xf32, #tpu.memory_space<vmem_shared>>
    %dma_start3A_62 = arith.constant 0 : i32
    %dma_start3A_63 = tpu.memref_slice %arg14[%add3A_59, %dma_start3A_62] : memref<10112x128xf32, #tpu.memory_space<vmem_shared>> -> memref<80x128xf32, #tpu.memory_space<vmem_shared>>
    tpu.enqueue_dma source(%arg8 : memref<80x128xf32, #tpu.memory_space<vmem>>) target(%dma_start3A_63 : memref<80x128xf32, #tpu.memory_space<vmem_shared>>) target_semaphore(%arg12 : memref<!tpu.dma_semaphore, #tpu.memory_space<semaphore_mem>>)
    %add3A_64 = arith.constant 632 : i32
    %add3A_65 = arith.addi %mul3A_21, %add3A_64 : i32
    %sub3A = arith.constant 72 : i32
    %sub3A_66 = arith.subi %add3A_65, %sub3A : i32
    %dma_start3A_67 = arith.constant 0 : i32
    %dma_start3A_68 = arith.constant 0 : i32
    %dma_start3A_69 = tpu.memref_slice %arg8[%dma_start3A_67, %dma_start3A_68] : memref<80x128xf32, #tpu.memory_space<vmem>> -> memref<72x128xf32, #tpu.memory_space<vmem>>
    %dma_start3A_70 = arith.constant 0 : i32
    %dma_start3A_71 = tpu.memref_slice %arg14[%sub3A_66, %dma_start3A_70] : memref<10112x128xf32, #tpu.memory_space<vmem_shared>> -> memref<72x128xf32, #tpu.memory_space<vmem_shared>>
    %dma_start3A_72 = arith.constant 0 : i32
    %dma_start3A_73 = tpu.memref_slice %arg14[%sub3A_66, %dma_start3A_72] : memref<10112x128xf32, #tpu.memory_space<vmem_shared>> -> memref<72x128xf32, #tpu.memory_space<vmem_shared>>
    %dma_start3A_74 = arith.constant 0 : i32
    %dma_start3A_75 = arith.constant 0 : i32
    %dma_start3A_76 = tpu.memref_slice %arg8[%dma_start3A_74, %dma_start3A_75] : memref<80x128xf32, #tpu.memory_space<vmem>> -> memref<72x128xf32, #tpu.memory_space<vmem>>
    tpu.enqueue_dma source(%dma_start3A_76 : memref<72x128xf32, #tpu.memory_space<vmem>>) target(%dma_start3A_73 : memref<72x128xf32, #tpu.memory_space<vmem_shared>>) target_semaphore(%arg13 : memref<!tpu.dma_semaphore, #tpu.memory_space<semaphore_mem>>)
    %dma_wait3A = arith.constant 0 : i32
    %dma_wait3A_77 = tpu.memref_slice %arg3[%add3A, %dma_wait3A] : memref<32x10000xi32, #tpu.memory_space<hbm>> -> memref<1x10000xi32, #tpu.memory_space<hbm>>
    %dma_wait3A_78 = tpu.memref_squeeze %dma_wait3A_77 : memref<1x10000xi32, #tpu.memory_space<hbm>> -> memref<10000xi32, #tpu.memory_space<hbm>>
    %dma_wait3A_79 = arith.constant 0 : i32
    %dma_wait3A_80 = tpu.memref_slice %arg3[%add3A, %dma_wait3A_79] : memref<32x10000xi32, #tpu.memory_space<hbm>> -> memref<1x10000xi32, #tpu.memory_space<hbm>>
    %dma_wait3A_81 = tpu.memref_squeeze %dma_wait3A_80 : memref<1x10000xi32, #tpu.memory_space<hbm>> -> memref<10000xi32, #tpu.memory_space<hbm>>
    tpu.wait_dma2 semaphore(%arg10 : memref<!tpu.dma_semaphore, #tpu.memory_space<semaphore_mem>>) src(%dma_wait3A_81 : memref<10000xi32, #tpu.memory_space<hbm>>) dst(%arg6 : memref<10000xi32, #tpu.memory_space<vmem>>)
    %dma_wait3A_82 = arith.constant 0 : i32
    %dma_wait3A_83 = arith.constant 0 : i32
    %dma_wait3A_84 = tpu.memref_slice %arg4[%add3A, %dma_wait3A_82, %dma_wait3A_83] : memref<32x125x80xi32, #tpu.memory_space<hbm>> -> memref<1x125x80xi32, #tpu.memory_space<hbm>>
    %dma_wait3A_85 = tpu.memref_squeeze %dma_wait3A_84 : memref<1x125x80xi32, #tpu.memory_space<hbm>> -> memref<125x80xi32, #tpu.memory_space<hbm>>
    %dma_wait3A_86 = arith.constant 0 : i32
    %dma_wait3A_87 = arith.constant 0 : i32
    %dma_wait3A_88 = tpu.memref_slice %arg4[%add3A, %dma_wait3A_86, %dma_wait3A_87] : memref<32x125x80xi32, #tpu.memory_space<hbm>> -> memref<1x125x80xi32, #tpu.memory_space<hbm>>
    %dma_wait3A_89 = tpu.memref_squeeze %dma_wait3A_88 : memref<1x125x80xi32, #tpu.memory_space<hbm>> -> memref<125x80xi32, #tpu.memory_space<hbm>>
    tpu.wait_dma2 semaphore(%arg11 : memref<!tpu.dma_semaphore, #tpu.memory_space<semaphore_mem>>) src(%dma_wait3A_89 : memref<125x80xi32, #tpu.memory_space<hbm>>) dst(%arg7 : memref<125x80xi32, #tpu.memory_space<vmem>>)
    %dma_wait3A_90 = arith.constant 0 : i32
    %dma_wait3A_91 = tpu.memref_slice %arg14[%add3A_23, %dma_wait3A_90] : memref<10112x128xf32, #tpu.memory_space<vmem_shared>> -> memref<80x128xf32, #tpu.memory_space<vmem_shared>>
    %dma_wait3A_92 = arith.constant 0 : i32
    %dma_wait3A_93 = tpu.memref_slice %arg14[%add3A_23, %dma_wait3A_92] : memref<10112x128xf32, #tpu.memory_space<vmem_shared>> -> memref<80x128xf32, #tpu.memory_space<vmem_shared>>
    tpu.wait_dma2 semaphore(%arg12 : memref<!tpu.dma_semaphore, #tpu.memory_space<semaphore_mem>>) src(%arg8 : memref<80x128xf32, #tpu.memory_space<vmem>>) dst(%dma_wait3A_93 : memref<80x128xf32, #tpu.memory_space<vmem_shared>>)
    %dma_wait3A_94 = arith.constant 0 : i32
    %dma_wait3A_95 = tpu.memref_slice %arg14[%add3A_29, %dma_wait3A_94] : memref<10112x128xf32, #tpu.memory_space<vmem_shared>> -> memref<80x128xf32, #tpu.memory_space<vmem_shared>>
    %dma_wait3A_96 = arith.constant 0 : i32
    %dma_wait3A_97 = tpu.memref_slice %arg14[%add3A_29, %dma_wait3A_96] : memref<10112x128xf32, #tpu.memory_space<vmem_shared>> -> memref<80x128xf32, #tpu.memory_space<vmem_shared>>
    tpu.wait_dma2 semaphore(%arg12 : memref<!tpu.dma_semaphore, #tpu.memory_space<semaphore_mem>>) src(%arg8 : memref<80x128xf32, #tpu.memory_space<vmem>>) dst(%dma_wait3A_97 : memref<80x128xf32, #tpu.memory_space<vmem_shared>>)
    %dma_wait3A_98 = arith.constant 0 : i32
    %dma_wait3A_99 = tpu.memref_slice %arg14[%add3A_35, %dma_wait3A_98] : memref<10112x128xf32, #tpu.memory_space<vmem_shared>> -> memref<80x128xf32, #tpu.memory_space<vmem_shared>>
    %dma_wait3A_100 = arith.constant 0 : i32
    %dma_wait3A_101 = tpu.memref_slice %arg14[%add3A_35, %dma_wait3A_100] : memref<10112x128xf32, #tpu.memory_space<vmem_shared>> -> memref<80x128xf32, #tpu.memory_space<vmem_shared>>
    tpu.wait_dma2 semaphore(%arg12 : memref<!tpu.dma_semaphore, #tpu.memory_space<semaphore_mem>>) src(%arg8 : memref<80x128xf32, #tpu.memory_space<vmem>>) dst(%dma_wait3A_101 : memref<80x128xf32, #tpu.memory_space<vmem_shared>>)
    %dma_wait3A_102 = arith.constant 0 : i32
    %dma_wait3A_103 = tpu.memref_slice %arg14[%add3A_41, %dma_wait3A_102] : memref<10112x128xf32, #tpu.memory_space<vmem_shared>> -> memref<80x128xf32, #tpu.memory_space<vmem_shared>>
    %dma_wait3A_104 = arith.constant 0 : i32
    %dma_wait3A_105 = tpu.memref_slice %arg14[%add3A_41, %dma_wait3A_104] : memref<10112x128xf32, #tpu.memory_space<vmem_shared>> -> memref<80x128xf32, #tpu.memory_space<vmem_shared>>
    tpu.wait_dma2 semaphore(%arg12 : memref<!tpu.dma_semaphore, #tpu.memory_space<semaphore_mem>>) src(%arg8 : memref<80x128xf32, #tpu.memory_space<vmem>>) dst(%dma_wait3A_105 : memref<80x128xf32, #tpu.memory_space<vmem_shared>>)
    %dma_wait3A_106 = arith.constant 0 : i32
    %dma_wait3A_107 = tpu.memref_slice %arg14[%add3A_47, %dma_wait3A_106] : memref<10112x128xf32, #tpu.memory_space<vmem_shared>> -> memref<80x128xf32, #tpu.memory_space<vmem_shared>>
    %dma_wait3A_108 = arith.constant 0 : i32
    %dma_wait3A_109 = tpu.memref_slice %arg14[%add3A_47, %dma_wait3A_108] : memref<10112x128xf32, #tpu.memory_space<vmem_shared>> -> memref<80x128xf32, #tpu.memory_space<vmem_shared>>
    tpu.wait_dma2 semaphore(%arg12 : memref<!tpu.dma_semaphore, #tpu.memory_space<semaphore_mem>>) src(%arg8 : memref<80x128xf32, #tpu.memory_space<vmem>>) dst(%dma_wait3A_109 : memref<80x128xf32, #tpu.memory_space<vmem_shared>>)
    %dma_wait3A_110 = arith.constant 0 : i32
    %dma_wait3A_111 = tpu.memref_slice %arg14[%add3A_53, %dma_wait3A_110] : memref<10112x128xf32, #tpu.memory_space<vmem_shared>> -> memref<80x128xf32, #tpu.memory_space<vmem_shared>>
    %dma_wait3A_112 = arith.constant 0 : i32
    %dma_wait3A_113 = tpu.memref_slice %arg14[%add3A_53, %dma_wait3A_112] : memref<10112x128xf32, #tpu.memory_space<vmem_shared>> -> memref<80x128xf32, #tpu.memory_space<vmem_shared>>
    tpu.wait_dma2 semaphore(%arg12 : memref<!tpu.dma_semaphore, #tpu.memory_space<semaphore_mem>>) src(%arg8 : memref<80x128xf32, #tpu.memory_space<vmem>>) dst(%dma_wait3A_113 : memref<80x128xf32, #tpu.memory_space<vmem_shared>>)
    %dma_wait3A_114 = arith.constant 0 : i32
    %dma_wait3A_115 = tpu.memref_slice %arg14[%add3A_59, %dma_wait3A_114] : memref<10112x128xf32, #tpu.memory_space<vmem_shared>> -> memref<80x128xf32, #tpu.memory_space<vmem_shared>>
    %dma_wait3A_116 = arith.constant 0 : i32
    %dma_wait3A_117 = tpu.memref_slice %arg14[%add3A_59, %dma_wait3A_116] : memref<10112x128xf32, #tpu.memory_space<vmem_shared>> -> memref<80x128xf32, #tpu.memory_space<vmem_shared>>
    tpu.wait_dma2 semaphore(%arg12 : memref<!tpu.dma_semaphore, #tpu.memory_space<semaphore_mem>>) src(%arg8 : memref<80x128xf32, #tpu.memory_space<vmem>>) dst(%dma_wait3A_117 : memref<80x128xf32, #tpu.memory_space<vmem_shared>>)
    %dma_wait3A_118 = arith.constant 0 : i32
    %dma_wait3A_119 = arith.constant 0 : i32
    %dma_wait3A_120 = tpu.memref_slice %arg8[%dma_wait3A_118, %dma_wait3A_119] : memref<80x128xf32, #tpu.memory_space<vmem>> -> memref<72x128xf32, #tpu.memory_space<vmem>>
    %dma_wait3A_121 = arith.constant 0 : i32
    %dma_wait3A_122 = tpu.memref_slice %arg14[%sub3A_66, %dma_wait3A_121] : memref<10112x128xf32, #tpu.memory_space<vmem_shared>> -> memref<72x128xf32, #tpu.memory_space<vmem_shared>>
    %dma_wait3A_123 = arith.constant 0 : i32
    %dma_wait3A_124 = tpu.memref_slice %arg14[%sub3A_66, %dma_wait3A_123] : memref<10112x128xf32, #tpu.memory_space<vmem_shared>> -> memref<72x128xf32, #tpu.memory_space<vmem_shared>>
    %dma_wait3A_125 = arith.constant 0 : i32
    %dma_wait3A_126 = arith.constant 0 : i32
    %dma_wait3A_127 = tpu.memref_slice %arg8[%dma_wait3A_125, %dma_wait3A_126] : memref<80x128xf32, #tpu.memory_space<vmem>> -> memref<72x128xf32, #tpu.memory_space<vmem>>
    tpu.wait_dma2 semaphore(%arg13 : memref<!tpu.dma_semaphore, #tpu.memory_space<semaphore_mem>>) src(%dma_wait3A_127 : memref<72x128xf32, #tpu.memory_space<vmem>>) dst(%dma_wait3A_124 : memref<72x128xf32, #tpu.memory_space<vmem_shared>>)
    %barrier3A = arith.constant 0 : index
    tpu.barrier barrier_id(%barrier3A)
    %multiple_of3A = arith.constant 0 : i32
    %multiple_of3A_128 = tpu.assume_multiple %multiple_of3A, 80 : i32
    %dma_start3A_129 = tpu.memref_slice %arg6[%multiple_of3A_128] : memref<10000xi32, #tpu.memory_space<vmem>> -> memref<80xi32, #tpu.memory_space<vmem>>
    %dma_start3A_130 = arith.constant 0 : i32
    %dma_start3A_131 = arith.constant 0 : i32
    %dma_start3A_132 = tpu.memref_slice %arg2[%dma_start3A_130, %dma_start3A_131] : memref<10000x128xf32, #tpu.memory_space<hbm>> -> memref<10000x128xf32, #tpu.memory_space<hbm>>
    tpu.enqueue_indirect_dma source(%dma_start3A_132 : memref<10000x128xf32, #tpu.memory_space<hbm>>) target(%arg8 : memref<80x128xf32, #tpu.memory_space<vmem>>) offsets(%dma_start3A_129 : memref<80xi32, #tpu.memory_space<vmem>>) semaphore(%arg10 : memref<!tpu.dma_semaphore, #tpu.memory_space<semaphore_mem>>)
    %multiple_of3A_133 = arith.constant 80 : i32
    %multiple_of3A_134 = tpu.assume_multiple %multiple_of3A_133, 80 : i32
    %dma_start3A_135 = tpu.memref_slice %arg6[%multiple_of3A_134] : memref<10000xi32, #tpu.memory_space<vmem>> -> memref<80xi32, #tpu.memory_space<vmem>>
    %dma_start3A_136 = arith.constant 0 : i32
    %dma_start3A_137 = arith.constant 0 : i32
    %dma_start3A_138 = tpu.memref_slice %arg2[%dma_start3A_136, %dma_start3A_137] : memref<10000x128xf32, #tpu.memory_space<hbm>> -> memref<10000x128xf32, #tpu.memory_space<hbm>>
    tpu.enqueue_indirect_dma source(%dma_start3A_138 : memref<10000x128xf32, #tpu.memory_space<hbm>>) target(%arg9 : memref<80x128xf32, #tpu.memory_space<vmem>>) offsets(%dma_start3A_135 : memref<80xi32, #tpu.memory_space<vmem>>) semaphore(%arg11 : memref<!tpu.dma_semaphore, #tpu.memory_space<semaphore_mem>>)
    %dma_wait3A_139 = arith.constant 0 : i32
    %dma_wait3A_140 = arith.constant 0 : i32
    %dma_wait3A_141 = tpu.memref_slice %arg2[%dma_wait3A_139, %dma_wait3A_140] : memref<10000x128xf32, #tpu.memory_space<hbm>> -> memref<80x128xf32, #tpu.memory_space<hbm>>
    %dma_wait3A_142 = arith.constant 0 : i32
    %dma_wait3A_143 = arith.constant 0 : i32
    %dma_wait3A_144 = tpu.memref_slice %arg2[%dma_wait3A_142, %dma_wait3A_143] : memref<10000x128xf32, #tpu.memory_space<hbm>> -> memref<80x128xf32, #tpu.memory_space<hbm>>
    tpu.wait_dma2 semaphore(%arg10 : memref<!tpu.dma_semaphore, #tpu.memory_space<semaphore_mem>>) src(%dma_wait3A_144 : memref<80x128xf32, #tpu.memory_space<hbm>>) dst(%arg8 : memref<80x128xf32, #tpu.memory_space<vmem>>)
    %dma_start3A_145 = arith.constant 0 : i32
    %dma_start3A_146 = arith.constant 0 : i32
    %dma_start3A_147 = tpu.memref_slice %arg7[%dma_start3A_145, %dma_start3A_146] : memref<125x80xi32, #tpu.memory_space<vmem>> -> memref<1x80xi32, #tpu.memory_space<vmem>>
    %dma_start3A_148 = tpu.memref_squeeze %dma_start3A_147 : memref<1x80xi32, #tpu.memory_space<vmem>> -> memref<80xi32, #tpu.memory_space<vmem>>
    %dma_start3A_149 = arith.constant 0 : i32
    %dma_start3A_150 = arith.constant 0 : i32
    %dma_start3A_151 = tpu.memref_slice %arg14[%dma_start3A_149, %dma_start3A_150] : memref<10112x128xf32, #tpu.memory_space<vmem_shared>> -> memref<10112x128xf32, #tpu.memory_space<vmem_shared>>
    tpu.enqueue_indirect_dma source(%arg8 : memref<80x128xf32, #tpu.memory_space<vmem>>) target(%dma_start3A_151 : memref<10112x128xf32, #tpu.memory_space<vmem_shared>>) offsets(%dma_start3A_148 : memref<80xi32, #tpu.memory_space<vmem>>) semaphore(%arg12 : memref<!tpu.dma_semaphore, #tpu.memory_space<semaphore_mem>>) {add = true}
    %scan3A_152 = arith.constant 0 : i32
    %scan3A_153 = arith.constant 0 : i32
    %scan3A_154 = arith.constant 61 : i32
    %scan3A_155 = arith.addi %scan3A_153, %scan3A_154 : i32
    %scan3A_156 = arith.constant 1 : i32
    scf.for %scan3A_184 = %scan3A_153 to %scan3A_155 step %scan3A_156  : i32 {
      %mul3A_185 = arith.constant 2 : i32
      %mul3A_186 = arith.muli %mul3A_185, %scan3A_184 : i32
      %add3A_187 = arith.constant 1 : i32
      %add3A_188 = arith.addi %add3A_187, %mul3A_186 : i32
      %dma_wait3A_189 = arith.constant 0 : i32
      %dma_wait3A_190 = arith.constant 0 : i32
      %dma_wait3A_191 = tpu.memref_slice %arg2[%dma_wait3A_189, %dma_wait3A_190] : memref<10000x128xf32, #tpu.memory_space<hbm>> -> memref<80x128xf32, #tpu.memory_space<hbm>>
      %dma_wait3A_192 = arith.constant 0 : i32
      %dma_wait3A_193 = arith.constant 0 : i32
      %dma_wait3A_194 = tpu.memref_slice %arg2[%dma_wait3A_192, %dma_wait3A_193] : memref<10000x128xf32, #tpu.memory_space<hbm>> -> memref<80x128xf32, #tpu.memory_space<hbm>>
      tpu.wait_dma2 semaphore(%arg12 : memref<!tpu.dma_semaphore, #tpu.memory_space<semaphore_mem>>) src(%dma_wait3A_194 : memref<80x128xf32, #tpu.memory_space<hbm>>) dst(%arg8 : memref<80x128xf32, #tpu.memory_space<vmem>>)
      %add3A_195 = arith.constant 1 : i32
      %add3A_196 = arith.addi %add3A_188, %add3A_195 : i32
      %mul3A_197 = arith.constant 80 : i32
      %mul3A_198 = arith.muli %add3A_196, %mul3A_197 : i32
      %multiple_of3A_199 = tpu.assume_multiple %mul3A_198, 80 : i32
      %dma_start3A_200 = tpu.memref_slice %arg6[%multiple_of3A_199] : memref<10000xi32, #tpu.memory_space<vmem>> -> memref<80xi32, #tpu.memory_space<vmem>>
      %dma_start3A_201 = arith.constant 0 : i32
      %dma_start3A_202 = arith.constant 0 : i32
      %dma_start3A_203 = tpu.memref_slice %arg2[%dma_start3A_201, %dma_start3A_202] : memref<10000x128xf32, #tpu.memory_space<hbm>> -> memref<10000x128xf32, #tpu.memory_space<hbm>>
      tpu.enqueue_indirect_dma source(%dma_start3A_203 : memref<10000x128xf32, #tpu.memory_space<hbm>>) target(%arg8 : memref<80x128xf32, #tpu.memory_space<vmem>>) offsets(%dma_start3A_200 : memref<80xi32, #tpu.memory_space<vmem>>) semaphore(%arg10 : memref<!tpu.dma_semaphore, #tpu.memory_space<semaphore_mem>>)
      %dma_wait3A_204 = arith.constant 0 : i32
      %dma_wait3A_205 = arith.constant 0 : i32
      %dma_wait3A_206 = tpu.memref_slice %arg2[%dma_wait3A_204, %dma_wait3A_205] : memref<10000x128xf32, #tpu.memory_space<hbm>> -> memref<80x128xf32, #tpu.memory_space<hbm>>
      %dma_wait3A_207 = arith.constant 0 : i32
      %dma_wait3A_208 = arith.constant 0 : i32
      %dma_wait3A_209 = tpu.memref_slice %arg2[%dma_wait3A_207, %dma_wait3A_208] : memref<10000x128xf32, #tpu.memory_space<hbm>> -> memref<80x128xf32, #tpu.memory_space<hbm>>
      tpu.wait_dma2 semaphore(%arg11 : memref<!tpu.dma_semaphore, #tpu.memory_space<semaphore_mem>>) src(%dma_wait3A_209 : memref<80x128xf32, #tpu.memory_space<hbm>>) dst(%arg9 : memref<80x128xf32, #tpu.memory_space<vmem>>)
      %dma_start3A_210 = arith.constant 0 : i32
      %dma_start3A_211 = tpu.memref_slice %arg7[%add3A_188, %dma_start3A_210] : memref<125x80xi32, #tpu.memory_space<vmem>> -> memref<1x80xi32, #tpu.memory_space<vmem>>
      %dma_start3A_212 = tpu.memref_squeeze %dma_start3A_211 : memref<1x80xi32, #tpu.memory_space<vmem>> -> memref<80xi32, #tpu.memory_space<vmem>>
      %dma_start3A_213 = arith.constant 0 : i32
      %dma_start3A_214 = arith.constant 0 : i32
      %dma_start3A_215 = tpu.memref_slice %arg14[%dma_start3A_213, %dma_start3A_214] : memref<10112x128xf32, #tpu.memory_space<vmem_shared>> -> memref<10112x128xf32, #tpu.memory_space<vmem_shared>>
      tpu.enqueue_indirect_dma source(%arg9 : memref<80x128xf32, #tpu.memory_space<vmem>>) target(%dma_start3A_215 : memref<10112x128xf32, #tpu.memory_space<vmem_shared>>) offsets(%dma_start3A_212 : memref<80xi32, #tpu.memory_space<vmem>>) semaphore(%arg13 : memref<!tpu.dma_semaphore, #tpu.memory_space<semaphore_mem>>) {add = true}
      %add3A_216 = arith.constant 1 : i32
      %add3A_217 = arith.addi %add3A_188, %add3A_216 : i32
      %dma_wait3A_218 = arith.constant 0 : i32
      %dma_wait3A_219 = arith.constant 0 : i32
      %dma_wait3A_220 = tpu.memref_slice %arg2[%dma_wait3A_218, %dma_wait3A_219] : memref<10000x128xf32, #tpu.memory_space<hbm>> -> memref<80x128xf32, #tpu.memory_space<hbm>>
      %dma_wait3A_221 = arith.constant 0 : i32
      %dma_wait3A_222 = arith.constant 0 : i32
      %dma_wait3A_223 = tpu.memref_slice %arg2[%dma_wait3A_221, %dma_wait3A_222] : memref<10000x128xf32, #tpu.memory_space<hbm>> -> memref<80x128xf32, #tpu.memory_space<hbm>>
      tpu.wait_dma2 semaphore(%arg13 : memref<!tpu.dma_semaphore, #tpu.memory_space<semaphore_mem>>) src(%dma_wait3A_223 : memref<80x128xf32, #tpu.memory_space<hbm>>) dst(%arg9 : memref<80x128xf32, #tpu.memory_space<vmem>>)
      %add3A_224 = arith.constant 1 : i32
      %add3A_225 = arith.addi %add3A_217, %add3A_224 : i32
      %mul3A_226 = arith.constant 80 : i32
      %mul3A_227 = arith.muli %add3A_225, %mul3A_226 : i32
      %multiple_of3A_228 = tpu.assume_multiple %mul3A_227, 80 : i32
      %dma_start3A_229 = tpu.memref_slice %arg6[%multiple_of3A_228] : memref<10000xi32, #tpu.memory_space<vmem>> -> memref<80xi32, #tpu.memory_space<vmem>>
      %dma_start3A_230 = arith.constant 0 : i32
      %dma_start3A_231 = arith.constant 0 : i32
      %dma_start3A_232 = tpu.memref_slice %arg2[%dma_start3A_230, %dma_start3A_231] : memref<10000x128xf32, #tpu.memory_space<hbm>> -> memref<10000x128xf32, #tpu.memory_space<hbm>>
      tpu.enqueue_indirect_dma source(%dma_start3A_232 : memref<10000x128xf32, #tpu.memory_space<hbm>>) target(%arg9 : memref<80x128xf32, #tpu.memory_space<vmem>>) offsets(%dma_start3A_229 : memref<80xi32, #tpu.memory_space<vmem>>) semaphore(%arg11 : memref<!tpu.dma_semaphore, #tpu.memory_space<semaphore_mem>>)
      %dma_wait3A_233 = arith.constant 0 : i32
      %dma_wait3A_234 = arith.constant 0 : i32
      %dma_wait3A_235 = tpu.memref_slice %arg2[%dma_wait3A_233, %dma_wait3A_234] : memref<10000x128xf32, #tpu.memory_space<hbm>> -> memref<80x128xf32, #tpu.memory_space<hbm>>
      %dma_wait3A_236 = arith.constant 0 : i32
      %dma_wait3A_237 = arith.constant 0 : i32
      %dma_wait3A_238 = tpu.memref_slice %arg2[%dma_wait3A_236, %dma_wait3A_237] : memref<10000x128xf32, #tpu.memory_space<hbm>> -> memref<80x128xf32, #tpu.memory_space<hbm>>
      tpu.wait_dma2 semaphore(%arg10 : memref<!tpu.dma_semaphore, #tpu.memory_space<semaphore_mem>>) src(%dma_wait3A_238 : memref<80x128xf32, #tpu.memory_space<hbm>>) dst(%arg8 : memref<80x128xf32, #tpu.memory_space<vmem>>)
      %dma_start3A_239 = arith.constant 0 : i32
      %dma_start3A_240 = tpu.memref_slice %arg7[%add3A_217, %dma_start3A_239] : memref<125x80xi32, #tpu.memory_space<vmem>> -> memref<1x80xi32, #tpu.memory_space<vmem>>
      %dma_start3A_241 = tpu.memref_squeeze %dma_start3A_240 : memref<1x80xi32, #tpu.memory_space<vmem>> -> memref<80xi32, #tpu.memory_space<vmem>>
      %dma_start3A_242 = arith.constant 0 : i32
      %dma_start3A_243 = arith.constant 0 : i32
      %dma_start3A_244 = tpu.memref_slice %arg14[%dma_start3A_242, %dma_start3A_243] : memref<10112x128xf32, #tpu.memory_space<vmem_shared>> -> memref<10112x128xf32, #tpu.memory_space<vmem_shared>>
      tpu.enqueue_indirect_dma source(%arg8 : memref<80x128xf32, #tpu.memory_space<vmem>>) target(%dma_start3A_244 : memref<10112x128xf32, #tpu.memory_space<vmem_shared>>) offsets(%dma_start3A_241 : memref<80xi32, #tpu.memory_space<vmem>>) semaphore(%arg12 : memref<!tpu.dma_semaphore, #tpu.memory_space<semaphore_mem>>) {add = true}
    }
    %scan3A_157 = arith.constant 61 : i32
    %dma_wait3A_158 = arith.constant 0 : i32
    %dma_wait3A_159 = arith.constant 0 : i32
    %dma_wait3A_160 = tpu.memref_slice %arg2[%dma_wait3A_158, %dma_wait3A_159] : memref<10000x128xf32, #tpu.memory_space<hbm>> -> memref<80x128xf32, #tpu.memory_space<hbm>>
    %dma_wait3A_161 = arith.constant 0 : i32
    %dma_wait3A_162 = arith.constant 0 : i32
    %dma_wait3A_163 = tpu.memref_slice %arg2[%dma_wait3A_161, %dma_wait3A_162] : memref<10000x128xf32, #tpu.memory_space<hbm>> -> memref<80x128xf32, #tpu.memory_space<hbm>>
    tpu.wait_dma2 semaphore(%arg11 : memref<!tpu.dma_semaphore, #tpu.memory_space<semaphore_mem>>) src(%dma_wait3A_163 : memref<80x128xf32, #tpu.memory_space<hbm>>) dst(%arg9 : memref<80x128xf32, #tpu.memory_space<vmem>>)
    %dma_start3A_164 = arith.constant 124 : i32
    %dma_start3A_165 = arith.constant 0 : i32
    %dma_start3A_166 = tpu.memref_slice %arg7[%dma_start3A_164, %dma_start3A_165] : memref<125x80xi32, #tpu.memory_space<vmem>> -> memref<1x80xi32, #tpu.memory_space<vmem>>
    %dma_start3A_167 = tpu.memref_squeeze %dma_start3A_166 : memref<1x80xi32, #tpu.memory_space<vmem>> -> memref<80xi32, #tpu.memory_space<vmem>>
    %dma_start3A_168 = arith.constant 0 : i32
    %dma_start3A_169 = arith.constant 0 : i32
    %dma_start3A_170 = tpu.memref_slice %arg14[%dma_start3A_168, %dma_start3A_169] : memref<10112x128xf32, #tpu.memory_space<vmem_shared>> -> memref<10112x128xf32, #tpu.memory_space<vmem_shared>>
    tpu.enqueue_indirect_dma source(%arg9 : memref<80x128xf32, #tpu.memory_space<vmem>>) target(%dma_start3A_170 : memref<10112x128xf32, #tpu.memory_space<vmem_shared>>) offsets(%dma_start3A_167 : memref<80xi32, #tpu.memory_space<vmem>>) semaphore(%arg13 : memref<!tpu.dma_semaphore, #tpu.memory_space<semaphore_mem>>) {add = true}
    %dma_wait3A_171 = arith.constant 0 : i32
    %dma_wait3A_172 = arith.constant 0 : i32
    %dma_wait3A_173 = tpu.memref_slice %arg2[%dma_wait3A_171, %dma_wait3A_172] : memref<10000x128xf32, #tpu.memory_space<hbm>> -> memref<80x128xf32, #tpu.memory_space<hbm>>
    %dma_wait3A_174 = arith.constant 0 : i32
    %dma_wait3A_175 = arith.constant 0 : i32
    %dma_wait3A_176 = tpu.memref_slice %arg2[%dma_wait3A_174, %dma_wait3A_175] : memref<10000x128xf32, #tpu.memory_space<hbm>> -> memref<80x128xf32, #tpu.memory_space<hbm>>
    tpu.wait_dma2 semaphore(%arg12 : memref<!tpu.dma_semaphore, #tpu.memory_space<semaphore_mem>>) src(%dma_wait3A_176 : memref<80x128xf32, #tpu.memory_space<hbm>>) dst(%arg8 : memref<80x128xf32, #tpu.memory_space<vmem>>)
    %dma_wait3A_177 = arith.constant 0 : i32
    %dma_wait3A_178 = arith.constant 0 : i32
    %dma_wait3A_179 = tpu.memref_slice %arg2[%dma_wait3A_177, %dma_wait3A_178] : memref<10000x128xf32, #tpu.memory_space<hbm>> -> memref<80x128xf32, #tpu.memory_space<hbm>>
    %dma_wait3A_180 = arith.constant 0 : i32
    %dma_wait3A_181 = arith.constant 0 : i32
    %dma_wait3A_182 = tpu.memref_slice %arg2[%dma_wait3A_180, %dma_wait3A_181] : memref<10000x128xf32, #tpu.memory_space<hbm>> -> memref<80x128xf32, #tpu.memory_space<hbm>>
    tpu.wait_dma2 semaphore(%arg13 : memref<!tpu.dma_semaphore, #tpu.memory_space<semaphore_mem>>) src(%dma_wait3A_182 : memref<80x128xf32, #tpu.memory_space<hbm>>) dst(%arg9 : memref<80x128xf32, #tpu.memory_space<vmem>>)
    %barrier3A_183 = arith.constant 0 : index
    tpu.barrier barrier_id(%barrier3A_183)
    "tpu.region"() ({
      %run_scoped3A = tpu.sem_alloc : memref<!tpu.dma_semaphore, #tpu.memory_space<semaphore_mem>>
      %dma_start3A_184 = arith.constant 0 : i32
      %dma_start3A_185 = tpu.memref_slice %arg5[%arg0, %mul3A_21, %dma_start3A_184] : memref<2x10112x128xf32, #tpu.memory_space<hbm>> -> memref<1x632x128xf32, #tpu.memory_space<hbm>>
      %dma_start3A_186 = tpu.memref_squeeze %dma_start3A_185 : memref<1x632x128xf32, #tpu.memory_space<hbm>> -> memref<632x128xf32, #tpu.memory_space<hbm>>
      %dma_start3A_187 = arith.constant 0 : i32
      %dma_start3A_188 = tpu.memref_slice %arg14[%mul3A_21, %dma_start3A_187] : memref<10112x128xf32, #tpu.memory_space<vmem_shared>> -> memref<632x128xf32, #tpu.memory_space<vmem_shared>>
      tpu.enqueue_dma source(%dma_start3A_188 : memref<632x128xf32, #tpu.memory_space<vmem_shared>>) target(%dma_start3A_186 : memref<632x128xf32, #tpu.memory_space<hbm>>) target_semaphore(%run_scoped3A : memref<!tpu.dma_semaphore, #tpu.memory_space<semaphore_mem>>)
      %dma_wait3A_189 = arith.constant 0 : i32
      %dma_wait3A_190 = tpu.memref_slice %arg5[%arg0, %mul3A_21, %dma_wait3A_189] : memref<2x10112x128xf32, #tpu.memory_space<hbm>> -> memref<1x632x128xf32, #tpu.memory_space<hbm>>
      %dma_wait3A_191 = tpu.memref_squeeze %dma_wait3A_190 : memref<1x632x128xf32, #tpu.memory_space<hbm>> -> memref<632x128xf32, #tpu.memory_space<hbm>>
      %dma_wait3A_192 = arith.constant 0 : i32
      %dma_wait3A_193 = tpu.memref_slice %arg14[%mul3A_21, %dma_wait3A_192] : memref<10112x128xf32, #tpu.memory_space<vmem_shared>> -> memref<632x128xf32, #tpu.memory_space<vmem_shared>>
      tpu.wait_dma2 semaphore(%run_scoped3A : memref<!tpu.dma_semaphore, #tpu.memory_space<semaphore_mem>>) src(%dma_wait3A_193 : memref<632x128xf32, #tpu.memory_space<vmem_shared>>) dst(%dma_wait3A_191 : memref<632x128xf32, #tpu.memory_space<hbm>>)
      tpu.yield
    }) : () -> ()
    return
  }
}

#map = affine_map<(d0, d1) -> (0, 0)>
#map1 = affine_map<(d0, d1) -> (0, 0, 0)>
module attributes {stable_mosaic.version = 14 : i64} {
  func.func @_seg_sum(%arg0: i32, %arg1: i32, %arg2: memref<10000x128xf32, #tpu.memory_space<hbm>>, %arg3: memref<32x10000xi32, #tpu.memory_space<hbm>>, %arg4: memref<32x125x80xi32, #tpu.memory_space<hbm>>, %arg5: memref<2x10112x128xf32, #tpu.memory_space<hbm>>, %arg6: memref<10000xi32, #tpu.memory_space<vmem>>, %arg7: memref<125x80xi32, #tpu.memory_space<vmem>>, %arg8: memref<80x128xf32, #tpu.memory_space<vmem>>, %arg9: memref<80x128xf32, #tpu.memory_space<vmem>>, %arg10: memref<!tpu.dma_semaphore, #tpu.memory_space<semaphore_mem>>, %arg11: memref<!tpu.dma_semaphore, #tpu.memory_space<semaphore_mem>>, %arg12: memref<!tpu.dma_semaphore, #tpu.memory_space<semaphore_mem>>, %arg13: memref<!tpu.dma_semaphore, #tpu.memory_space<semaphore_mem>>, %arg14: memref<10112x128xf32, #tpu.memory_space<vmem_shared>>) attributes {dimension_semantics = [#tpu.dimension_semantics<core_parallel>, #tpu.dimension_semantics<subcore_parallel>], iteration_bounds = array<i64: 2, 16>, scalar_prefetch = 0 : i64, scratch_operands = 9 : i64, tpu.core_type = #tpu.core_type<sc_vector_subcore>, window_params = [{transform_indices = #map}, {transform_indices = #map}, {transform_indices = #map1}, {transform_indices = #map1}]} {
    %mul3A = arith.constant 2 : i32
    %mul3A_0 = arith.muli %arg1, %mul3A : i32
    %add3A = arith.addi %mul3A_0, %arg0 : i32
    %broadcast_in_dim3A = arith.constant 0.000000e+00 : f32
    %broadcast_in_dim3A_1 = vector.broadcast %broadcast_in_dim3A : f32 to vector<16xf32>
    %scan3A = arith.constant 0 : i32
    %scan3A_2 = arith.constant 0 : i32
    %scan3A_3 = arith.constant 80 : i32
    %scan3A_4 = arith.addi %scan3A_2, %scan3A_3 : i32
    %scan3A_5 = arith.constant 1 : i32
    scf.for %scan3A_184 = %scan3A_2 to %scan3A_4 step %scan3A_5  : i32 {
      %swap3A = arith.index_cast %scan3A_184 : i32 to index
      %swap3A_185 = arith.constant 0 : index
      %swap3A_186 = tpu.vector_load %arg8[%swap3A, %swap3A_185] {strides = array<i32>} : memref<80x128xf32, #tpu.memory_space<vmem>>, vector<1x16xf32>,
      %swap3A_187 = vector.shape_cast %swap3A_186 : vector<1x16xf32> to vector<16xf32>
      %swap3A_188 = vector.shape_cast %broadcast_in_dim3A_1 : vector<16xf32> to vector<1x16xf32>
      tpu.vector_store %arg8[%swap3A, %swap3A_185], %swap3A_188 {strides = array<i32>} : memref<80x128xf32, #tpu.memory_space<vmem>>, vector<1x16xf32>,
      %swap3A_189 = arith.index_cast %scan3A_184 : i32 to index
      %swap3A_190 = arith.constant 16 : index
      %swap3A_191 = tpu.vector_load %arg8[%swap3A_189, %swap3A_190] {strides = array<i32>} : memref<80x128xf32, #tpu.memory_space<vmem>>, vector<1x16xf32>,
      %swap3A_192 = vector.shape_cast %swap3A_191 : vector<1x16xf32> to vector<16xf32>
      %swap3A_193 = vector.shape_cast %broadcast_in_dim3A_1 : vector<16xf32> to vector<1x16xf32>
      tpu.vector_store %arg8[%swap3A_189, %swap3A_190], %swap3A_193 {strides = array<i32>} : memref<80x128xf32, #tpu.memory_space<vmem>>, vector<1x16xf32>,
      %swap3A_194 = arith.index_cast %scan3A_184 : i32 to index
      %swap3A_195 = arith.constant 32 : index
      %swap3A_196 = tpu.vector_load %arg8[%swap3A_194, %swap3A_195] {strides = array<i32>} : memref<80x128xf32, #tpu.memory_space<vmem>>, vector<1x16xf32>,
      %swap3A_197 = vector.shape_cast %swap3A_196 : vector<1x16xf32> to vector<16xf32>
      %swap3A_198 = vector.shape_cast %broadcast_in_dim3A_1 : vector<16xf32> to vector<1x16xf32>
      tpu.vector_store %arg8[%swap3A_194, %swap3A_195], %swap3A_198 {strides = array<i32>} : memref<80x128xf32, #tpu.memory_space<vmem>>, vector<1x16xf32>,
      %swap3A_199 = arith.index_cast %scan3A_184 : i32 to index
      %swap3A_200 = arith.constant 48 : index
      %swap3A_201 = tpu.vector_load %arg8[%swap3A_199, %swap3A_200] {strides = array<i32>} : memref<80x128xf32, #tpu.memory_space<vmem>>, vector<1x16xf32>,
      %swap3A_202 = vector.shape_cast %swap3A_201 : vector<1x16xf32> to vector<16xf32>
      %swap3A_203 = vector.shape_cast %broadcast_in_dim3A_1 : vector<16xf32> to vector<1x16xf32>
      tpu.vector_store %arg8[%swap3A_199, %swap3A_200], %swap3A_203 {strides = array<i32>} : memref<80x128xf32, #tpu.memory_space<vmem>>, vector<1x16xf32>,
      %swap3A_204 = arith.index_cast %scan3A_184 : i32 to index
      %swap3A_205 = arith.constant 64 : index
      %swap3A_206 = tpu.vector_load %arg8[%swap3A_204, %swap3A_205] {strides = array<i32>} : memref<80x128xf32, #tpu.memory_space<vmem>>, vector<1x16xf32>,
      %swap3A_207 = vector.shape_cast %swap3A_206 : vector<1x16xf32> to vector<16xf32>
      %swap3A_208 = vector.shape_cast %broadcast_in_dim3A_1 : vector<16xf32> to vector<1x16xf32>
      tpu.vector_store %arg8[%swap3A_204, %swap3A_205], %swap3A_208 {strides = array<i32>} : memref<80x128xf32, #tpu.memory_space<vmem>>, vector<1x16xf32>,
      %swap3A_209 = arith.index_cast %scan3A_184 : i32 to index
      %swap3A_210 = arith.constant 80 : index
      %swap3A_211 = tpu.vector_load %arg8[%swap3A_209, %swap3A_210] {strides = array<i32>} : memref<80x128xf32, #tpu.memory_space<vmem>>, vector<1x16xf32>,
      %swap3A_212 = vector.shape_cast %swap3A_211 : vector<1x16xf32> to vector<16xf32>
      %swap3A_213 = vector.shape_cast %broadcast_in_dim3A_1 : vector<16xf32> to vector<1x16xf32>
      tpu.vector_store %arg8[%swap3A_209, %swap3A_210], %swap3A_213 {strides = array<i32>} : memref<80x128xf32, #tpu.memory_space<vmem>>, vector<1x16xf32>,
      %swap3A_214 = arith.index_cast %scan3A_184 : i32 to index
      %swap3A_215 = arith.constant 96 : index
      %swap3A_216 = tpu.vector_load %arg8[%swap3A_214, %swap3A_215] {strides = array<i32>} : memref<80x128xf32, #tpu.memory_space<vmem>>, vector<1x16xf32>,
      %swap3A_217 = vector.shape_cast %swap3A_216 : vector<1x16xf32> to vector<16xf32>
      %swap3A_218 = vector.shape_cast %broadcast_in_dim3A_1 : vector<16xf32> to vector<1x16xf32>
      tpu.vector_store %arg8[%swap3A_214, %swap3A_215], %swap3A_218 {strides = array<i32>} : memref<80x128xf32, #tpu.memory_space<vmem>>, vector<1x16xf32>,
      %swap3A_219 = arith.index_cast %scan3A_184 : i32 to index
      %swap3A_220 = arith.constant 112 : index
      %swap3A_221 = tpu.vector_load %arg8[%swap3A_219, %swap3A_220] {strides = array<i32>} : memref<80x128xf32, #tpu.memory_space<vmem>>, vector<1x16xf32>,
      %swap3A_222 = vector.shape_cast %swap3A_221 : vector<1x16xf32> to vector<16xf32>
      %swap3A_223 = vector.shape_cast %broadcast_in_dim3A_1 : vector<16xf32> to vector<1x16xf32>
      tpu.vector_store %arg8[%swap3A_219, %swap3A_220], %swap3A_223 {strides = array<i32>} : memref<80x128xf32, #tpu.memory_space<vmem>>, vector<1x16xf32>,
    }
    %scan3A_6 = arith.constant 80 : i32
    %dma_start3A = arith.constant 0 : i32
    %dma_start3A_7 = tpu.memref_slice %arg3[%add3A, %dma_start3A] : memref<32x10000xi32, #tpu.memory_space<hbm>> -> memref<1x10000xi32, #tpu.memory_space<hbm>>
    %dma_start3A_8 = tpu.memref_squeeze %dma_start3A_7 : memref<1x10000xi32, #tpu.memory_space<hbm>> -> memref<10000xi32, #tpu.memory_space<hbm>>
    %dma_start3A_9 = arith.constant 0 : i32
    %dma_start3A_10 = tpu.memref_slice %arg3[%add3A, %dma_start3A_9] : memref<32x10000xi32, #tpu.memory_space<hbm>> -> memref<1x10000xi32, #tpu.memory_space<hbm>>
    %dma_start3A_11 = tpu.memref_squeeze %dma_start3A_10 : memref<1x10000xi32, #tpu.memory_space<hbm>> -> memref<10000xi32, #tpu.memory_space<hbm>>
    tpu.enqueue_dma source(%dma_start3A_11 : memref<10000xi32, #tpu.memory_space<hbm>>) target(%arg6 : memref<10000xi32, #tpu.memory_space<vmem>>) target_semaphore(%arg10 : memref<!tpu.dma_semaphore, #tpu.memory_space<semaphore_mem>>)
    %dma_start3A_12 = arith.constant 0 : i32
    %dma_start3A_13 = arith.constant 0 : i32
    %dma_start3A_14 = tpu.memref_slice %arg4[%add3A, %dma_start3A_12, %dma_start3A_13] : memref<32x125x80xi32, #tpu.memory_space<hbm>> -> memref<1x125x80xi32, #tpu.memory_space<hbm>>
    %dma_start3A_15 = tpu.memref_squeeze %dma_start3A_14 : memref<1x125x80xi32, #tpu.memory_space<hbm>> -> memref<125x80xi32, #tpu.memory_space<hbm>>
    %dma_start3A_16 = arith.constant 0 : i32
    %dma_start3A_17 = arith.constant 0 : i32
    %dma_start3A_18 = tpu.memref_slice %arg4[%add3A, %dma_start3A_16, %dma_start3A_17] : memref<32x125x80xi32, #tpu.memory_space<hbm>> -> memref<1x125x80xi32, #tpu.memory_space<hbm>>
    %dma_start3A_19 = tpu.memref_squeeze %dma_start3A_18 : memref<1x125x80xi32, #tpu.memory_space<hbm>> -> memref<125x80xi32, #tpu.memory_space<hbm>>
    tpu.enqueue_dma source(%dma_start3A_19 : memref<125x80xi32, #tpu.memory_space<hbm>>) target(%arg7 : memref<125x80xi32, #tpu.memory_space<vmem>>) target_semaphore(%arg11 : memref<!tpu.dma_semaphore, #tpu.memory_space<semaphore_mem>>)
    %mul3A_20 = arith.constant 632 : i32
    %mul3A_21 = arith.muli %arg1, %mul3A_20 : i32
    %add3A_22 = arith.constant 0 : i32
    %add3A_23 = arith.addi %mul3A_21, %add3A_22 : i32
    %dma_start3A_24 = arith.constant 0 : i32
    %dma_start3A_25 = tpu.memref_slice %arg14[%add3A_23, %dma_start3A_24] : memref<10112x128xf32, #tpu.memory_space<vmem_shared>> -> memref<80x128xf32, #tpu.memory_space<vmem_shared>>
    %dma_start3A_26 = arith.constant 0 : i32
    %dma_start3A_27 = tpu.memref_slice %arg14[%add3A_23, %dma_start3A_26] : memref<10112x128xf32, #tpu.memory_space<vmem_shared>> -> memref<80x128xf32, #tpu.memory_space<vmem_shared>>
    tpu.enqueue_dma source(%arg8 : memref<80x128xf32, #tpu.memory_space<vmem>>) target(%dma_start3A_27 : memref<80x128xf32, #tpu.memory_space<vmem_shared>>) target_semaphore(%arg12 : memref<!tpu.dma_semaphore, #tpu.memory_space<semaphore_mem>>)
    %add3A_28 = arith.constant 80 : i32
    %add3A_29 = arith.addi %mul3A_21, %add3A_28 : i32
    %dma_start3A_30 = arith.constant 0 : i32
    %dma_start3A_31 = tpu.memref_slice %arg14[%add3A_29, %dma_start3A_30] : memref<10112x128xf32, #tpu.memory_space<vmem_shared>> -> memref<80x128xf32, #tpu.memory_space<vmem_shared>>
    %dma_start3A_32 = arith.constant 0 : i32
    %dma_start3A_33 = tpu.memref_slice %arg14[%add3A_29, %dma_start3A_32] : memref<10112x128xf32, #tpu.memory_space<vmem_shared>> -> memref<80x128xf32, #tpu.memory_space<vmem_shared>>
    tpu.enqueue_dma source(%arg8 : memref<80x128xf32, #tpu.memory_space<vmem>>) target(%dma_start3A_33 : memref<80x128xf32, #tpu.memory_space<vmem_shared>>) target_semaphore(%arg12 : memref<!tpu.dma_semaphore, #tpu.memory_space<semaphore_mem>>)
    %add3A_34 = arith.constant 160 : i32
    %add3A_35 = arith.addi %mul3A_21, %add3A_34 : i32
    %dma_start3A_36 = arith.constant 0 : i32
    %dma_start3A_37 = tpu.memref_slice %arg14[%add3A_35, %dma_start3A_36] : memref<10112x128xf32, #tpu.memory_space<vmem_shared>> -> memref<80x128xf32, #tpu.memory_space<vmem_shared>>
    %dma_start3A_38 = arith.constant 0 : i32
    %dma_start3A_39 = tpu.memref_slice %arg14[%add3A_35, %dma_start3A_38] : memref<10112x128xf32, #tpu.memory_space<vmem_shared>> -> memref<80x128xf32, #tpu.memory_space<vmem_shared>>
    tpu.enqueue_dma source(%arg8 : memref<80x128xf32, #tpu.memory_space<vmem>>) target(%dma_start3A_39 : memref<80x128xf32, #tpu.memory_space<vmem_shared>>) target_semaphore(%arg12 : memref<!tpu.dma_semaphore, #tpu.memory_space<semaphore_mem>>)
    %add3A_40 = arith.constant 240 : i32
    %add3A_41 = arith.addi %mul3A_21, %add3A_40 : i32
    %dma_start3A_42 = arith.constant 0 : i32
    %dma_start3A_43 = tpu.memref_slice %arg14[%add3A_41, %dma_start3A_42] : memref<10112x128xf32, #tpu.memory_space<vmem_shared>> -> memref<80x128xf32, #tpu.memory_space<vmem_shared>>
    %dma_start3A_44 = arith.constant 0 : i32
    %dma_start3A_45 = tpu.memref_slice %arg14[%add3A_41, %dma_start3A_44] : memref<10112x128xf32, #tpu.memory_space<vmem_shared>> -> memref<80x128xf32, #tpu.memory_space<vmem_shared>>
    tpu.enqueue_dma source(%arg8 : memref<80x128xf32, #tpu.memory_space<vmem>>) target(%dma_start3A_45 : memref<80x128xf32, #tpu.memory_space<vmem_shared>>) target_semaphore(%arg12 : memref<!tpu.dma_semaphore, #tpu.memory_space<semaphore_mem>>)
    %add3A_46 = arith.constant 320 : i32
    %add3A_47 = arith.addi %mul3A_21, %add3A_46 : i32
    %dma_start3A_48 = arith.constant 0 : i32
    %dma_start3A_49 = tpu.memref_slice %arg14[%add3A_47, %dma_start3A_48] : memref<10112x128xf32, #tpu.memory_space<vmem_shared>> -> memref<80x128xf32, #tpu.memory_space<vmem_shared>>
    %dma_start3A_50 = arith.constant 0 : i32
    %dma_start3A_51 = tpu.memref_slice %arg14[%add3A_47, %dma_start3A_50] : memref<10112x128xf32, #tpu.memory_space<vmem_shared>> -> memref<80x128xf32, #tpu.memory_space<vmem_shared>>
    tpu.enqueue_dma source(%arg8 : memref<80x128xf32, #tpu.memory_space<vmem>>) target(%dma_start3A_51 : memref<80x128xf32, #tpu.memory_space<vmem_shared>>) target_semaphore(%arg12 : memref<!tpu.dma_semaphore, #tpu.memory_space<semaphore_mem>>)
    %add3A_52 = arith.constant 400 : i32
    %add3A_53 = arith.addi %mul3A_21, %add3A_52 : i32
    %dma_start3A_54 = arith.constant 0 : i32
    %dma_start3A_55 = tpu.memref_slice %arg14[%add3A_53, %dma_start3A_54] : memref<10112x128xf32, #tpu.memory_space<vmem_shared>> -> memref<80x128xf32, #tpu.memory_space<vmem_shared>>
    %dma_start3A_56 = arith.constant 0 : i32
    %dma_start3A_57 = tpu.memref_slice %arg14[%add3A_53, %dma_start3A_56] : memref<10112x128xf32, #tpu.memory_space<vmem_shared>> -> memref<80x128xf32, #tpu.memory_space<vmem_shared>>
    tpu.enqueue_dma source(%arg8 : memref<80x128xf32, #tpu.memory_space<vmem>>) target(%dma_start3A_57 : memref<80x128xf32, #tpu.memory_space<vmem_shared>>) target_semaphore(%arg12 : memref<!tpu.dma_semaphore, #tpu.memory_space<semaphore_mem>>)
    %add3A_58 = arith.constant 480 : i32
    %add3A_59 = arith.addi %mul3A_21, %add3A_58 : i32
    %dma_start3A_60 = arith.constant 0 : i32
    %dma_start3A_61 = tpu.memref_slice %arg14[%add3A_59, %dma_start3A_60] : memref<10112x128xf32, #tpu.memory_space<vmem_shared>> -> memref<80x128xf32, #tpu.memory_space<vmem_shared>>
    %dma_start3A_62 = arith.constant 0 : i32
    %dma_start3A_63 = tpu.memref_slice %arg14[%add3A_59, %dma_start3A_62] : memref<10112x128xf32, #tpu.memory_space<vmem_shared>> -> memref<80x128xf32, #tpu.memory_space<vmem_shared>>
    tpu.enqueue_dma source(%arg8 : memref<80x128xf32, #tpu.memory_space<vmem>>) target(%dma_start3A_63 : memref<80x128xf32, #tpu.memory_space<vmem_shared>>) target_semaphore(%arg12 : memref<!tpu.dma_semaphore, #tpu.memory_space<semaphore_mem>>)
    %add3A_64 = arith.constant 632 : i32
    %add3A_65 = arith.addi %mul3A_21, %add3A_64 : i32
    %sub3A = arith.constant 72 : i32
    %sub3A_66 = arith.subi %add3A_65, %sub3A : i32
    %dma_start3A_67 = arith.constant 0 : i32
    %dma_start3A_68 = arith.constant 0 : i32
    %dma_start3A_69 = tpu.memref_slice %arg8[%dma_start3A_67, %dma_start3A_68] : memref<80x128xf32, #tpu.memory_space<vmem>> -> memref<72x128xf32, #tpu.memory_space<vmem>>
    %dma_start3A_70 = arith.constant 0 : i32
    %dma_start3A_71 = tpu.memref_slice %arg14[%sub3A_66, %dma_start3A_70] : memref<10112x128xf32, #tpu.memory_space<vmem_shared>> -> memref<72x128xf32, #tpu.memory_space<vmem_shared>>
    %dma_start3A_72 = arith.constant 0 : i32
    %dma_start3A_73 = tpu.memref_slice %arg14[%sub3A_66, %dma_start3A_72] : memref<10112x128xf32, #tpu.memory_space<vmem_shared>> -> memref<72x128xf32, #tpu.memory_space<vmem_shared>>
    %dma_start3A_74 = arith.constant 0 : i32
    %dma_start3A_75 = arith.constant 0 : i32
    %dma_start3A_76 = tpu.memref_slice %arg8[%dma_start3A_74, %dma_start3A_75] : memref<80x128xf32, #tpu.memory_space<vmem>> -> memref<72x128xf32, #tpu.memory_space<vmem>>
    tpu.enqueue_dma source(%dma_start3A_76 : memref<72x128xf32, #tpu.memory_space<vmem>>) target(%dma_start3A_73 : memref<72x128xf32, #tpu.memory_space<vmem_shared>>) target_semaphore(%arg13 : memref<!tpu.dma_semaphore, #tpu.memory_space<semaphore_mem>>)
    %dma_wait3A = arith.constant 0 : i32
    %dma_wait3A_77 = tpu.memref_slice %arg3[%add3A, %dma_wait3A] : memref<32x10000xi32, #tpu.memory_space<hbm>> -> memref<1x10000xi32, #tpu.memory_space<hbm>>
    %dma_wait3A_78 = tpu.memref_squeeze %dma_wait3A_77 : memref<1x10000xi32, #tpu.memory_space<hbm>> -> memref<10000xi32, #tpu.memory_space<hbm>>
    %dma_wait3A_79 = arith.constant 0 : i32
    %dma_wait3A_80 = tpu.memref_slice %arg3[%add3A, %dma_wait3A_79] : memref<32x10000xi32, #tpu.memory_space<hbm>> -> memref<1x10000xi32, #tpu.memory_space<hbm>>
    %dma_wait3A_81 = tpu.memref_squeeze %dma_wait3A_80 : memref<1x10000xi32, #tpu.memory_space<hbm>> -> memref<10000xi32, #tpu.memory_space<hbm>>
    tpu.wait_dma2 semaphore(%arg10 : memref<!tpu.dma_semaphore, #tpu.memory_space<semaphore_mem>>) src(%dma_wait3A_81 : memref<10000xi32, #tpu.memory_space<hbm>>) dst(%arg6 : memref<10000xi32, #tpu.memory_space<vmem>>)
    %dma_wait3A_82 = arith.constant 0 : i32
    %dma_wait3A_83 = arith.constant 0 : i32
    %dma_wait3A_84 = tpu.memref_slice %arg4[%add3A, %dma_wait3A_82, %dma_wait3A_83] : memref<32x125x80xi32, #tpu.memory_space<hbm>> -> memref<1x125x80xi32, #tpu.memory_space<hbm>>
    %dma_wait3A_85 = tpu.memref_squeeze %dma_wait3A_84 : memref<1x125x80xi32, #tpu.memory_space<hbm>> -> memref<125x80xi32, #tpu.memory_space<hbm>>
    %dma_wait3A_86 = arith.constant 0 : i32
    %dma_wait3A_87 = arith.constant 0 : i32
    %dma_wait3A_88 = tpu.memref_slice %arg4[%add3A, %dma_wait3A_86, %dma_wait3A_87] : memref<32x125x80xi32, #tpu.memory_space<hbm>> -> memref<1x125x80xi32, #tpu.memory_space<hbm>>
    %dma_wait3A_89 = tpu.memref_squeeze %dma_wait3A_88 : memref<1x125x80xi32, #tpu.memory_space<hbm>> -> memref<125x80xi32, #tpu.memory_space<hbm>>
    tpu.wait_dma2 semaphore(%arg11 : memref<!tpu.dma_semaphore, #tpu.memory_space<semaphore_mem>>) src(%dma_wait3A_89 : memref<125x80xi32, #tpu.memory_space<hbm>>) dst(%arg7 : memref<125x80xi32, #tpu.memory_space<vmem>>)
    %dma_wait3A_90 = arith.constant 0 : i32
    %dma_wait3A_91 = tpu.memref_slice %arg14[%add3A_23, %dma_wait3A_90] : memref<10112x128xf32, #tpu.memory_space<vmem_shared>> -> memref<80x128xf32, #tpu.memory_space<vmem_shared>>
    %dma_wait3A_92 = arith.constant 0 : i32
    %dma_wait3A_93 = tpu.memref_slice %arg14[%add3A_23, %dma_wait3A_92] : memref<10112x128xf32, #tpu.memory_space<vmem_shared>> -> memref<80x128xf32, #tpu.memory_space<vmem_shared>>
    tpu.wait_dma2 semaphore(%arg12 : memref<!tpu.dma_semaphore, #tpu.memory_space<semaphore_mem>>) src(%arg8 : memref<80x128xf32, #tpu.memory_space<vmem>>) dst(%dma_wait3A_93 : memref<80x128xf32, #tpu.memory_space<vmem_shared>>)
    %dma_wait3A_94 = arith.constant 0 : i32
    %dma_wait3A_95 = tpu.memref_slice %arg14[%add3A_29, %dma_wait3A_94] : memref<10112x128xf32, #tpu.memory_space<vmem_shared>> -> memref<80x128xf32, #tpu.memory_space<vmem_shared>>
    %dma_wait3A_96 = arith.constant 0 : i32
    %dma_wait3A_97 = tpu.memref_slice %arg14[%add3A_29, %dma_wait3A_96] : memref<10112x128xf32, #tpu.memory_space<vmem_shared>> -> memref<80x128xf32, #tpu.memory_space<vmem_shared>>
    tpu.wait_dma2 semaphore(%arg12 : memref<!tpu.dma_semaphore, #tpu.memory_space<semaphore_mem>>) src(%arg8 : memref<80x128xf32, #tpu.memory_space<vmem>>) dst(%dma_wait3A_97 : memref<80x128xf32, #tpu.memory_space<vmem_shared>>)
    %dma_wait3A_98 = arith.constant 0 : i32
    %dma_wait3A_99 = tpu.memref_slice %arg14[%add3A_35, %dma_wait3A_98] : memref<10112x128xf32, #tpu.memory_space<vmem_shared>> -> memref<80x128xf32, #tpu.memory_space<vmem_shared>>
    %dma_wait3A_100 = arith.constant 0 : i32
    %dma_wait3A_101 = tpu.memref_slice %arg14[%add3A_35, %dma_wait3A_100] : memref<10112x128xf32, #tpu.memory_space<vmem_shared>> -> memref<80x128xf32, #tpu.memory_space<vmem_shared>>
    tpu.wait_dma2 semaphore(%arg12 : memref<!tpu.dma_semaphore, #tpu.memory_space<semaphore_mem>>) src(%arg8 : memref<80x128xf32, #tpu.memory_space<vmem>>) dst(%dma_wait3A_101 : memref<80x128xf32, #tpu.memory_space<vmem_shared>>)
    %dma_wait3A_102 = arith.constant 0 : i32
    %dma_wait3A_103 = tpu.memref_slice %arg14[%add3A_41, %dma_wait3A_102] : memref<10112x128xf32, #tpu.memory_space<vmem_shared>> -> memref<80x128xf32, #tpu.memory_space<vmem_shared>>
    %dma_wait3A_104 = arith.constant 0 : i32
    %dma_wait3A_105 = tpu.memref_slice %arg14[%add3A_41, %dma_wait3A_104] : memref<10112x128xf32, #tpu.memory_space<vmem_shared>> -> memref<80x128xf32, #tpu.memory_space<vmem_shared>>
    tpu.wait_dma2 semaphore(%arg12 : memref<!tpu.dma_semaphore, #tpu.memory_space<semaphore_mem>>) src(%arg8 : memref<80x128xf32, #tpu.memory_space<vmem>>) dst(%dma_wait3A_105 : memref<80x128xf32, #tpu.memory_space<vmem_shared>>)
    %dma_wait3A_106 = arith.constant 0 : i32
    %dma_wait3A_107 = tpu.memref_slice %arg14[%add3A_47, %dma_wait3A_106] : memref<10112x128xf32, #tpu.memory_space<vmem_shared>> -> memref<80x128xf32, #tpu.memory_space<vmem_shared>>
    %dma_wait3A_108 = arith.constant 0 : i32
    %dma_wait3A_109 = tpu.memref_slice %arg14[%add3A_47, %dma_wait3A_108] : memref<10112x128xf32, #tpu.memory_space<vmem_shared>> -> memref<80x128xf32, #tpu.memory_space<vmem_shared>>
    tpu.wait_dma2 semaphore(%arg12 : memref<!tpu.dma_semaphore, #tpu.memory_space<semaphore_mem>>) src(%arg8 : memref<80x128xf32, #tpu.memory_space<vmem>>) dst(%dma_wait3A_109 : memref<80x128xf32, #tpu.memory_space<vmem_shared>>)
    %dma_wait3A_110 = arith.constant 0 : i32
    %dma_wait3A_111 = tpu.memref_slice %arg14[%add3A_53, %dma_wait3A_110] : memref<10112x128xf32, #tpu.memory_space<vmem_shared>> -> memref<80x128xf32, #tpu.memory_space<vmem_shared>>
    %dma_wait3A_112 = arith.constant 0 : i32
    %dma_wait3A_113 = tpu.memref_slice %arg14[%add3A_53, %dma_wait3A_112] : memref<10112x128xf32, #tpu.memory_space<vmem_shared>> -> memref<80x128xf32, #tpu.memory_space<vmem_shared>>
    tpu.wait_dma2 semaphore(%arg12 : memref<!tpu.dma_semaphore, #tpu.memory_space<semaphore_mem>>) src(%arg8 : memref<80x128xf32, #tpu.memory_space<vmem>>) dst(%dma_wait3A_113 : memref<80x128xf32, #tpu.memory_space<vmem_shared>>)
    %dma_wait3A_114 = arith.constant 0 : i32
    %dma_wait3A_115 = tpu.memref_slice %arg14[%add3A_59, %dma_wait3A_114] : memref<10112x128xf32, #tpu.memory_space<vmem_shared>> -> memref<80x128xf32, #tpu.memory_space<vmem_shared>>
    %dma_wait3A_116 = arith.constant 0 : i32
    %dma_wait3A_117 = tpu.memref_slice %arg14[%add3A_59, %dma_wait3A_116] : memref<10112x128xf32, #tpu.memory_space<vmem_shared>> -> memref<80x128xf32, #tpu.memory_space<vmem_shared>>
    tpu.wait_dma2 semaphore(%arg12 : memref<!tpu.dma_semaphore, #tpu.memory_space<semaphore_mem>>) src(%arg8 : memref<80x128xf32, #tpu.memory_space<vmem>>) dst(%dma_wait3A_117 : memref<80x128xf32, #tpu.memory_space<vmem_shared>>)
    %dma_wait3A_118 = arith.constant 0 : i32
    %dma_wait3A_119 = arith.constant 0 : i32
    %dma_wait3A_120 = tpu.memref_slice %arg8[%dma_wait3A_118, %dma_wait3A_119] : memref<80x128xf32, #tpu.memory_space<vmem>> -> memref<72x128xf32, #tpu.memory_space<vmem>>
    %dma_wait3A_121 = arith.constant 0 : i32
    %dma_wait3A_122 = tpu.memref_slice %arg14[%sub3A_66, %dma_wait3A_121] : memref<10112x128xf32, #tpu.memory_space<vmem_shared>> -> memref<72x128xf32, #tpu.memory_space<vmem_shared>>
    %dma_wait3A_123 = arith.constant 0 : i32
    %dma_wait3A_124 = tpu.memref_slice %arg14[%sub3A_66, %dma_wait3A_123] : memref<10112x128xf32, #tpu.memory_space<vmem_shared>> -> memref<72x128xf32, #tpu.memory_space<vmem_shared>>
    %dma_wait3A_125 = arith.constant 0 : i32
    %dma_wait3A_126 = arith.constant 0 : i32
    %dma_wait3A_127 = tpu.memref_slice %arg8[%dma_wait3A_125, %dma_wait3A_126] : memref<80x128xf32, #tpu.memory_space<vmem>> -> memref<72x128xf32, #tpu.memory_space<vmem>>
    tpu.wait_dma2 semaphore(%arg13 : memref<!tpu.dma_semaphore, #tpu.memory_space<semaphore_mem>>) src(%dma_wait3A_127 : memref<72x128xf32, #tpu.memory_space<vmem>>) dst(%dma_wait3A_124 : memref<72x128xf32, #tpu.memory_space<vmem_shared>>)
    %barrier3A = arith.constant 0 : index
    tpu.barrier barrier_id(%barrier3A)
    %multiple_of3A = arith.constant 0 : i32
    %multiple_of3A_128 = tpu.assume_multiple %multiple_of3A, 80 : i32
    %dma_start3A_129 = tpu.memref_slice %arg6[%multiple_of3A_128] : memref<10000xi32, #tpu.memory_space<vmem>> -> memref<80xi32, #tpu.memory_space<vmem>>
    %dma_start3A_130 = arith.constant 0 : i32
    %dma_start3A_131 = arith.constant 0 : i32
    %dma_start3A_132 = tpu.memref_slice %arg2[%dma_start3A_130, %dma_start3A_131] : memref<10000x128xf32, #tpu.memory_space<hbm>> -> memref<10000x128xf32, #tpu.memory_space<hbm>>
    tpu.enqueue_indirect_dma source(%dma_start3A_132 : memref<10000x128xf32, #tpu.memory_space<hbm>>) target(%arg8 : memref<80x128xf32, #tpu.memory_space<vmem>>) offsets(%dma_start3A_129 : memref<80xi32, #tpu.memory_space<vmem>>) semaphore(%arg10 : memref<!tpu.dma_semaphore, #tpu.memory_space<semaphore_mem>>)
    %multiple_of3A_133 = arith.constant 80 : i32
    %multiple_of3A_134 = tpu.assume_multiple %multiple_of3A_133, 80 : i32
    %dma_start3A_135 = tpu.memref_slice %arg6[%multiple_of3A_134] : memref<10000xi32, #tpu.memory_space<vmem>> -> memref<80xi32, #tpu.memory_space<vmem>>
    %dma_start3A_136 = arith.constant 0 : i32
    %dma_start3A_137 = arith.constant 0 : i32
    %dma_start3A_138 = tpu.memref_slice %arg2[%dma_start3A_136, %dma_start3A_137] : memref<10000x128xf32, #tpu.memory_space<hbm>> -> memref<10000x128xf32, #tpu.memory_space<hbm>>
    tpu.enqueue_indirect_dma source(%dma_start3A_138 : memref<10000x128xf32, #tpu.memory_space<hbm>>) target(%arg9 : memref<80x128xf32, #tpu.memory_space<vmem>>) offsets(%dma_start3A_135 : memref<80xi32, #tpu.memory_space<vmem>>) semaphore(%arg11 : memref<!tpu.dma_semaphore, #tpu.memory_space<semaphore_mem>>)
    %dma_wait3A_139 = arith.constant 0 : i32
    %dma_wait3A_140 = arith.constant 0 : i32
    %dma_wait3A_141 = tpu.memref_slice %arg2[%dma_wait3A_139, %dma_wait3A_140] : memref<10000x128xf32, #tpu.memory_space<hbm>> -> memref<80x128xf32, #tpu.memory_space<hbm>>
    %dma_wait3A_142 = arith.constant 0 : i32
    %dma_wait3A_143 = arith.constant 0 : i32
    %dma_wait3A_144 = tpu.memref_slice %arg2[%dma_wait3A_142, %dma_wait3A_143] : memref<10000x128xf32, #tpu.memory_space<hbm>> -> memref<80x128xf32, #tpu.memory_space<hbm>>
    tpu.wait_dma2 semaphore(%arg10 : memref<!tpu.dma_semaphore, #tpu.memory_space<semaphore_mem>>) src(%dma_wait3A_144 : memref<80x128xf32, #tpu.memory_space<hbm>>) dst(%arg8 : memref<80x128xf32, #tpu.memory_space<vmem>>)
    %dma_start3A_145 = arith.constant 0 : i32
    %dma_start3A_146 = arith.constant 0 : i32
    %dma_start3A_147 = tpu.memref_slice %arg7[%dma_start3A_145, %dma_start3A_146] : memref<125x80xi32, #tpu.memory_space<vmem>> -> memref<1x80xi32, #tpu.memory_space<vmem>>
    %dma_start3A_148 = tpu.memref_squeeze %dma_start3A_147 : memref<1x80xi32, #tpu.memory_space<vmem>> -> memref<80xi32, #tpu.memory_space<vmem>>
    %dma_start3A_149 = arith.constant 0 : i32
    %dma_start3A_150 = arith.constant 0 : i32
    %dma_start3A_151 = tpu.memref_slice %arg14[%dma_start3A_149, %dma_start3A_150] : memref<10112x128xf32, #tpu.memory_space<vmem_shared>> -> memref<10112x128xf32, #tpu.memory_space<vmem_shared>>
    tpu.enqueue_indirect_dma source(%arg8 : memref<80x128xf32, #tpu.memory_space<vmem>>) target(%dma_start3A_151 : memref<10112x128xf32, #tpu.memory_space<vmem_shared>>) offsets(%dma_start3A_148 : memref<80xi32, #tpu.memory_space<vmem>>) semaphore(%arg12 : memref<!tpu.dma_semaphore, #tpu.memory_space<semaphore_mem>>) {add = true}
    %scan3A_152 = arith.constant 0 : i32
    %scan3A_153 = arith.constant 0 : i32
    %scan3A_154 = arith.constant 61 : i32
    %scan3A_155 = arith.addi %scan3A_153, %scan3A_154 : i32
    %scan3A_156 = arith.constant 1 : i32
    scf.for %scan3A_184 = %scan3A_153 to %scan3A_155 step %scan3A_156  : i32 {
      %mul3A_185 = arith.constant 2 : i32
      %mul3A_186 = arith.muli %mul3A_185, %scan3A_184 : i32
      %add3A_187 = arith.constant 1 : i32
      %add3A_188 = arith.addi %add3A_187, %mul3A_186 : i32
      %dma_wait3A_189 = arith.constant 0 : i32
      %dma_wait3A_190 = arith.constant 0 : i32
      %dma_wait3A_191 = tpu.memref_slice %arg2[%dma_wait3A_189, %dma_wait3A_190] : memref<10000x128xf32, #tpu.memory_space<hbm>> -> memref<80x128xf32, #tpu.memory_space<hbm>>
      %dma_wait3A_192 = arith.constant 0 : i32
      %dma_wait3A_193 = arith.constant 0 : i32
      %dma_wait3A_194 = tpu.memref_slice %arg2[%dma_wait3A_192, %dma_wait3A_193] : memref<10000x128xf32, #tpu.memory_space<hbm>> -> memref<80x128xf32, #tpu.memory_space<hbm>>
      tpu.wait_dma2 semaphore(%arg12 : memref<!tpu.dma_semaphore, #tpu.memory_space<semaphore_mem>>) src(%dma_wait3A_194 : memref<80x128xf32, #tpu.memory_space<hbm>>) dst(%arg8 : memref<80x128xf32, #tpu.memory_space<vmem>>)
      %add3A_195 = arith.constant 1 : i32
      %add3A_196 = arith.addi %add3A_188, %add3A_195 : i32
      %mul3A_197 = arith.constant 80 : i32
      %mul3A_198 = arith.muli %add3A_196, %mul3A_197 : i32
      %multiple_of3A_199 = tpu.assume_multiple %mul3A_198, 80 : i32
      %dma_start3A_200 = tpu.memref_slice %arg6[%multiple_of3A_199] : memref<10000xi32, #tpu.memory_space<vmem>> -> memref<80xi32, #tpu.memory_space<vmem>>
      %dma_start3A_201 = arith.constant 0 : i32
      %dma_start3A_202 = arith.constant 0 : i32
      %dma_start3A_203 = tpu.memref_slice %arg2[%dma_start3A_201, %dma_start3A_202] : memref<10000x128xf32, #tpu.memory_space<hbm>> -> memref<10000x128xf32, #tpu.memory_space<hbm>>
      tpu.enqueue_indirect_dma source(%dma_start3A_203 : memref<10000x128xf32, #tpu.memory_space<hbm>>) target(%arg8 : memref<80x128xf32, #tpu.memory_space<vmem>>) offsets(%dma_start3A_200 : memref<80xi32, #tpu.memory_space<vmem>>) semaphore(%arg10 : memref<!tpu.dma_semaphore, #tpu.memory_space<semaphore_mem>>)
      %dma_wait3A_204 = arith.constant 0 : i32
      %dma_wait3A_205 = arith.constant 0 : i32
      %dma_wait3A_206 = tpu.memref_slice %arg2[%dma_wait3A_204, %dma_wait3A_205] : memref<10000x128xf32, #tpu.memory_space<hbm>> -> memref<80x128xf32, #tpu.memory_space<hbm>>
      %dma_wait3A_207 = arith.constant 0 : i32
      %dma_wait3A_208 = arith.constant 0 : i32
      %dma_wait3A_209 = tpu.memref_slice %arg2[%dma_wait3A_207, %dma_wait3A_208] : memref<10000x128xf32, #tpu.memory_space<hbm>> -> memref<80x128xf32, #tpu.memory_space<hbm>>
      tpu.wait_dma2 semaphore(%arg11 : memref<!tpu.dma_semaphore, #tpu.memory_space<semaphore_mem>>) src(%dma_wait3A_209 : memref<80x128xf32, #tpu.memory_space<hbm>>) dst(%arg9 : memref<80x128xf32, #tpu.memory_space<vmem>>)
      %dma_start3A_210 = arith.constant 0 : i32
      %dma_start3A_211 = tpu.memref_slice %arg7[%add3A_188, %dma_start3A_210] : memref<125x80xi32, #tpu.memory_space<vmem>> -> memref<1x80xi32, #tpu.memory_space<vmem>>
      %dma_start3A_212 = tpu.memref_squeeze %dma_start3A_211 : memref<1x80xi32, #tpu.memory_space<vmem>> -> memref<80xi32, #tpu.memory_space<vmem>>
      %dma_start3A_213 = arith.constant 0 : i32
      %dma_start3A_214 = arith.constant 0 : i32
      %dma_start3A_215 = tpu.memref_slice %arg14[%dma_start3A_213, %dma_start3A_214] : memref<10112x128xf32, #tpu.memory_space<vmem_shared>> -> memref<10112x128xf32, #tpu.memory_space<vmem_shared>>
      tpu.enqueue_indirect_dma source(%arg9 : memref<80x128xf32, #tpu.memory_space<vmem>>) target(%dma_start3A_215 : memref<10112x128xf32, #tpu.memory_space<vmem_shared>>) offsets(%dma_start3A_212 : memref<80xi32, #tpu.memory_space<vmem>>) semaphore(%arg13 : memref<!tpu.dma_semaphore, #tpu.memory_space<semaphore_mem>>) {add = true}
      %add3A_216 = arith.constant 1 : i32
      %add3A_217 = arith.addi %add3A_188, %add3A_216 : i32
      %dma_wait3A_218 = arith.constant 0 : i32
      %dma_wait3A_219 = arith.constant 0 : i32
      %dma_wait3A_220 = tpu.memref_slice %arg2[%dma_wait3A_218, %dma_wait3A_219] : memref<10000x128xf32, #tpu.memory_space<hbm>> -> memref<80x128xf32, #tpu.memory_space<hbm>>
      %dma_wait3A_221 = arith.constant 0 : i32
      %dma_wait3A_222 = arith.constant 0 : i32
      %dma_wait3A_223 = tpu.memref_slice %arg2[%dma_wait3A_221, %dma_wait3A_222] : memref<10000x128xf32, #tpu.memory_space<hbm>> -> memref<80x128xf32, #tpu.memory_space<hbm>>
      tpu.wait_dma2 semaphore(%arg13 : memref<!tpu.dma_semaphore, #tpu.memory_space<semaphore_mem>>) src(%dma_wait3A_223 : memref<80x128xf32, #tpu.memory_space<hbm>>) dst(%arg9 : memref<80x128xf32, #tpu.memory_space<vmem>>)
      %add3A_224 = arith.constant 1 : i32
      %add3A_225 = arith.addi %add3A_217, %add3A_224 : i32
      %mul3A_226 = arith.constant 80 : i32
      %mul3A_227 = arith.muli %add3A_225, %mul3A_226 : i32
      %multiple_of3A_228 = tpu.assume_multiple %mul3A_227, 80 : i32
      %dma_start3A_229 = tpu.memref_slice %arg6[%multiple_of3A_228] : memref<10000xi32, #tpu.memory_space<vmem>> -> memref<80xi32, #tpu.memory_space<vmem>>
      %dma_start3A_230 = arith.constant 0 : i32
      %dma_start3A_231 = arith.constant 0 : i32
      %dma_start3A_232 = tpu.memref_slice %arg2[%dma_start3A_230, %dma_start3A_231] : memref<10000x128xf32, #tpu.memory_space<hbm>> -> memref<10000x128xf32, #tpu.memory_space<hbm>>
      tpu.enqueue_indirect_dma source(%dma_start3A_232 : memref<10000x128xf32, #tpu.memory_space<hbm>>) target(%arg9 : memref<80x128xf32, #tpu.memory_space<vmem>>) offsets(%dma_start3A_229 : memref<80xi32, #tpu.memory_space<vmem>>) semaphore(%arg11 : memref<!tpu.dma_semaphore, #tpu.memory_space<semaphore_mem>>)
      %dma_wait3A_233 = arith.constant 0 : i32
      %dma_wait3A_234 = arith.constant 0 : i32
      %dma_wait3A_235 = tpu.memref_slice %arg2[%dma_wait3A_233, %dma_wait3A_234] : memref<10000x128xf32, #tpu.memory_space<hbm>> -> memref<80x128xf32, #tpu.memory_space<hbm>>
      %dma_wait3A_236 = arith.constant 0 : i32
      %dma_wait3A_237 = arith.constant 0 : i32
      %dma_wait3A_238 = tpu.memref_slice %arg2[%dma_wait3A_236, %dma_wait3A_237] : memref<10000x128xf32, #tpu.memory_space<hbm>> -> memref<80x128xf32, #tpu.memory_space<hbm>>
      tpu.wait_dma2 semaphore(%arg10 : memref<!tpu.dma_semaphore, #tpu.memory_space<semaphore_mem>>) src(%dma_wait3A_238 : memref<80x128xf32, #tpu.memory_space<hbm>>) dst(%arg8 : memref<80x128xf32, #tpu.memory_space<vmem>>)
      %dma_start3A_239 = arith.constant 0 : i32
      %dma_start3A_240 = tpu.memref_slice %arg7[%add3A_217, %dma_start3A_239] : memref<125x80xi32, #tpu.memory_space<vmem>> -> memref<1x80xi32, #tpu.memory_space<vmem>>
      %dma_start3A_241 = tpu.memref_squeeze %dma_start3A_240 : memref<1x80xi32, #tpu.memory_space<vmem>> -> memref<80xi32, #tpu.memory_space<vmem>>
      %dma_start3A_242 = arith.constant 0 : i32
      %dma_start3A_243 = arith.constant 0 : i32
      %dma_start3A_244 = tpu.memref_slice %arg14[%dma_start3A_242, %dma_start3A_243] : memref<10112x128xf32, #tpu.memory_space<vmem_shared>> -> memref<10112x128xf32, #tpu.memory_space<vmem_shared>>
      tpu.enqueue_indirect_dma source(%arg8 : memref<80x128xf32, #tpu.memory_space<vmem>>) target(%dma_start3A_244 : memref<10112x128xf32, #tpu.memory_space<vmem_shared>>) offsets(%dma_start3A_241 : memref<80xi32, #tpu.memory_space<vmem>>) semaphore(%arg12 : memref<!tpu.dma_semaphore, #tpu.memory_space<semaphore_mem>>) {add = true}
    }
    %scan3A_157 = arith.constant 61 : i32
    %dma_wait3A_158 = arith.constant 0 : i32
    %dma_wait3A_159 = arith.constant 0 : i32
    %dma_wait3A_160 = tpu.memref_slice %arg2[%dma_wait3A_158, %dma_wait3A_159] : memref<10000x128xf32, #tpu.memory_space<hbm>> -> memref<80x128xf32, #tpu.memory_space<hbm>>
    %dma_wait3A_161 = arith.constant 0 : i32
    %dma_wait3A_162 = arith.constant 0 : i32
    %dma_wait3A_163 = tpu.memref_slice %arg2[%dma_wait3A_161, %dma_wait3A_162] : memref<10000x128xf32, #tpu.memory_space<hbm>> -> memref<80x128xf32, #tpu.memory_space<hbm>>
    tpu.wait_dma2 semaphore(%arg11 : memref<!tpu.dma_semaphore, #tpu.memory_space<semaphore_mem>>) src(%dma_wait3A_163 : memref<80x128xf32, #tpu.memory_space<hbm>>) dst(%arg9 : memref<80x128xf32, #tpu.memory_space<vmem>>)
    %dma_start3A_164 = arith.constant 124 : i32
    %dma_start3A_165 = arith.constant 0 : i32
    %dma_start3A_166 = tpu.memref_slice %arg7[%dma_start3A_164, %dma_start3A_165] : memref<125x80xi32, #tpu.memory_space<vmem>> -> memref<1x80xi32, #tpu.memory_space<vmem>>
    %dma_start3A_167 = tpu.memref_squeeze %dma_start3A_166 : memref<1x80xi32, #tpu.memory_space<vmem>> -> memref<80xi32, #tpu.memory_space<vmem>>
    %dma_start3A_168 = arith.constant 0 : i32
    %dma_start3A_169 = arith.constant 0 : i32
    %dma_start3A_170 = tpu.memref_slice %arg14[%dma_start3A_168, %dma_start3A_169] : memref<10112x128xf32, #tpu.memory_space<vmem_shared>> -> memref<10112x128xf32, #tpu.memory_space<vmem_shared>>
    tpu.enqueue_indirect_dma source(%arg9 : memref<80x128xf32, #tpu.memory_space<vmem>>) target(%dma_start3A_170 : memref<10112x128xf32, #tpu.memory_space<vmem_shared>>) offsets(%dma_start3A_167 : memref<80xi32, #tpu.memory_space<vmem>>) semaphore(%arg13 : memref<!tpu.dma_semaphore, #tpu.memory_space<semaphore_mem>>) {add = true}
    %dma_wait3A_171 = arith.constant 0 : i32
    %dma_wait3A_172 = arith.constant 0 : i32
    %dma_wait3A_173 = tpu.memref_slice %arg2[%dma_wait3A_171, %dma_wait3A_172] : memref<10000x128xf32, #tpu.memory_space<hbm>> -> memref<80x128xf32, #tpu.memory_space<hbm>>
    %dma_wait3A_174 = arith.constant 0 : i32
    %dma_wait3A_175 = arith.constant 0 : i32
    %dma_wait3A_176 = tpu.memref_slice %arg2[%dma_wait3A_174, %dma_wait3A_175] : memref<10000x128xf32, #tpu.memory_space<hbm>> -> memref<80x128xf32, #tpu.memory_space<hbm>>
    tpu.wait_dma2 semaphore(%arg12 : memref<!tpu.dma_semaphore, #tpu.memory_space<semaphore_mem>>) src(%dma_wait3A_176 : memref<80x128xf32, #tpu.memory_space<hbm>>) dst(%arg8 : memref<80x128xf32, #tpu.memory_space<vmem>>)
    %dma_wait3A_177 = arith.constant 0 : i32
    %dma_wait3A_178 = arith.constant 0 : i32
    %dma_wait3A_179 = tpu.memref_slice %arg2[%dma_wait3A_177, %dma_wait3A_178] : memref<10000x128xf32, #tpu.memory_space<hbm>> -> memref<80x128xf32, #tpu.memory_space<hbm>>
    %dma_wait3A_180 = arith.constant 0 : i32
    %dma_wait3A_181 = arith.constant 0 : i32
    %dma_wait3A_182 = tpu.memref_slice %arg2[%dma_wait3A_180, %dma_wait3A_181] : memref<10000x128xf32, #tpu.memory_space<hbm>> -> memref<80x128xf32, #tpu.memory_space<hbm>>
    tpu.wait_dma2 semaphore(%arg13 : memref<!tpu.dma_semaphore, #tpu.memory_space<semaphore_mem>>) src(%dma_wait3A_182 : memref<80x128xf32, #tpu.memory_space<hbm>>) dst(%arg9 : memref<80x128xf32, #tpu.memory_space<vmem>>)
    %barrier3A_183 = arith.constant 0 : index
    tpu.barrier barrier_id(%barrier3A_183)
    "tpu.region"() ({
      %run_scoped3A = tpu.sem_alloc : memref<!tpu.dma_semaphore, #tpu.memory_space<semaphore_mem>>
      %dma_start3A_184 = arith.constant 0 : i32
      %dma_start3A_185 = tpu.memref_slice %arg5[%arg0, %mul3A_21, %dma_start3A_184] : memref<2x10112x128xf32, #tpu.memory_space<hbm>> -> memref<1x632x128xf32, #tpu.memory_space<hbm>>
      %dma_start3A_186 = tpu.memref_squeeze %dma_start3A_185 : memref<1x632x128xf32, #tpu.memory_space<hbm>> -> memref<632x128xf32, #tpu.memory_space<hbm>>
      %dma_start3A_187 = arith.constant 0 : i32
      %dma_start3A_188 = tpu.memref_slice %arg14[%mul3A_21, %dma_start3A_187] : memref<10112x128xf32, #tpu.memory_space<vmem_shared>> -> memref<632x128xf32, #tpu.memory_space<vmem_shared>>
      tpu.enqueue_dma source(%dma_start3A_188 : memref<632x128xf32, #tpu.memory_space<vmem_shared>>) target(%dma_start3A_186 : memref<632x128xf32, #tpu.memory_space<hbm>>) target_semaphore(%run_scoped3A : memref<!tpu.dma_semaphore, #tpu.memory_space<semaphore_mem>>)
      %dma_wait3A_189 = arith.constant 0 : i32
      %dma_wait3A_190 = tpu.memref_slice %arg5[%arg0, %mul3A_21, %dma_wait3A_189] : memref<2x10112x128xf32, #tpu.memory_space<hbm>> -> memref<1x632x128xf32, #tpu.memory_space<hbm>>
      %dma_wait3A_191 = tpu.memref_squeeze %dma_wait3A_190 : memref<1x632x128xf32, #tpu.memory_space<hbm>> -> memref<632x128xf32, #tpu.memory_space<hbm>>
      %dma_wait3A_192 = arith.constant 0 : i32
      %dma_wait3A_193 = tpu.memref_slice %arg14[%mul3A_21, %dma_wait3A_192] : memref<10112x128xf32, #tpu.memory_space<vmem_shared>> -> memref<632x128xf32, #tpu.memory_space<vmem_shared>>
      tpu.wait_dma2 semaphore(%run_scoped3A : memref<!tpu.dma_semaphore, #tpu.memory_space<semaphore_mem>>) src(%dma_wait3A_193 : memref<632x128xf32, #tpu.memory_space<vmem_shared>>) dst(%dma_wait3A_191 : memref<632x128xf32, #tpu.memory_space<hbm>>)
      tpu.yield
    }) : () -> ()
    return
  }
}

#map = affine_map<(d0, d1) -> (0, 0)>
#map1 = affine_map<(d0, d1) -> (0, 0, 0)>
module attributes {stable_mosaic.version = 14 : i64} {
  func.func @_seg_sum(%arg0: i32, %arg1: i32, %arg2: memref<10000x128xf32, #tpu.memory_space<hbm>>, %arg3: memref<32x10000xi32, #tpu.memory_space<hbm>>, %arg4: memref<32x125x80xi32, #tpu.memory_space<hbm>>, %arg5: memref<2x10112x128xf32, #tpu.memory_space<hbm>>, %arg6: memref<10000xi32, #tpu.memory_space<vmem>>, %arg7: memref<125x80xi32, #tpu.memory_space<vmem>>, %arg8: memref<80x128xf32, #tpu.memory_space<vmem>>, %arg9: memref<80x128xf32, #tpu.memory_space<vmem>>, %arg10: memref<!tpu.dma_semaphore, #tpu.memory_space<semaphore_mem>>, %arg11: memref<!tpu.dma_semaphore, #tpu.memory_space<semaphore_mem>>, %arg12: memref<!tpu.dma_semaphore, #tpu.memory_space<semaphore_mem>>, %arg13: memref<!tpu.dma_semaphore, #tpu.memory_space<semaphore_mem>>, %arg14: memref<10112x128xf32, #tpu.memory_space<vmem_shared>>) attributes {dimension_semantics = [#tpu.dimension_semantics<core_parallel>, #tpu.dimension_semantics<subcore_parallel>], iteration_bounds = array<i64: 2, 16>, scalar_prefetch = 0 : i64, scratch_operands = 9 : i64, tpu.core_type = #tpu.core_type<sc_vector_subcore>, window_params = [{transform_indices = #map}, {transform_indices = #map}, {transform_indices = #map1}, {transform_indices = #map1}]} {
    %mul3A = arith.constant 2 : i32
    %mul3A_0 = arith.muli %arg1, %mul3A : i32
    %add3A = arith.addi %mul3A_0, %arg0 : i32
    %broadcast_in_dim3A = arith.constant 0.000000e+00 : f32
    %broadcast_in_dim3A_1 = vector.broadcast %broadcast_in_dim3A : f32 to vector<16xf32>
    %scan3A = arith.constant 0 : i32
    %scan3A_2 = arith.constant 0 : i32
    %scan3A_3 = arith.constant 80 : i32
    %scan3A_4 = arith.addi %scan3A_2, %scan3A_3 : i32
    %scan3A_5 = arith.constant 1 : i32
    scf.for %scan3A_184 = %scan3A_2 to %scan3A_4 step %scan3A_5  : i32 {
      %swap3A = arith.index_cast %scan3A_184 : i32 to index
      %swap3A_185 = arith.constant 0 : index
      %swap3A_186 = tpu.vector_load %arg8[%swap3A, %swap3A_185] {strides = array<i32>} : memref<80x128xf32, #tpu.memory_space<vmem>>, vector<1x16xf32>,
      %swap3A_187 = vector.shape_cast %swap3A_186 : vector<1x16xf32> to vector<16xf32>
      %swap3A_188 = vector.shape_cast %broadcast_in_dim3A_1 : vector<16xf32> to vector<1x16xf32>
      tpu.vector_store %arg8[%swap3A, %swap3A_185], %swap3A_188 {strides = array<i32>} : memref<80x128xf32, #tpu.memory_space<vmem>>, vector<1x16xf32>,
      %swap3A_189 = arith.index_cast %scan3A_184 : i32 to index
      %swap3A_190 = arith.constant 16 : index
      %swap3A_191 = tpu.vector_load %arg8[%swap3A_189, %swap3A_190] {strides = array<i32>} : memref<80x128xf32, #tpu.memory_space<vmem>>, vector<1x16xf32>,
      %swap3A_192 = vector.shape_cast %swap3A_191 : vector<1x16xf32> to vector<16xf32>
      %swap3A_193 = vector.shape_cast %broadcast_in_dim3A_1 : vector<16xf32> to vector<1x16xf32>
      tpu.vector_store %arg8[%swap3A_189, %swap3A_190], %swap3A_193 {strides = array<i32>} : memref<80x128xf32, #tpu.memory_space<vmem>>, vector<1x16xf32>,
      %swap3A_194 = arith.index_cast %scan3A_184 : i32 to index
      %swap3A_195 = arith.constant 32 : index
      %swap3A_196 = tpu.vector_load %arg8[%swap3A_194, %swap3A_195] {strides = array<i32>} : memref<80x128xf32, #tpu.memory_space<vmem>>, vector<1x16xf32>,
      %swap3A_197 = vector.shape_cast %swap3A_196 : vector<1x16xf32> to vector<16xf32>
      %swap3A_198 = vector.shape_cast %broadcast_in_dim3A_1 : vector<16xf32> to vector<1x16xf32>
      tpu.vector_store %arg8[%swap3A_194, %swap3A_195], %swap3A_198 {strides = array<i32>} : memref<80x128xf32, #tpu.memory_space<vmem>>, vector<1x16xf32>,
      %swap3A_199 = arith.index_cast %scan3A_184 : i32 to index
      %swap3A_200 = arith.constant 48 : index
      %swap3A_201 = tpu.vector_load %arg8[%swap3A_199, %swap3A_200] {strides = array<i32>} : memref<80x128xf32, #tpu.memory_space<vmem>>, vector<1x16xf32>,
      %swap3A_202 = vector.shape_cast %swap3A_201 : vector<1x16xf32> to vector<16xf32>
      %swap3A_203 = vector.shape_cast %broadcast_in_dim3A_1 : vector<16xf32> to vector<1x16xf32>
      tpu.vector_store %arg8[%swap3A_199, %swap3A_200], %swap3A_203 {strides = array<i32>} : memref<80x128xf32, #tpu.memory_space<vmem>>, vector<1x16xf32>,
      %swap3A_204 = arith.index_cast %scan3A_184 : i32 to index
      %swap3A_205 = arith.constant 64 : index
      %swap3A_206 = tpu.vector_load %arg8[%swap3A_204, %swap3A_205] {strides = array<i32>} : memref<80x128xf32, #tpu.memory_space<vmem>>, vector<1x16xf32>,
      %swap3A_207 = vector.shape_cast %swap3A_206 : vector<1x16xf32> to vector<16xf32>
      %swap3A_208 = vector.shape_cast %broadcast_in_dim3A_1 : vector<16xf32> to vector<1x16xf32>
      tpu.vector_store %arg8[%swap3A_204, %swap3A_205], %swap3A_208 {strides = array<i32>} : memref<80x128xf32, #tpu.memory_space<vmem>>, vector<1x16xf32>,
      %swap3A_209 = arith.index_cast %scan3A_184 : i32 to index
      %swap3A_210 = arith.constant 80 : index
      %swap3A_211 = tpu.vector_load %arg8[%swap3A_209, %swap3A_210] {strides = array<i32>} : memref<80x128xf32, #tpu.memory_space<vmem>>, vector<1x16xf32>,
      %swap3A_212 = vector.shape_cast %swap3A_211 : vector<1x16xf32> to vector<16xf32>
      %swap3A_213 = vector.shape_cast %broadcast_in_dim3A_1 : vector<16xf32> to vector<1x16xf32>
      tpu.vector_store %arg8[%swap3A_209, %swap3A_210], %swap3A_213 {strides = array<i32>} : memref<80x128xf32, #tpu.memory_space<vmem>>, vector<1x16xf32>,
      %swap3A_214 = arith.index_cast %scan3A_184 : i32 to index
      %swap3A_215 = arith.constant 96 : index
      %swap3A_216 = tpu.vector_load %arg8[%swap3A_214, %swap3A_215] {strides = array<i32>} : memref<80x128xf32, #tpu.memory_space<vmem>>, vector<1x16xf32>,
      %swap3A_217 = vector.shape_cast %swap3A_216 : vector<1x16xf32> to vector<16xf32>
      %swap3A_218 = vector.shape_cast %broadcast_in_dim3A_1 : vector<16xf32> to vector<1x16xf32>
      tpu.vector_store %arg8[%swap3A_214, %swap3A_215], %swap3A_218 {strides = array<i32>} : memref<80x128xf32, #tpu.memory_space<vmem>>, vector<1x16xf32>,
      %swap3A_219 = arith.index_cast %scan3A_184 : i32 to index
      %swap3A_220 = arith.constant 112 : index
      %swap3A_221 = tpu.vector_load %arg8[%swap3A_219, %swap3A_220] {strides = array<i32>} : memref<80x128xf32, #tpu.memory_space<vmem>>, vector<1x16xf32>,
      %swap3A_222 = vector.shape_cast %swap3A_221 : vector<1x16xf32> to vector<16xf32>
      %swap3A_223 = vector.shape_cast %broadcast_in_dim3A_1 : vector<16xf32> to vector<1x16xf32>
      tpu.vector_store %arg8[%swap3A_219, %swap3A_220], %swap3A_223 {strides = array<i32>} : memref<80x128xf32, #tpu.memory_space<vmem>>, vector<1x16xf32>,
    }
    %scan3A_6 = arith.constant 80 : i32
    %dma_start3A = arith.constant 0 : i32
    %dma_start3A_7 = tpu.memref_slice %arg3[%add3A, %dma_start3A] : memref<32x10000xi32, #tpu.memory_space<hbm>> -> memref<1x10000xi32, #tpu.memory_space<hbm>>
    %dma_start3A_8 = tpu.memref_squeeze %dma_start3A_7 : memref<1x10000xi32, #tpu.memory_space<hbm>> -> memref<10000xi32, #tpu.memory_space<hbm>>
    %dma_start3A_9 = arith.constant 0 : i32
    %dma_start3A_10 = tpu.memref_slice %arg3[%add3A, %dma_start3A_9] : memref<32x10000xi32, #tpu.memory_space<hbm>> -> memref<1x10000xi32, #tpu.memory_space<hbm>>
    %dma_start3A_11 = tpu.memref_squeeze %dma_start3A_10 : memref<1x10000xi32, #tpu.memory_space<hbm>> -> memref<10000xi32, #tpu.memory_space<hbm>>
    tpu.enqueue_dma source(%dma_start3A_11 : memref<10000xi32, #tpu.memory_space<hbm>>) target(%arg6 : memref<10000xi32, #tpu.memory_space<vmem>>) target_semaphore(%arg10 : memref<!tpu.dma_semaphore, #tpu.memory_space<semaphore_mem>>)
    %dma_start3A_12 = arith.constant 0 : i32
    %dma_start3A_13 = arith.constant 0 : i32
    %dma_start3A_14 = tpu.memref_slice %arg4[%add3A, %dma_start3A_12, %dma_start3A_13] : memref<32x125x80xi32, #tpu.memory_space<hbm>> -> memref<1x125x80xi32, #tpu.memory_space<hbm>>
    %dma_start3A_15 = tpu.memref_squeeze %dma_start3A_14 : memref<1x125x80xi32, #tpu.memory_space<hbm>> -> memref<125x80xi32, #tpu.memory_space<hbm>>
    %dma_start3A_16 = arith.constant 0 : i32
    %dma_start3A_17 = arith.constant 0 : i32
    %dma_start3A_18 = tpu.memref_slice %arg4[%add3A, %dma_start3A_16, %dma_start3A_17] : memref<32x125x80xi32, #tpu.memory_space<hbm>> -> memref<1x125x80xi32, #tpu.memory_space<hbm>>
    %dma_start3A_19 = tpu.memref_squeeze %dma_start3A_18 : memref<1x125x80xi32, #tpu.memory_space<hbm>> -> memref<125x80xi32, #tpu.memory_space<hbm>>
    tpu.enqueue_dma source(%dma_start3A_19 : memref<125x80xi32, #tpu.memory_space<hbm>>) target(%arg7 : memref<125x80xi32, #tpu.memory_space<vmem>>) target_semaphore(%arg11 : memref<!tpu.dma_semaphore, #tpu.memory_space<semaphore_mem>>)
    %mul3A_20 = arith.constant 632 : i32
    %mul3A_21 = arith.muli %arg1, %mul3A_20 : i32
    %add3A_22 = arith.constant 0 : i32
    %add3A_23 = arith.addi %mul3A_21, %add3A_22 : i32
    %dma_start3A_24 = arith.constant 0 : i32
    %dma_start3A_25 = tpu.memref_slice %arg14[%add3A_23, %dma_start3A_24] : memref<10112x128xf32, #tpu.memory_space<vmem_shared>> -> memref<80x128xf32, #tpu.memory_space<vmem_shared>>
    %dma_start3A_26 = arith.constant 0 : i32
    %dma_start3A_27 = tpu.memref_slice %arg14[%add3A_23, %dma_start3A_26] : memref<10112x128xf32, #tpu.memory_space<vmem_shared>> -> memref<80x128xf32, #tpu.memory_space<vmem_shared>>
    tpu.enqueue_dma source(%arg8 : memref<80x128xf32, #tpu.memory_space<vmem>>) target(%dma_start3A_27 : memref<80x128xf32, #tpu.memory_space<vmem_shared>>) target_semaphore(%arg12 : memref<!tpu.dma_semaphore, #tpu.memory_space<semaphore_mem>>)
    %add3A_28 = arith.constant 80 : i32
    %add3A_29 = arith.addi %mul3A_21, %add3A_28 : i32
    %dma_start3A_30 = arith.constant 0 : i32
    %dma_start3A_31 = tpu.memref_slice %arg14[%add3A_29, %dma_start3A_30] : memref<10112x128xf32, #tpu.memory_space<vmem_shared>> -> memref<80x128xf32, #tpu.memory_space<vmem_shared>>
    %dma_start3A_32 = arith.constant 0 : i32
    %dma_start3A_33 = tpu.memref_slice %arg14[%add3A_29, %dma_start3A_32] : memref<10112x128xf32, #tpu.memory_space<vmem_shared>> -> memref<80x128xf32, #tpu.memory_space<vmem_shared>>
    tpu.enqueue_dma source(%arg8 : memref<80x128xf32, #tpu.memory_space<vmem>>) target(%dma_start3A_33 : memref<80x128xf32, #tpu.memory_space<vmem_shared>>) target_semaphore(%arg12 : memref<!tpu.dma_semaphore, #tpu.memory_space<semaphore_mem>>)
    %add3A_34 = arith.constant 160 : i32
    %add3A_35 = arith.addi %mul3A_21, %add3A_34 : i32
    %dma_start3A_36 = arith.constant 0 : i32
    %dma_start3A_37 = tpu.memref_slice %arg14[%add3A_35, %dma_start3A_36] : memref<10112x128xf32, #tpu.memory_space<vmem_shared>> -> memref<80x128xf32, #tpu.memory_space<vmem_shared>>
    %dma_start3A_38 = arith.constant 0 : i32
    %dma_start3A_39 = tpu.memref_slice %arg14[%add3A_35, %dma_start3A_38] : memref<10112x128xf32, #tpu.memory_space<vmem_shared>> -> memref<80x128xf32, #tpu.memory_space<vmem_shared>>
    tpu.enqueue_dma source(%arg8 : memref<80x128xf32, #tpu.memory_space<vmem>>) target(%dma_start3A_39 : memref<80x128xf32, #tpu.memory_space<vmem_shared>>) target_semaphore(%arg12 : memref<!tpu.dma_semaphore, #tpu.memory_space<semaphore_mem>>)
    %add3A_40 = arith.constant 240 : i32
    %add3A_41 = arith.addi %mul3A_21, %add3A_40 : i32
    %dma_start3A_42 = arith.constant 0 : i32
    %dma_start3A_43 = tpu.memref_slice %arg14[%add3A_41, %dma_start3A_42] : memref<10112x128xf32, #tpu.memory_space<vmem_shared>> -> memref<80x128xf32, #tpu.memory_space<vmem_shared>>
    %dma_start3A_44 = arith.constant 0 : i32
    %dma_start3A_45 = tpu.memref_slice %arg14[%add3A_41, %dma_start3A_44] : memref<10112x128xf32, #tpu.memory_space<vmem_shared>> -> memref<80x128xf32, #tpu.memory_space<vmem_shared>>
    tpu.enqueue_dma source(%arg8 : memref<80x128xf32, #tpu.memory_space<vmem>>) target(%dma_start3A_45 : memref<80x128xf32, #tpu.memory_space<vmem_shared>>) target_semaphore(%arg12 : memref<!tpu.dma_semaphore, #tpu.memory_space<semaphore_mem>>)
    %add3A_46 = arith.constant 320 : i32
    %add3A_47 = arith.addi %mul3A_21, %add3A_46 : i32
    %dma_start3A_48 = arith.constant 0 : i32
    %dma_start3A_49 = tpu.memref_slice %arg14[%add3A_47, %dma_start3A_48] : memref<10112x128xf32, #tpu.memory_space<vmem_shared>> -> memref<80x128xf32, #tpu.memory_space<vmem_shared>>
    %dma_start3A_50 = arith.constant 0 : i32
    %dma_start3A_51 = tpu.memref_slice %arg14[%add3A_47, %dma_start3A_50] : memref<10112x128xf32, #tpu.memory_space<vmem_shared>> -> memref<80x128xf32, #tpu.memory_space<vmem_shared>>
    tpu.enqueue_dma source(%arg8 : memref<80x128xf32, #tpu.memory_space<vmem>>) target(%dma_start3A_51 : memref<80x128xf32, #tpu.memory_space<vmem_shared>>) target_semaphore(%arg12 : memref<!tpu.dma_semaphore, #tpu.memory_space<semaphore_mem>>)
    %add3A_52 = arith.constant 400 : i32
    %add3A_53 = arith.addi %mul3A_21, %add3A_52 : i32
    %dma_start3A_54 = arith.constant 0 : i32
    %dma_start3A_55 = tpu.memref_slice %arg14[%add3A_53, %dma_start3A_54] : memref<10112x128xf32, #tpu.memory_space<vmem_shared>> -> memref<80x128xf32, #tpu.memory_space<vmem_shared>>
    %dma_start3A_56 = arith.constant 0 : i32
    %dma_start3A_57 = tpu.memref_slice %arg14[%add3A_53, %dma_start3A_56] : memref<10112x128xf32, #tpu.memory_space<vmem_shared>> -> memref<80x128xf32, #tpu.memory_space<vmem_shared>>
    tpu.enqueue_dma source(%arg8 : memref<80x128xf32, #tpu.memory_space<vmem>>) target(%dma_start3A_57 : memref<80x128xf32, #tpu.memory_space<vmem_shared>>) target_semaphore(%arg12 : memref<!tpu.dma_semaphore, #tpu.memory_space<semaphore_mem>>)
    %add3A_58 = arith.constant 480 : i32
    %add3A_59 = arith.addi %mul3A_21, %add3A_58 : i32
    %dma_start3A_60 = arith.constant 0 : i32
    %dma_start3A_61 = tpu.memref_slice %arg14[%add3A_59, %dma_start3A_60] : memref<10112x128xf32, #tpu.memory_space<vmem_shared>> -> memref<80x128xf32, #tpu.memory_space<vmem_shared>>
    %dma_start3A_62 = arith.constant 0 : i32
    %dma_start3A_63 = tpu.memref_slice %arg14[%add3A_59, %dma_start3A_62] : memref<10112x128xf32, #tpu.memory_space<vmem_shared>> -> memref<80x128xf32, #tpu.memory_space<vmem_shared>>
    tpu.enqueue_dma source(%arg8 : memref<80x128xf32, #tpu.memory_space<vmem>>) target(%dma_start3A_63 : memref<80x128xf32, #tpu.memory_space<vmem_shared>>) target_semaphore(%arg12 : memref<!tpu.dma_semaphore, #tpu.memory_space<semaphore_mem>>)
    %add3A_64 = arith.constant 632 : i32
    %add3A_65 = arith.addi %mul3A_21, %add3A_64 : i32
    %sub3A = arith.constant 72 : i32
    %sub3A_66 = arith.subi %add3A_65, %sub3A : i32
    %dma_start3A_67 = arith.constant 0 : i32
    %dma_start3A_68 = arith.constant 0 : i32
    %dma_start3A_69 = tpu.memref_slice %arg8[%dma_start3A_67, %dma_start3A_68] : memref<80x128xf32, #tpu.memory_space<vmem>> -> memref<72x128xf32, #tpu.memory_space<vmem>>
    %dma_start3A_70 = arith.constant 0 : i32
    %dma_start3A_71 = tpu.memref_slice %arg14[%sub3A_66, %dma_start3A_70] : memref<10112x128xf32, #tpu.memory_space<vmem_shared>> -> memref<72x128xf32, #tpu.memory_space<vmem_shared>>
    %dma_start3A_72 = arith.constant 0 : i32
    %dma_start3A_73 = tpu.memref_slice %arg14[%sub3A_66, %dma_start3A_72] : memref<10112x128xf32, #tpu.memory_space<vmem_shared>> -> memref<72x128xf32, #tpu.memory_space<vmem_shared>>
    %dma_start3A_74 = arith.constant 0 : i32
    %dma_start3A_75 = arith.constant 0 : i32
    %dma_start3A_76 = tpu.memref_slice %arg8[%dma_start3A_74, %dma_start3A_75] : memref<80x128xf32, #tpu.memory_space<vmem>> -> memref<72x128xf32, #tpu.memory_space<vmem>>
    tpu.enqueue_dma source(%dma_start3A_76 : memref<72x128xf32, #tpu.memory_space<vmem>>) target(%dma_start3A_73 : memref<72x128xf32, #tpu.memory_space<vmem_shared>>) target_semaphore(%arg13 : memref<!tpu.dma_semaphore, #tpu.memory_space<semaphore_mem>>)
    %dma_wait3A = arith.constant 0 : i32
    %dma_wait3A_77 = tpu.memref_slice %arg3[%add3A, %dma_wait3A] : memref<32x10000xi32, #tpu.memory_space<hbm>> -> memref<1x10000xi32, #tpu.memory_space<hbm>>
    %dma_wait3A_78 = tpu.memref_squeeze %dma_wait3A_77 : memref<1x10000xi32, #tpu.memory_space<hbm>> -> memref<10000xi32, #tpu.memory_space<hbm>>
    %dma_wait3A_79 = arith.constant 0 : i32
    %dma_wait3A_80 = tpu.memref_slice %arg3[%add3A, %dma_wait3A_79] : memref<32x10000xi32, #tpu.memory_space<hbm>> -> memref<1x10000xi32, #tpu.memory_space<hbm>>
    %dma_wait3A_81 = tpu.memref_squeeze %dma_wait3A_80 : memref<1x10000xi32, #tpu.memory_space<hbm>> -> memref<10000xi32, #tpu.memory_space<hbm>>
    tpu.wait_dma2 semaphore(%arg10 : memref<!tpu.dma_semaphore, #tpu.memory_space<semaphore_mem>>) src(%dma_wait3A_81 : memref<10000xi32, #tpu.memory_space<hbm>>) dst(%arg6 : memref<10000xi32, #tpu.memory_space<vmem>>)
    %dma_wait3A_82 = arith.constant 0 : i32
    %dma_wait3A_83 = arith.constant 0 : i32
    %dma_wait3A_84 = tpu.memref_slice %arg4[%add3A, %dma_wait3A_82, %dma_wait3A_83] : memref<32x125x80xi32, #tpu.memory_space<hbm>> -> memref<1x125x80xi32, #tpu.memory_space<hbm>>
    %dma_wait3A_85 = tpu.memref_squeeze %dma_wait3A_84 : memref<1x125x80xi32, #tpu.memory_space<hbm>> -> memref<125x80xi32, #tpu.memory_space<hbm>>
    %dma_wait3A_86 = arith.constant 0 : i32
    %dma_wait3A_87 = arith.constant 0 : i32
    %dma_wait3A_88 = tpu.memref_slice %arg4[%add3A, %dma_wait3A_86, %dma_wait3A_87] : memref<32x125x80xi32, #tpu.memory_space<hbm>> -> memref<1x125x80xi32, #tpu.memory_space<hbm>>
    %dma_wait3A_89 = tpu.memref_squeeze %dma_wait3A_88 : memref<1x125x80xi32, #tpu.memory_space<hbm>> -> memref<125x80xi32, #tpu.memory_space<hbm>>
    tpu.wait_dma2 semaphore(%arg11 : memref<!tpu.dma_semaphore, #tpu.memory_space<semaphore_mem>>) src(%dma_wait3A_89 : memref<125x80xi32, #tpu.memory_space<hbm>>) dst(%arg7 : memref<125x80xi32, #tpu.memory_space<vmem>>)
    %dma_wait3A_90 = arith.constant 0 : i32
    %dma_wait3A_91 = tpu.memref_slice %arg14[%add3A_23, %dma_wait3A_90] : memref<10112x128xf32, #tpu.memory_space<vmem_shared>> -> memref<80x128xf32, #tpu.memory_space<vmem_shared>>
    %dma_wait3A_92 = arith.constant 0 : i32
    %dma_wait3A_93 = tpu.memref_slice %arg14[%add3A_23, %dma_wait3A_92] : memref<10112x128xf32, #tpu.memory_space<vmem_shared>> -> memref<80x128xf32, #tpu.memory_space<vmem_shared>>
    tpu.wait_dma2 semaphore(%arg12 : memref<!tpu.dma_semaphore, #tpu.memory_space<semaphore_mem>>) src(%arg8 : memref<80x128xf32, #tpu.memory_space<vmem>>) dst(%dma_wait3A_93 : memref<80x128xf32, #tpu.memory_space<vmem_shared>>)
    %dma_wait3A_94 = arith.constant 0 : i32
    %dma_wait3A_95 = tpu.memref_slice %arg14[%add3A_29, %dma_wait3A_94] : memref<10112x128xf32, #tpu.memory_space<vmem_shared>> -> memref<80x128xf32, #tpu.memory_space<vmem_shared>>
    %dma_wait3A_96 = arith.constant 0 : i32
    %dma_wait3A_97 = tpu.memref_slice %arg14[%add3A_29, %dma_wait3A_96] : memref<10112x128xf32, #tpu.memory_space<vmem_shared>> -> memref<80x128xf32, #tpu.memory_space<vmem_shared>>
    tpu.wait_dma2 semaphore(%arg12 : memref<!tpu.dma_semaphore, #tpu.memory_space<semaphore_mem>>) src(%arg8 : memref<80x128xf32, #tpu.memory_space<vmem>>) dst(%dma_wait3A_97 : memref<80x128xf32, #tpu.memory_space<vmem_shared>>)
    %dma_wait3A_98 = arith.constant 0 : i32
    %dma_wait3A_99 = tpu.memref_slice %arg14[%add3A_35, %dma_wait3A_98] : memref<10112x128xf32, #tpu.memory_space<vmem_shared>> -> memref<80x128xf32, #tpu.memory_space<vmem_shared>>
    %dma_wait3A_100 = arith.constant 0 : i32
    %dma_wait3A_101 = tpu.memref_slice %arg14[%add3A_35, %dma_wait3A_100] : memref<10112x128xf32, #tpu.memory_space<vmem_shared>> -> memref<80x128xf32, #tpu.memory_space<vmem_shared>>
    tpu.wait_dma2 semaphore(%arg12 : memref<!tpu.dma_semaphore, #tpu.memory_space<semaphore_mem>>) src(%arg8 : memref<80x128xf32, #tpu.memory_space<vmem>>) dst(%dma_wait3A_101 : memref<80x128xf32, #tpu.memory_space<vmem_shared>>)
    %dma_wait3A_102 = arith.constant 0 : i32
    %dma_wait3A_103 = tpu.memref_slice %arg14[%add3A_41, %dma_wait3A_102] : memref<10112x128xf32, #tpu.memory_space<vmem_shared>> -> memref<80x128xf32, #tpu.memory_space<vmem_shared>>
    %dma_wait3A_104 = arith.constant 0 : i32
    %dma_wait3A_105 = tpu.memref_slice %arg14[%add3A_41, %dma_wait3A_104] : memref<10112x128xf32, #tpu.memory_space<vmem_shared>> -> memref<80x128xf32, #tpu.memory_space<vmem_shared>>
    tpu.wait_dma2 semaphore(%arg12 : memref<!tpu.dma_semaphore, #tpu.memory_space<semaphore_mem>>) src(%arg8 : memref<80x128xf32, #tpu.memory_space<vmem>>) dst(%dma_wait3A_105 : memref<80x128xf32, #tpu.memory_space<vmem_shared>>)
    %dma_wait3A_106 = arith.constant 0 : i32
    %dma_wait3A_107 = tpu.memref_slice %arg14[%add3A_47, %dma_wait3A_106] : memref<10112x128xf32, #tpu.memory_space<vmem_shared>> -> memref<80x128xf32, #tpu.memory_space<vmem_shared>>
    %dma_wait3A_108 = arith.constant 0 : i32
    %dma_wait3A_109 = tpu.memref_slice %arg14[%add3A_47, %dma_wait3A_108] : memref<10112x128xf32, #tpu.memory_space<vmem_shared>> -> memref<80x128xf32, #tpu.memory_space<vmem_shared>>
    tpu.wait_dma2 semaphore(%arg12 : memref<!tpu.dma_semaphore, #tpu.memory_space<semaphore_mem>>) src(%arg8 : memref<80x128xf32, #tpu.memory_space<vmem>>) dst(%dma_wait3A_109 : memref<80x128xf32, #tpu.memory_space<vmem_shared>>)
    %dma_wait3A_110 = arith.constant 0 : i32
    %dma_wait3A_111 = tpu.memref_slice %arg14[%add3A_53, %dma_wait3A_110] : memref<10112x128xf32, #tpu.memory_space<vmem_shared>> -> memref<80x128xf32, #tpu.memory_space<vmem_shared>>
    %dma_wait3A_112 = arith.constant 0 : i32
    %dma_wait3A_113 = tpu.memref_slice %arg14[%add3A_53, %dma_wait3A_112] : memref<10112x128xf32, #tpu.memory_space<vmem_shared>> -> memref<80x128xf32, #tpu.memory_space<vmem_shared>>
    tpu.wait_dma2 semaphore(%arg12 : memref<!tpu.dma_semaphore, #tpu.memory_space<semaphore_mem>>) src(%arg8 : memref<80x128xf32, #tpu.memory_space<vmem>>) dst(%dma_wait3A_113 : memref<80x128xf32, #tpu.memory_space<vmem_shared>>)
    %dma_wait3A_114 = arith.constant 0 : i32
    %dma_wait3A_115 = tpu.memref_slice %arg14[%add3A_59, %dma_wait3A_114] : memref<10112x128xf32, #tpu.memory_space<vmem_shared>> -> memref<80x128xf32, #tpu.memory_space<vmem_shared>>
    %dma_wait3A_116 = arith.constant 0 : i32
    %dma_wait3A_117 = tpu.memref_slice %arg14[%add3A_59, %dma_wait3A_116] : memref<10112x128xf32, #tpu.memory_space<vmem_shared>> -> memref<80x128xf32, #tpu.memory_space<vmem_shared>>
    tpu.wait_dma2 semaphore(%arg12 : memref<!tpu.dma_semaphore, #tpu.memory_space<semaphore_mem>>) src(%arg8 : memref<80x128xf32, #tpu.memory_space<vmem>>) dst(%dma_wait3A_117 : memref<80x128xf32, #tpu.memory_space<vmem_shared>>)
    %dma_wait3A_118 = arith.constant 0 : i32
    %dma_wait3A_119 = arith.constant 0 : i32
    %dma_wait3A_120 = tpu.memref_slice %arg8[%dma_wait3A_118, %dma_wait3A_119] : memref<80x128xf32, #tpu.memory_space<vmem>> -> memref<72x128xf32, #tpu.memory_space<vmem>>
    %dma_wait3A_121 = arith.constant 0 : i32
    %dma_wait3A_122 = tpu.memref_slice %arg14[%sub3A_66, %dma_wait3A_121] : memref<10112x128xf32, #tpu.memory_space<vmem_shared>> -> memref<72x128xf32, #tpu.memory_space<vmem_shared>>
    %dma_wait3A_123 = arith.constant 0 : i32
    %dma_wait3A_124 = tpu.memref_slice %arg14[%sub3A_66, %dma_wait3A_123] : memref<10112x128xf32, #tpu.memory_space<vmem_shared>> -> memref<72x128xf32, #tpu.memory_space<vmem_shared>>
    %dma_wait3A_125 = arith.constant 0 : i32
    %dma_wait3A_126 = arith.constant 0 : i32
    %dma_wait3A_127 = tpu.memref_slice %arg8[%dma_wait3A_125, %dma_wait3A_126] : memref<80x128xf32, #tpu.memory_space<vmem>> -> memref<72x128xf32, #tpu.memory_space<vmem>>
    tpu.wait_dma2 semaphore(%arg13 : memref<!tpu.dma_semaphore, #tpu.memory_space<semaphore_mem>>) src(%dma_wait3A_127 : memref<72x128xf32, #tpu.memory_space<vmem>>) dst(%dma_wait3A_124 : memref<72x128xf32, #tpu.memory_space<vmem_shared>>)
    %barrier3A = arith.constant 0 : index
    tpu.barrier barrier_id(%barrier3A)
    %multiple_of3A = arith.constant 0 : i32
    %multiple_of3A_128 = tpu.assume_multiple %multiple_of3A, 80 : i32
    %dma_start3A_129 = tpu.memref_slice %arg6[%multiple_of3A_128] : memref<10000xi32, #tpu.memory_space<vmem>> -> memref<80xi32, #tpu.memory_space<vmem>>
    %dma_start3A_130 = arith.constant 0 : i32
    %dma_start3A_131 = arith.constant 0 : i32
    %dma_start3A_132 = tpu.memref_slice %arg2[%dma_start3A_130, %dma_start3A_131] : memref<10000x128xf32, #tpu.memory_space<hbm>> -> memref<10000x128xf32, #tpu.memory_space<hbm>>
    tpu.enqueue_indirect_dma source(%dma_start3A_132 : memref<10000x128xf32, #tpu.memory_space<hbm>>) target(%arg8 : memref<80x128xf32, #tpu.memory_space<vmem>>) offsets(%dma_start3A_129 : memref<80xi32, #tpu.memory_space<vmem>>) semaphore(%arg10 : memref<!tpu.dma_semaphore, #tpu.memory_space<semaphore_mem>>)
    %multiple_of3A_133 = arith.constant 80 : i32
    %multiple_of3A_134 = tpu.assume_multiple %multiple_of3A_133, 80 : i32
    %dma_start3A_135 = tpu.memref_slice %arg6[%multiple_of3A_134] : memref<10000xi32, #tpu.memory_space<vmem>> -> memref<80xi32, #tpu.memory_space<vmem>>
    %dma_start3A_136 = arith.constant 0 : i32
    %dma_start3A_137 = arith.constant 0 : i32
    %dma_start3A_138 = tpu.memref_slice %arg2[%dma_start3A_136, %dma_start3A_137] : memref<10000x128xf32, #tpu.memory_space<hbm>> -> memref<10000x128xf32, #tpu.memory_space<hbm>>
    tpu.enqueue_indirect_dma source(%dma_start3A_138 : memref<10000x128xf32, #tpu.memory_space<hbm>>) target(%arg9 : memref<80x128xf32, #tpu.memory_space<vmem>>) offsets(%dma_start3A_135 : memref<80xi32, #tpu.memory_space<vmem>>) semaphore(%arg11 : memref<!tpu.dma_semaphore, #tpu.memory_space<semaphore_mem>>)
    %dma_wait3A_139 = arith.constant 0 : i32
    %dma_wait3A_140 = arith.constant 0 : i32
    %dma_wait3A_141 = tpu.memref_slice %arg2[%dma_wait3A_139, %dma_wait3A_140] : memref<10000x128xf32, #tpu.memory_space<hbm>> -> memref<80x128xf32, #tpu.memory_space<hbm>>
    %dma_wait3A_142 = arith.constant 0 : i32
    %dma_wait3A_143 = arith.constant 0 : i32
    %dma_wait3A_144 = tpu.memref_slice %arg2[%dma_wait3A_142, %dma_wait3A_143] : memref<10000x128xf32, #tpu.memory_space<hbm>> -> memref<80x128xf32, #tpu.memory_space<hbm>>
    tpu.wait_dma2 semaphore(%arg10 : memref<!tpu.dma_semaphore, #tpu.memory_space<semaphore_mem>>) src(%dma_wait3A_144 : memref<80x128xf32, #tpu.memory_space<hbm>>) dst(%arg8 : memref<80x128xf32, #tpu.memory_space<vmem>>)
    %dma_start3A_145 = arith.constant 0 : i32
    %dma_start3A_146 = arith.constant 0 : i32
    %dma_start3A_147 = tpu.memref_slice %arg7[%dma_start3A_145, %dma_start3A_146] : memref<125x80xi32, #tpu.memory_space<vmem>> -> memref<1x80xi32, #tpu.memory_space<vmem>>
    %dma_start3A_148 = tpu.memref_squeeze %dma_start3A_147 : memref<1x80xi32, #tpu.memory_space<vmem>> -> memref<80xi32, #tpu.memory_space<vmem>>
    %dma_start3A_149 = arith.constant 0 : i32
    %dma_start3A_150 = arith.constant 0 : i32
    %dma_start3A_151 = tpu.memref_slice %arg14[%dma_start3A_149, %dma_start3A_150] : memref<10112x128xf32, #tpu.memory_space<vmem_shared>> -> memref<10112x128xf32, #tpu.memory_space<vmem_shared>>
    tpu.enqueue_indirect_dma source(%arg8 : memref<80x128xf32, #tpu.memory_space<vmem>>) target(%dma_start3A_151 : memref<10112x128xf32, #tpu.memory_space<vmem_shared>>) offsets(%dma_start3A_148 : memref<80xi32, #tpu.memory_space<vmem>>) semaphore(%arg12 : memref<!tpu.dma_semaphore, #tpu.memory_space<semaphore_mem>>) {add = true}
    %scan3A_152 = arith.constant 0 : i32
    %scan3A_153 = arith.constant 0 : i32
    %scan3A_154 = arith.constant 61 : i32
    %scan3A_155 = arith.addi %scan3A_153, %scan3A_154 : i32
    %scan3A_156 = arith.constant 1 : i32
    scf.for %scan3A_184 = %scan3A_153 to %scan3A_155 step %scan3A_156  : i32 {
      %mul3A_185 = arith.constant 2 : i32
      %mul3A_186 = arith.muli %mul3A_185, %scan3A_184 : i32
      %add3A_187 = arith.constant 1 : i32
      %add3A_188 = arith.addi %add3A_187, %mul3A_186 : i32
      %dma_wait3A_189 = arith.constant 0 : i32
      %dma_wait3A_190 = arith.constant 0 : i32
      %dma_wait3A_191 = tpu.memref_slice %arg2[%dma_wait3A_189, %dma_wait3A_190] : memref<10000x128xf32, #tpu.memory_space<hbm>> -> memref<80x128xf32, #tpu.memory_space<hbm>>
      %dma_wait3A_192 = arith.constant 0 : i32
      %dma_wait3A_193 = arith.constant 0 : i32
      %dma_wait3A_194 = tpu.memref_slice %arg2[%dma_wait3A_192, %dma_wait3A_193] : memref<10000x128xf32, #tpu.memory_space<hbm>> -> memref<80x128xf32, #tpu.memory_space<hbm>>
      tpu.wait_dma2 semaphore(%arg12 : memref<!tpu.dma_semaphore, #tpu.memory_space<semaphore_mem>>) src(%dma_wait3A_194 : memref<80x128xf32, #tpu.memory_space<hbm>>) dst(%arg8 : memref<80x128xf32, #tpu.memory_space<vmem>>)
      %add3A_195 = arith.constant 1 : i32
      %add3A_196 = arith.addi %add3A_188, %add3A_195 : i32
      %mul3A_197 = arith.constant 80 : i32
      %mul3A_198 = arith.muli %add3A_196, %mul3A_197 : i32
      %multiple_of3A_199 = tpu.assume_multiple %mul3A_198, 80 : i32
      %dma_start3A_200 = tpu.memref_slice %arg6[%multiple_of3A_199] : memref<10000xi32, #tpu.memory_space<vmem>> -> memref<80xi32, #tpu.memory_space<vmem>>
      %dma_start3A_201 = arith.constant 0 : i32
      %dma_start3A_202 = arith.constant 0 : i32
      %dma_start3A_203 = tpu.memref_slice %arg2[%dma_start3A_201, %dma_start3A_202] : memref<10000x128xf32, #tpu.memory_space<hbm>> -> memref<10000x128xf32, #tpu.memory_space<hbm>>
      tpu.enqueue_indirect_dma source(%dma_start3A_203 : memref<10000x128xf32, #tpu.memory_space<hbm>>) target(%arg8 : memref<80x128xf32, #tpu.memory_space<vmem>>) offsets(%dma_start3A_200 : memref<80xi32, #tpu.memory_space<vmem>>) semaphore(%arg10 : memref<!tpu.dma_semaphore, #tpu.memory_space<semaphore_mem>>)
      %dma_wait3A_204 = arith.constant 0 : i32
      %dma_wait3A_205 = arith.constant 0 : i32
      %dma_wait3A_206 = tpu.memref_slice %arg2[%dma_wait3A_204, %dma_wait3A_205] : memref<10000x128xf32, #tpu.memory_space<hbm>> -> memref<80x128xf32, #tpu.memory_space<hbm>>
      %dma_wait3A_207 = arith.constant 0 : i32
      %dma_wait3A_208 = arith.constant 0 : i32
      %dma_wait3A_209 = tpu.memref_slice %arg2[%dma_wait3A_207, %dma_wait3A_208] : memref<10000x128xf32, #tpu.memory_space<hbm>> -> memref<80x128xf32, #tpu.memory_space<hbm>>
      tpu.wait_dma2 semaphore(%arg11 : memref<!tpu.dma_semaphore, #tpu.memory_space<semaphore_mem>>) src(%dma_wait3A_209 : memref<80x128xf32, #tpu.memory_space<hbm>>) dst(%arg9 : memref<80x128xf32, #tpu.memory_space<vmem>>)
      %dma_start3A_210 = arith.constant 0 : i32
      %dma_start3A_211 = tpu.memref_slice %arg7[%add3A_188, %dma_start3A_210] : memref<125x80xi32, #tpu.memory_space<vmem>> -> memref<1x80xi32, #tpu.memory_space<vmem>>
      %dma_start3A_212 = tpu.memref_squeeze %dma_start3A_211 : memref<1x80xi32, #tpu.memory_space<vmem>> -> memref<80xi32, #tpu.memory_space<vmem>>
      %dma_start3A_213 = arith.constant 0 : i32
      %dma_start3A_214 = arith.constant 0 : i32
      %dma_start3A_215 = tpu.memref_slice %arg14[%dma_start3A_213, %dma_start3A_214] : memref<10112x128xf32, #tpu.memory_space<vmem_shared>> -> memref<10112x128xf32, #tpu.memory_space<vmem_shared>>
      tpu.enqueue_indirect_dma source(%arg9 : memref<80x128xf32, #tpu.memory_space<vmem>>) target(%dma_start3A_215 : memref<10112x128xf32, #tpu.memory_space<vmem_shared>>) offsets(%dma_start3A_212 : memref<80xi32, #tpu.memory_space<vmem>>) semaphore(%arg13 : memref<!tpu.dma_semaphore, #tpu.memory_space<semaphore_mem>>) {add = true}
      %add3A_216 = arith.constant 1 : i32
      %add3A_217 = arith.addi %add3A_188, %add3A_216 : i32
      %dma_wait3A_218 = arith.constant 0 : i32
      %dma_wait3A_219 = arith.constant 0 : i32
      %dma_wait3A_220 = tpu.memref_slice %arg2[%dma_wait3A_218, %dma_wait3A_219] : memref<10000x128xf32, #tpu.memory_space<hbm>> -> memref<80x128xf32, #tpu.memory_space<hbm>>
      %dma_wait3A_221 = arith.constant 0 : i32
      %dma_wait3A_222 = arith.constant 0 : i32
      %dma_wait3A_223 = tpu.memref_slice %arg2[%dma_wait3A_221, %dma_wait3A_222] : memref<10000x128xf32, #tpu.memory_space<hbm>> -> memref<80x128xf32, #tpu.memory_space<hbm>>
      tpu.wait_dma2 semaphore(%arg13 : memref<!tpu.dma_semaphore, #tpu.memory_space<semaphore_mem>>) src(%dma_wait3A_223 : memref<80x128xf32, #tpu.memory_space<hbm>>) dst(%arg9 : memref<80x128xf32, #tpu.memory_space<vmem>>)
      %add3A_224 = arith.constant 1 : i32
      %add3A_225 = arith.addi %add3A_217, %add3A_224 : i32
      %mul3A_226 = arith.constant 80 : i32
      %mul3A_227 = arith.muli %add3A_225, %mul3A_226 : i32
      %multiple_of3A_228 = tpu.assume_multiple %mul3A_227, 80 : i32
      %dma_start3A_229 = tpu.memref_slice %arg6[%multiple_of3A_228] : memref<10000xi32, #tpu.memory_space<vmem>> -> memref<80xi32, #tpu.memory_space<vmem>>
      %dma_start3A_230 = arith.constant 0 : i32
      %dma_start3A_231 = arith.constant 0 : i32
      %dma_start3A_232 = tpu.memref_slice %arg2[%dma_start3A_230, %dma_start3A_231] : memref<10000x128xf32, #tpu.memory_space<hbm>> -> memref<10000x128xf32, #tpu.memory_space<hbm>>
      tpu.enqueue_indirect_dma source(%dma_start3A_232 : memref<10000x128xf32, #tpu.memory_space<hbm>>) target(%arg9 : memref<80x128xf32, #tpu.memory_space<vmem>>) offsets(%dma_start3A_229 : memref<80xi32, #tpu.memory_space<vmem>>) semaphore(%arg11 : memref<!tpu.dma_semaphore, #tpu.memory_space<semaphore_mem>>)
      %dma_wait3A_233 = arith.constant 0 : i32
      %dma_wait3A_234 = arith.constant 0 : i32
      %dma_wait3A_235 = tpu.memref_slice %arg2[%dma_wait3A_233, %dma_wait3A_234] : memref<10000x128xf32, #tpu.memory_space<hbm>> -> memref<80x128xf32, #tpu.memory_space<hbm>>
      %dma_wait3A_236 = arith.constant 0 : i32
      %dma_wait3A_237 = arith.constant 0 : i32
      %dma_wait3A_238 = tpu.memref_slice %arg2[%dma_wait3A_236, %dma_wait3A_237] : memref<10000x128xf32, #tpu.memory_space<hbm>> -> memref<80x128xf32, #tpu.memory_space<hbm>>
      tpu.wait_dma2 semaphore(%arg10 : memref<!tpu.dma_semaphore, #tpu.memory_space<semaphore_mem>>) src(%dma_wait3A_238 : memref<80x128xf32, #tpu.memory_space<hbm>>) dst(%arg8 : memref<80x128xf32, #tpu.memory_space<vmem>>)
      %dma_start3A_239 = arith.constant 0 : i32
      %dma_start3A_240 = tpu.memref_slice %arg7[%add3A_217, %dma_start3A_239] : memref<125x80xi32, #tpu.memory_space<vmem>> -> memref<1x80xi32, #tpu.memory_space<vmem>>
      %dma_start3A_241 = tpu.memref_squeeze %dma_start3A_240 : memref<1x80xi32, #tpu.memory_space<vmem>> -> memref<80xi32, #tpu.memory_space<vmem>>
      %dma_start3A_242 = arith.constant 0 : i32
      %dma_start3A_243 = arith.constant 0 : i32
      %dma_start3A_244 = tpu.memref_slice %arg14[%dma_start3A_242, %dma_start3A_243] : memref<10112x128xf32, #tpu.memory_space<vmem_shared>> -> memref<10112x128xf32, #tpu.memory_space<vmem_shared>>
      tpu.enqueue_indirect_dma source(%arg8 : memref<80x128xf32, #tpu.memory_space<vmem>>) target(%dma_start3A_244 : memref<10112x128xf32, #tpu.memory_space<vmem_shared>>) offsets(%dma_start3A_241 : memref<80xi32, #tpu.memory_space<vmem>>) semaphore(%arg12 : memref<!tpu.dma_semaphore, #tpu.memory_space<semaphore_mem>>) {add = true}
    }
    %scan3A_157 = arith.constant 61 : i32
    %dma_wait3A_158 = arith.constant 0 : i32
    %dma_wait3A_159 = arith.constant 0 : i32
    %dma_wait3A_160 = tpu.memref_slice %arg2[%dma_wait3A_158, %dma_wait3A_159] : memref<10000x128xf32, #tpu.memory_space<hbm>> -> memref<80x128xf32, #tpu.memory_space<hbm>>
    %dma_wait3A_161 = arith.constant 0 : i32
    %dma_wait3A_162 = arith.constant 0 : i32
    %dma_wait3A_163 = tpu.memref_slice %arg2[%dma_wait3A_161, %dma_wait3A_162] : memref<10000x128xf32, #tpu.memory_space<hbm>> -> memref<80x128xf32, #tpu.memory_space<hbm>>
    tpu.wait_dma2 semaphore(%arg11 : memref<!tpu.dma_semaphore, #tpu.memory_space<semaphore_mem>>) src(%dma_wait3A_163 : memref<80x128xf32, #tpu.memory_space<hbm>>) dst(%arg9 : memref<80x128xf32, #tpu.memory_space<vmem>>)
    %dma_start3A_164 = arith.constant 124 : i32
    %dma_start3A_165 = arith.constant 0 : i32
    %dma_start3A_166 = tpu.memref_slice %arg7[%dma_start3A_164, %dma_start3A_165] : memref<125x80xi32, #tpu.memory_space<vmem>> -> memref<1x80xi32, #tpu.memory_space<vmem>>
    %dma_start3A_167 = tpu.memref_squeeze %dma_start3A_166 : memref<1x80xi32, #tpu.memory_space<vmem>> -> memref<80xi32, #tpu.memory_space<vmem>>
    %dma_start3A_168 = arith.constant 0 : i32
    %dma_start3A_169 = arith.constant 0 : i32
    %dma_start3A_170 = tpu.memref_slice %arg14[%dma_start3A_168, %dma_start3A_169] : memref<10112x128xf32, #tpu.memory_space<vmem_shared>> -> memref<10112x128xf32, #tpu.memory_space<vmem_shared>>
    tpu.enqueue_indirect_dma source(%arg9 : memref<80x128xf32, #tpu.memory_space<vmem>>) target(%dma_start3A_170 : memref<10112x128xf32, #tpu.memory_space<vmem_shared>>) offsets(%dma_start3A_167 : memref<80xi32, #tpu.memory_space<vmem>>) semaphore(%arg13 : memref<!tpu.dma_semaphore, #tpu.memory_space<semaphore_mem>>) {add = true}
    %dma_wait3A_171 = arith.constant 0 : i32
    %dma_wait3A_172 = arith.constant 0 : i32
    %dma_wait3A_173 = tpu.memref_slice %arg2[%dma_wait3A_171, %dma_wait3A_172] : memref<10000x128xf32, #tpu.memory_space<hbm>> -> memref<80x128xf32, #tpu.memory_space<hbm>>
    %dma_wait3A_174 = arith.constant 0 : i32
    %dma_wait3A_175 = arith.constant 0 : i32
    %dma_wait3A_176 = tpu.memref_slice %arg2[%dma_wait3A_174, %dma_wait3A_175] : memref<10000x128xf32, #tpu.memory_space<hbm>> -> memref<80x128xf32, #tpu.memory_space<hbm>>
    tpu.wait_dma2 semaphore(%arg12 : memref<!tpu.dma_semaphore, #tpu.memory_space<semaphore_mem>>) src(%dma_wait3A_176 : memref<80x128xf32, #tpu.memory_space<hbm>>) dst(%arg8 : memref<80x128xf32, #tpu.memory_space<vmem>>)
    %dma_wait3A_177 = arith.constant 0 : i32
    %dma_wait3A_178 = arith.constant 0 : i32
    %dma_wait3A_179 = tpu.memref_slice %arg2[%dma_wait3A_177, %dma_wait3A_178] : memref<10000x128xf32, #tpu.memory_space<hbm>> -> memref<80x128xf32, #tpu.memory_space<hbm>>
    %dma_wait3A_180 = arith.constant 0 : i32
    %dma_wait3A_181 = arith.constant 0 : i32
    %dma_wait3A_182 = tpu.memref_slice %arg2[%dma_wait3A_180, %dma_wait3A_181] : memref<10000x128xf32, #tpu.memory_space<hbm>> -> memref<80x128xf32, #tpu.memory_space<hbm>>
    tpu.wait_dma2 semaphore(%arg13 : memref<!tpu.dma_semaphore, #tpu.memory_space<semaphore_mem>>) src(%dma_wait3A_182 : memref<80x128xf32, #tpu.memory_space<hbm>>) dst(%arg9 : memref<80x128xf32, #tpu.memory_space<vmem>>)
    %barrier3A_183 = arith.constant 0 : index
    tpu.barrier barrier_id(%barrier3A_183)
    "tpu.region"() ({
      %run_scoped3A = tpu.sem_alloc : memref<!tpu.dma_semaphore, #tpu.memory_space<semaphore_mem>>
      %dma_start3A_184 = arith.constant 0 : i32
      %dma_start3A_185 = tpu.memref_slice %arg5[%arg0, %mul3A_21, %dma_start3A_184] : memref<2x10112x128xf32, #tpu.memory_space<hbm>> -> memref<1x632x128xf32, #tpu.memory_space<hbm>>
      %dma_start3A_186 = tpu.memref_squeeze %dma_start3A_185 : memref<1x632x128xf32, #tpu.memory_space<hbm>> -> memref<632x128xf32, #tpu.memory_space<hbm>>
      %dma_start3A_187 = arith.constant 0 : i32
      %dma_start3A_188 = tpu.memref_slice %arg14[%mul3A_21, %dma_start3A_187] : memref<10112x128xf32, #tpu.memory_space<vmem_shared>> -> memref<632x128xf32, #tpu.memory_space<vmem_shared>>
      tpu.enqueue_dma source(%dma_start3A_188 : memref<632x128xf32, #tpu.memory_space<vmem_shared>>) target(%dma_start3A_186 : memref<632x128xf32, #tpu.memory_space<hbm>>) target_semaphore(%run_scoped3A : memref<!tpu.dma_semaphore, #tpu.memory_space<semaphore_mem>>)
      %dma_wait3A_189 = arith.constant 0 : i32
      %dma_wait3A_190 = tpu.memref_slice %arg5[%arg0, %mul3A_21, %dma_wait3A_189] : memref<2x10112x128xf32, #tpu.memory_space<hbm>> -> memref<1x632x128xf32, #tpu.memory_space<hbm>>
      %dma_wait3A_191 = tpu.memref_squeeze %dma_wait3A_190 : memref<1x632x128xf32, #tpu.memory_space<hbm>> -> memref<632x128xf32, #tpu.memory_space<hbm>>
      %dma_wait3A_192 = arith.constant 0 : i32
      %dma_wait3A_193 = tpu.memref_slice %arg14[%mul3A_21, %dma_wait3A_192] : memref<10112x128xf32, #tpu.memory_space<vmem_shared>> -> memref<632x128xf32, #tpu.memory_space<vmem_shared>>
      tpu.wait_dma2 semaphore(%run_scoped3A : memref<!tpu.dma_semaphore, #tpu.memory_space<semaphore_mem>>) src(%dma_wait3A_193 : memref<632x128xf32, #tpu.memory_space<vmem_shared>>) dst(%dma_wait3A_191 : memref<632x128xf32, #tpu.memory_space<hbm>>)
      tpu.yield
    }) : () -> ()
    return
  }
}

module attributes {stable_mosaic.version = 14 : i64} {
  func.func @_mm_nt_body(%arg0: i32, %arg1: memref<2000x128xf32, #tpu.memory_space<vmem>>, %arg2: memref<128x128xf32, #tpu.memory_space<vmem>>, %arg3: memref<2000x128xf32, #tpu.memory_space<vmem>>) attributes {dimension_semantics = [#tpu.dimension_semantics<arbitrary>], iteration_bounds = array<i64: 5>, scalar_prefetch = 0 : i64, scratch_operands = 0 : i64, tpu.core_type = #tpu.core_type<tc>, window_params = [{transform_indices = @transform_0, window_bounds = array<i64: 2000, 128>}, {pipeline_mode = #tpu.pipeline_mode<synchronous>, transform_indices = @transform_1, window_bounds = array<i64: 128, 128>}, {transform_indices = @transform_2, window_bounds = array<i64: 2000, 128>}]} {
    %get3A = arith.constant 0 : index
    %get3A_0 = arith.constant 0 : index
    %get3A_1 = vector.load %arg1[%get3A, %get3A_0] : memref<2000x128xf32, #tpu.memory_space<vmem>>, vector<2000x128xf32>
    %get3A_2 = arith.constant 0 : index
    %get3A_3 = arith.constant 0 : index
    %get3A_4 = vector.load %arg2[%get3A_2, %get3A_3] : memref<128x128xf32, #tpu.memory_space<vmem>>, vector<128x128xf32>
    %dot_general3A = arith.constant dense<0.000000e+00> : vector<2000x128xf32>
    %dot_general3A_5 = tpu.matmul %get3A_1, %get3A_4, %dot_general3A {dimension_numbers = #tpu.dot_dimension_numbers<[1], [1], [0], [0], [0, 0, 1, 0], [], []>, transpose_lhs_hint = false} : vector<2000x128xf32>, vector<128x128xf32>, vector<2000x128xf32> -> vector<2000x128xf32>
    %swap3A = arith.constant 0 : index
    %swap3A_6 = arith.constant 0 : index
    %swap3A_7 = vector.load %arg3[%swap3A, %swap3A_6] : memref<2000x128xf32, #tpu.memory_space<vmem>>, vector<2000x128xf32>
    tpu.vector_store %arg3[%swap3A, %swap3A_6], %dot_general3A_5 {strides = array<i32>} : memref<2000x128xf32, #tpu.memory_space<vmem>>, vector<2000x128xf32>,
    return
  }
  func.func @transform_0(%arg0: i32) -> (i32, i32) {
    %c0_i32 = arith.constant 0 : i32
    %c0_i32_0 = arith.constant 0 : i32
    return %arg0, %c0_i32 : i32, i32
  }
  func.func @transform_1(%arg0: i32) -> (i32, i32) {
    %c0_i32 = arith.constant 0 : i32
    %c0_i32_0 = arith.constant 0 : i32
    %c0_i32_1 = arith.constant 0 : i32
    return %c0_i32, %c0_i32_0 : i32, i32
  }
  func.func @transform_2(%arg0: i32) -> (i32, i32) {
    %c0_i32 = arith.constant 0 : i32
    %c0_i32_0 = arith.constant 0 : i32
    return %arg0, %c0_i32 : i32, i32
  }
}

module attributes {stable_mosaic.version = 14 : i64} {
  func.func @_zlin_body(%arg0: i32, %arg1: memref<2000x128xf32, #tpu.memory_space<vmem>>, %arg2: memref<128x128xf32, #tpu.memory_space<vmem>>, %arg3: memref<128xf32, #tpu.memory_space<vmem>>, %arg4: memref<2000x128xf32, #tpu.memory_space<vmem>>) attributes {dimension_semantics = [#tpu.dimension_semantics<arbitrary>], iteration_bounds = array<i64: 5>, scalar_prefetch = 0 : i64, scratch_operands = 0 : i64, tpu.core_type = #tpu.core_type<tc>, window_params = [{transform_indices = @transform_0, window_bounds = array<i64: 2000, 128>}, {pipeline_mode = #tpu.pipeline_mode<synchronous>, transform_indices = @transform_1, window_bounds = array<i64: 128, 128>}, {pipeline_mode = #tpu.pipeline_mode<synchronous>, transform_indices = @transform_2, window_bounds = array<i64: 128>}, {transform_indices = @transform_3, window_bounds = array<i64: 2000, 128>}]} {
    %get3A = arith.constant 0 : index
    %get3A_0 = arith.constant 0 : index
    %get3A_1 = vector.load %arg1[%get3A, %get3A_0] : memref<2000x128xf32, #tpu.memory_space<vmem>>, vector<2000x128xf32>
    %get3A_2 = arith.constant 0 : index
    %get3A_3 = arith.constant 0 : index
    %get3A_4 = vector.load %arg2[%get3A_2, %get3A_3] : memref<128x128xf32, #tpu.memory_space<vmem>>, vector<128x128xf32>
    %dot_general3A = arith.constant dense<0.000000e+00> : vector<2000x128xf32>
    %dot_general3A_5 = tpu.matmul %get3A_1, %get3A_4, %dot_general3A {dimension_numbers = #tpu.dot_dimension_numbers<[1], [1], [0], [0], [0, 0, 1, 0], [], []>, transpose_lhs_hint = false} : vector<2000x128xf32>, vector<128x128xf32>, vector<2000x128xf32> -> vector<2000x128xf32>
    %get3A_6 = arith.constant 0 : index
    %get3A_7 = vector.load %arg3[%get3A_6] : memref<128xf32, #tpu.memory_space<vmem>>, vector<128xf32>
    %broadcast_in_dim3A = vector.shape_cast %get3A_7 : vector<128xf32> to vector<1x128xf32>
    %add3A = vector.broadcast %broadcast_in_dim3A : vector<1x128xf32> to vector<2000x128xf32>
    %add3A_8 = arith.addf %dot_general3A_5, %add3A : vector<2000x128xf32>
    %swap3A = arith.constant 0 : index
    %swap3A_9 = arith.constant 0 : index
    %swap3A_10 = vector.load %arg4[%swap3A, %swap3A_9] : memref<2000x128xf32, #tpu.memory_space<vmem>>, vector<2000x128xf32>
    tpu.vector_store %arg4[%swap3A, %swap3A_9], %add3A_8 {strides = array<i32>} : memref<2000x128xf32, #tpu.memory_space<vmem>>, vector<2000x128xf32>,
    return
  }
  func.func @transform_0(%arg0: i32) -> (i32, i32) {
    %c0_i32 = arith.constant 0 : i32
    %c0_i32_0 = arith.constant 0 : i32
    return %arg0, %c0_i32 : i32, i32
  }
  func.func @transform_1(%arg0: i32) -> (i32, i32) {
    %c0_i32 = arith.constant 0 : i32
    %c0_i32_0 = arith.constant 0 : i32
    %c0_i32_1 = arith.constant 0 : i32
    return %c0_i32, %c0_i32_0 : i32, i32
  }
  func.func @transform_2(%arg0: i32) -> i32 {
    %c0_i32 = arith.constant 0 : i32
    %c0_i32_0 = arith.constant 0 : i32
    return %c0_i32 : i32
  }
  func.func @transform_3(%arg0: i32) -> (i32, i32) {
    %c0_i32 = arith.constant 0 : i32
    %c0_i32_0 = arith.constant 0 : i32
    return %arg0, %c0_i32 : i32, i32
  }
}

module attributes {stable_mosaic.version = 14 : i64} {
  func.func @_comb_body(%arg0: i32, %arg1: memref<1x2000x128xf32, #tpu.memory_space<vmem>>, %arg2: memref<1x2000x128xf32, #tpu.memory_space<vmem>>, %arg3: memref<2000x128xf32, #tpu.memory_space<vmem>>, %arg4: memref<128x128xf32, #tpu.memory_space<vmem>>, %arg5: memref<2000x128xf32, #tpu.memory_space<vmem>>) attributes {dimension_semantics = [#tpu.dimension_semantics<arbitrary>], iteration_bounds = array<i64: 5>, scalar_prefetch = 0 : i64, scratch_operands = 0 : i64, tpu.core_type = #tpu.core_type<tc>, window_params = [{transform_indices = @transform_0, window_bounds = array<i64: 1, 2000, 128>}, {transform_indices = @transform_1, window_bounds = array<i64: 1, 2000, 128>}, {transform_indices = @transform_2, window_bounds = array<i64: 2000, 128>}, {pipeline_mode = #tpu.pipeline_mode<synchronous>, transform_indices = @transform_3, window_bounds = array<i64: 128, 128>}, {transform_indices = @transform_4, window_bounds = array<i64: 2000, 128>}]} {
    %get3A = arith.constant 0 : index
    %get3A_0 = arith.constant 0 : index
    %get3A_1 = arith.constant 0 : index
    %get3A_2 = vector.load %arg1[%get3A, %get3A_0, %get3A_1] : memref<1x2000x128xf32, #tpu.memory_space<vmem>>, vector<1x2000x128xf32>
    %get3A_3 = vector.shape_cast %get3A_2 : vector<1x2000x128xf32> to vector<2000x128xf32>
    %get3A_4 = arith.constant 0 : index
    %get3A_5 = arith.constant 0 : index
    %get3A_6 = arith.constant 0 : index
    %get3A_7 = vector.load %arg2[%get3A_4, %get3A_5, %get3A_6] : memref<1x2000x128xf32, #tpu.memory_space<vmem>>, vector<1x2000x128xf32>
    %get3A_8 = vector.shape_cast %get3A_7 : vector<1x2000x128xf32> to vector<2000x128xf32>
    %add3A = arith.addf %get3A_3, %get3A_8 : vector<2000x128xf32>
    %get3A_9 = arith.constant 0 : index
    %get3A_10 = arith.constant 0 : index
    %get3A_11 = vector.load %arg3[%get3A_9, %get3A_10] : memref<2000x128xf32, #tpu.memory_space<vmem>>, vector<2000x128xf32>
    %add3A_12 = arith.addf %add3A, %get3A_11 : vector<2000x128xf32>
    %max3A = arith.constant 0.000000e+00 : f32
    %max3A_13 = vector.broadcast %max3A : f32 to vector<2000x128xf32>
    %max3A_14 = arith.maximumf %add3A_12, %max3A_13 : vector<2000x128xf32>
    %get3A_15 = arith.constant 0 : index
    %get3A_16 = arith.constant 0 : index
    %get3A_17 = vector.load %arg4[%get3A_15, %get3A_16] : memref<128x128xf32, #tpu.memory_space<vmem>>, vector<128x128xf32>
    %dot_general3A = arith.constant dense<0.000000e+00> : vector<2000x128xf32>
    %dot_general3A_18 = tpu.matmul %max3A_14, %get3A_17, %dot_general3A {dimension_numbers = #tpu.dot_dimension_numbers<[1], [1], [0], [0], [0, 0, 1, 0], [], []>, transpose_lhs_hint = false} : vector<2000x128xf32>, vector<128x128xf32>, vector<2000x128xf32> -> vector<2000x128xf32>
    %swap3A = arith.constant 0 : index
    %swap3A_19 = arith.constant 0 : index
    %swap3A_20 = vector.load %arg5[%swap3A, %swap3A_19] : memref<2000x128xf32, #tpu.memory_space<vmem>>, vector<2000x128xf32>
    tpu.vector_store %arg5[%swap3A, %swap3A_19], %dot_general3A_18 {strides = array<i32>} : memref<2000x128xf32, #tpu.memory_space<vmem>>, vector<2000x128xf32>,
    return
  }
  func.func @transform_0(%arg0: i32) -> (i32, i32, i32) {
    %c0_i32 = arith.constant 0 : i32
    %c0_i32_0 = arith.constant 0 : i32
    %c0_i32_1 = arith.constant 0 : i32
    return %c0_i32, %arg0, %c0_i32_0 : i32, i32, i32
  }
  func.func @transform_1(%arg0: i32) -> (i32, i32, i32) {
    %c1_i32 = arith.constant 1 : i32
    %c0_i32 = arith.constant 0 : i32
    %c0_i32_0 = arith.constant 0 : i32
    return %c1_i32, %arg0, %c0_i32 : i32, i32, i32
  }
  func.func @transform_2(%arg0: i32) -> (i32, i32) {
    %c0_i32 = arith.constant 0 : i32
    %c0_i32_0 = arith.constant 0 : i32
    return %arg0, %c0_i32 : i32, i32
  }
  func.func @transform_3(%arg0: i32) -> (i32, i32) {
    %c0_i32 = arith.constant 0 : i32
    %c0_i32_0 = arith.constant 0 : i32
    %c0_i32_1 = arith.constant 0 : i32
    return %c0_i32, %c0_i32_0 : i32, i32
  }
  func.func @transform_4(%arg0: i32) -> (i32, i32) {
    %c0_i32 = arith.constant 0 : i32
    %c0_i32_0 = arith.constant 0 : i32
    return %arg0, %c0_i32 : i32, i32
  }
}

module attributes {stable_mosaic.version = 14 : i64} {
  func.func @_zlin2_body(%arg0: i32, %arg1: memref<1x2000x128xf32, #tpu.memory_space<vmem>>, %arg2: memref<1x2000x128xf32, #tpu.memory_space<vmem>>, %arg3: memref<2000x128xf32, #tpu.memory_space<vmem>>, %arg4: memref<128x128xf32, #tpu.memory_space<vmem>>, %arg5: memref<128xf32, #tpu.memory_space<vmem>>, %arg6: memref<2000x128xf32, #tpu.memory_space<vmem>>) attributes {dimension_semantics = [#tpu.dimension_semantics<arbitrary>], iteration_bounds = array<i64: 5>, scalar_prefetch = 0 : i64, scratch_operands = 0 : i64, tpu.core_type = #tpu.core_type<tc>, window_params = [{transform_indices = @transform_0, window_bounds = array<i64: 1, 2000, 128>}, {transform_indices = @transform_1, window_bounds = array<i64: 1, 2000, 128>}, {transform_indices = @transform_2, window_bounds = array<i64: 2000, 128>}, {pipeline_mode = #tpu.pipeline_mode<synchronous>, transform_indices = @transform_3, window_bounds = array<i64: 128, 128>}, {pipeline_mode = #tpu.pipeline_mode<synchronous>, transform_indices = @transform_4, window_bounds = array<i64: 128>}, {transform_indices = @transform_5, window_bounds = array<i64: 2000, 128>}]} {
    %get3A = arith.constant 0 : index
    %get3A_0 = arith.constant 0 : index
    %get3A_1 = arith.constant 0 : index
    %get3A_2 = vector.load %arg1[%get3A, %get3A_0, %get3A_1] : memref<1x2000x128xf32, #tpu.memory_space<vmem>>, vector<1x2000x128xf32>
    %get3A_3 = vector.shape_cast %get3A_2 : vector<1x2000x128xf32> to vector<2000x128xf32>
    %get3A_4 = arith.constant 0 : index
    %get3A_5 = arith.constant 0 : index
    %get3A_6 = arith.constant 0 : index
    %get3A_7 = vector.load %arg2[%get3A_4, %get3A_5, %get3A_6] : memref<1x2000x128xf32, #tpu.memory_space<vmem>>, vector<1x2000x128xf32>
    %get3A_8 = vector.shape_cast %get3A_7 : vector<1x2000x128xf32> to vector<2000x128xf32>
    %add3A = arith.addf %get3A_3, %get3A_8 : vector<2000x128xf32>
    %get3A_9 = arith.constant 0 : index
    %get3A_10 = arith.constant 0 : index
    %get3A_11 = vector.load %arg3[%get3A_9, %get3A_10] : memref<2000x128xf32, #tpu.memory_space<vmem>>, vector<2000x128xf32>
    %add3A_12 = arith.addf %add3A, %get3A_11 : vector<2000x128xf32>
    %max3A = arith.constant 0.000000e+00 : f32
    %max3A_13 = vector.broadcast %max3A : f32 to vector<2000x128xf32>
    %max3A_14 = arith.maximumf %add3A_12, %max3A_13 : vector<2000x128xf32>
    %get3A_15 = arith.constant 0 : index
    %get3A_16 = arith.constant 0 : index
    %get3A_17 = vector.load %arg4[%get3A_15, %get3A_16] : memref<128x128xf32, #tpu.memory_space<vmem>>, vector<128x128xf32>
    %dot_general3A = arith.constant dense<0.000000e+00> : vector<2000x128xf32>
    %dot_general3A_18 = tpu.matmul %max3A_14, %get3A_17, %dot_general3A {dimension_numbers = #tpu.dot_dimension_numbers<[1], [1], [0], [0], [0, 0, 1, 0], [], []>, transpose_lhs_hint = false} : vector<2000x128xf32>, vector<128x128xf32>, vector<2000x128xf32> -> vector<2000x128xf32>
    %get3A_19 = arith.constant 0 : index
    %get3A_20 = vector.load %arg5[%get3A_19] : memref<128xf32, #tpu.memory_space<vmem>>, vector<128xf32>
    %broadcast_in_dim3A = vector.shape_cast %get3A_20 : vector<128xf32> to vector<1x128xf32>
    %add3A_21 = vector.broadcast %broadcast_in_dim3A : vector<1x128xf32> to vector<2000x128xf32>
    %add3A_22 = arith.addf %dot_general3A_18, %add3A_21 : vector<2000x128xf32>
    %swap3A = arith.constant 0 : index
    %swap3A_23 = arith.constant 0 : index
    %swap3A_24 = vector.load %arg6[%swap3A, %swap3A_23] : memref<2000x128xf32, #tpu.memory_space<vmem>>, vector<2000x128xf32>
    tpu.vector_store %arg6[%swap3A, %swap3A_23], %add3A_22 {strides = array<i32>} : memref<2000x128xf32, #tpu.memory_space<vmem>>, vector<2000x128xf32>,
    return
  }
  func.func @transform_0(%arg0: i32) -> (i32, i32, i32) {
    %c0_i32 = arith.constant 0 : i32
    %c0_i32_0 = arith.constant 0 : i32
    %c0_i32_1 = arith.constant 0 : i32
    return %c0_i32, %arg0, %c0_i32_0 : i32, i32, i32
  }
  func.func @transform_1(%arg0: i32) -> (i32, i32, i32) {
    %c1_i32 = arith.constant 1 : i32
    %c0_i32 = arith.constant 0 : i32
    %c0_i32_0 = arith.constant 0 : i32
    return %c1_i32, %arg0, %c0_i32 : i32, i32, i32
  }
  func.func @transform_2(%arg0: i32) -> (i32, i32) {
    %c0_i32 = arith.constant 0 : i32
    %c0_i32_0 = arith.constant 0 : i32
    return %arg0, %c0_i32 : i32, i32
  }
  func.func @transform_3(%arg0: i32) -> (i32, i32) {
    %c0_i32 = arith.constant 0 : i32
    %c0_i32_0 = arith.constant 0 : i32
    %c0_i32_1 = arith.constant 0 : i32
    return %c0_i32, %c0_i32_0 : i32, i32
  }
  func.func @transform_4(%arg0: i32) -> i32 {
    %c0_i32 = arith.constant 0 : i32
    %c0_i32_0 = arith.constant 0 : i32
    return %c0_i32 : i32
  }
  func.func @transform_5(%arg0: i32) -> (i32, i32) {
    %c0_i32 = arith.constant 0 : i32
    %c0_i32_0 = arith.constant 0 : i32
    return %arg0, %c0_i32 : i32, i32
  }
}

module attributes {stable_mosaic.version = 14 : i64} {
  func.func @_final_body(%arg0: i32, %arg1: memref<1x2000x128xf32, #tpu.memory_space<vmem>>, %arg2: memref<1x2000x128xf32, #tpu.memory_space<vmem>>, %arg3: memref<2000x128xf32, #tpu.memory_space<vmem>>, %arg4: memref<2000x1xi32, #tpu.memory_space<vmem>>, %arg5: memref<10x128xf32, #tpu.memory_space<vmem>>, %arg6: memref<10xf32, #tpu.memory_space<vmem>>, %arg7: memref<64x10xf32, #tpu.memory_space<vmem>>, %arg8: memref<64x128xf32, #tpu.memory_space<vmem>>, %arg9: memref<64x128xf32, #tpu.memory_space<vmem>>) attributes {dimension_semantics = [#tpu.dimension_semantics<arbitrary>], iteration_bounds = array<i64: 5>, scalar_prefetch = 0 : i64, scratch_operands = 2 : i64, tpu.core_type = #tpu.core_type<tc>, window_params = [{transform_indices = @transform_0, window_bounds = array<i64: 1, 2000, 128>}, {transform_indices = @transform_1, window_bounds = array<i64: 1, 2000, 128>}, {transform_indices = @transform_2, window_bounds = array<i64: 2000, 128>}, {transform_indices = @transform_3, window_bounds = array<i64: 2000, 1>}, {pipeline_mode = #tpu.pipeline_mode<synchronous>, transform_indices = @transform_4, window_bounds = array<i64: 10, 128>}, {pipeline_mode = #tpu.pipeline_mode<synchronous>, transform_indices = @transform_5, window_bounds = array<i64: 10>}, {pipeline_mode = #tpu.pipeline_mode<synchronous>, transform_indices = @transform_6, window_bounds = array<i64: 64, 10>}]} {
    %eq3A = arith.constant 0 : i32
    %eq3A_0 = arith.cmpi eq, %arg0, %eq3A : i32
    %convert_element_type3A = arith.extui %eq3A_0 : i1 to i32
    %cond3A = arith.constant 0 : i32
    %cond3A_1 = arith.cmpi ne, %convert_element_type3A, %cond3A : i32
    scf.if %cond3A_1 {
      %broadcast_in_dim3A_45 = arith.constant 0.000000e+00 : f32
      %broadcast_in_dim3A_46 = vector.broadcast %broadcast_in_dim3A_45 : f32 to vector<64x128xf32>
      %swap3A_47 = arith.constant 0 : index
      %swap3A_48 = arith.constant 0 : index
      %swap3A_49 = vector.load %arg8[%swap3A_47, %swap3A_48] : memref<64x128xf32, #tpu.memory_space<vmem>>, vector<64x128xf32>
      tpu.vector_store %arg8[%swap3A_47, %swap3A_48], %broadcast_in_dim3A_46 {strides = array<i32>} : memref<64x128xf32, #tpu.memory_space<vmem>>, vector<64x128xf32>,
      %broadcast_in_dim3A_50 = arith.constant 0.000000e+00 : f32
      %broadcast_in_dim3A_51 = vector.broadcast %broadcast_in_dim3A_50 : f32 to vector<64x128xf32>
      %swap3A_52 = arith.constant 0 : index
      %swap3A_53 = arith.constant 0 : index
      %swap3A_54 = vector.load %arg9[%swap3A_52, %swap3A_53] : memref<64x128xf32, #tpu.memory_space<vmem>>, vector<64x128xf32>
      tpu.vector_store %arg9[%swap3A_52, %swap3A_53], %broadcast_in_dim3A_51 {strides = array<i32>} : memref<64x128xf32, #tpu.memory_space<vmem>>, vector<64x128xf32>,
    } else {
    }
    %get3A = arith.constant 0 : index
    %get3A_2 = arith.constant 0 : index
    %get3A_3 = arith.constant 0 : index
    %get3A_4 = vector.load %arg1[%get3A, %get3A_2, %get3A_3] : memref<1x2000x128xf32, #tpu.memory_space<vmem>>, vector<1x2000x128xf32>
    %get3A_5 = vector.shape_cast %get3A_4 : vector<1x2000x128xf32> to vector<2000x128xf32>
    %get3A_6 = arith.constant 0 : index
    %get3A_7 = arith.constant 0 : index
    %get3A_8 = arith.constant 0 : index
    %get3A_9 = vector.load %arg2[%get3A_6, %get3A_7, %get3A_8] : memref<1x2000x128xf32, #tpu.memory_space<vmem>>, vector<1x2000x128xf32>
    %get3A_10 = vector.shape_cast %get3A_9 : vector<1x2000x128xf32> to vector<2000x128xf32>
    %add3A = arith.addf %get3A_5, %get3A_10 : vector<2000x128xf32>
    %get3A_11 = arith.constant 0 : index
    %get3A_12 = arith.constant 0 : index
    %get3A_13 = vector.load %arg3[%get3A_11, %get3A_12] : memref<2000x128xf32, #tpu.memory_space<vmem>>, vector<2000x128xf32>
    %add3A_14 = arith.addf %add3A, %get3A_13 : vector<2000x128xf32>
    %get3A_15 = arith.constant 0 : index
    %get3A_16 = arith.constant 0 : index
    %get3A_17 = vector.load %arg4[%get3A_15, %get3A_16] : memref<2000x1xi32, #tpu.memory_space<vmem>>, vector<2000x1xi32>
    %iota3A = tpu.iota {dimensions = array<i32: 1>} : vector<2000x64xi32>
    %eq3A_18 = vector.broadcast %get3A_17 : vector<2000x1xi32> to vector<2000x64xi32>
    %eq3A_19 = arith.cmpi eq, %eq3A_18, %iota3A : vector<2000x64xi32>
    %jit3A = arith.constant 1.000000e+00 : f32
    %jit3A_20 = arith.constant 0.000000e+00 : f32
    %broadcast_in_dim3A = vector.broadcast %jit3A : f32 to vector<2000x64xf32>
    %broadcast_in_dim3A_21 = vector.broadcast %jit3A_20 : f32 to vector<2000x64xf32>
    %select_n3A = arith.select %eq3A_19, %broadcast_in_dim3A, %broadcast_in_dim3A_21 : vector<2000x64xi1>, vector<2000x64xf32>
    %get3A_22 = arith.constant 0 : index
    %get3A_23 = arith.constant 0 : index
    %get3A_24 = vector.load %arg8[%get3A_22, %get3A_23] : memref<64x128xf32, #tpu.memory_space<vmem>>, vector<64x128xf32>
    %dot_general3A = arith.constant dense<0.000000e+00> : vector<64x128xf32>
    %dot_general3A_25 = tpu.matmul %select_n3A, %add3A_14, %dot_general3A {dimension_numbers = #tpu.dot_dimension_numbers<[0], [0], [1], [1], [0, 1, 1, 1], [], []>, transpose_lhs_hint = false} : vector<2000x64xf32>, vector<2000x128xf32>, vector<64x128xf32> -> vector<64x128xf32>
    %add3A_26 = arith.addf %get3A_24, %dot_general3A_25 : vector<64x128xf32>
    %swap3A = arith.constant 0 : index
    %swap3A_27 = arith.constant 0 : index
    %swap3A_28 = vector.load %arg8[%swap3A, %swap3A_27] : memref<64x128xf32, #tpu.memory_space<vmem>>, vector<64x128xf32>
    tpu.vector_store %arg8[%swap3A, %swap3A_27], %add3A_26 {strides = array<i32>} : memref<64x128xf32, #tpu.memory_space<vmem>>, vector<64x128xf32>,
    %get3A_29 = arith.constant 0 : index
    %get3A_30 = arith.constant 0 : index
    %get3A_31 = vector.load %arg9[%get3A_29, %get3A_30] : memref<64x128xf32, #tpu.memory_space<vmem>>, vector<64x128xf32>
    %broadcast_in_dim3A_32 = arith.constant 1.000000e+00 : f32
    %broadcast_in_dim3A_33 = vector.broadcast %broadcast_in_dim3A_32 : f32 to vector<2000x128xf32>
    %dot_general3A_34 = arith.constant dense<0.000000e+00> : vector<64x128xf32>
    %dot_general3A_35 = tpu.matmul %select_n3A, %broadcast_in_dim3A_33, %dot_general3A_34 {dimension_numbers = #tpu.dot_dimension_numbers<[0], [0], [1], [1], [0, 1, 1, 1], [], []>, transpose_lhs_hint = false} : vector<2000x64xf32>, vector<2000x128xf32>, vector<64x128xf32> -> vector<64x128xf32>
    %add3A_36 = arith.addf %get3A_31, %dot_general3A_35 : vector<64x128xf32>
    %swap3A_37 = arith.constant 0 : index
    %swap3A_38 = arith.constant 0 : index
    %swap3A_39 = vector.load %arg9[%swap3A_37, %swap3A_38] : memref<64x128xf32, #tpu.memory_space<vmem>>, vector<64x128xf32>
    tpu.vector_store %arg9[%swap3A_37, %swap3A_38], %add3A_36 {strides = array<i32>} : memref<64x128xf32, #tpu.memory_space<vmem>>, vector<64x128xf32>,
    %eq3A_40 = arith.constant 4 : i32
    %eq3A_41 = arith.cmpi eq, %arg0, %eq3A_40 : i32
    %convert_element_type3A_42 = arith.extui %eq3A_41 : i1 to i32
    %cond3A_43 = arith.constant 0 : i32
    %cond3A_44 = arith.cmpi ne, %convert_element_type3A_42, %cond3A_43 : i32
    scf.if %cond3A_44 {
      %get3A_45 = arith.constant 0 : index
      %get3A_46 = arith.constant 0 : index
      %get3A_47 = vector.load %arg8[%get3A_45, %get3A_46] : memref<64x128xf32, #tpu.memory_space<vmem>>, vector<64x128xf32>
      %get3A_48 = arith.constant 0 : index
      %get3A_49 = arith.constant 0 : index
      %get3A_50 = vector.load %arg9[%get3A_48, %get3A_49] : memref<64x128xf32, #tpu.memory_space<vmem>>, vector<64x128xf32>
      %max3A = arith.constant 1.000000e+00 : f32
      %max3A_51 = vector.broadcast %max3A : f32 to vector<64x128xf32>
      %max3A_52 = arith.maximumf %get3A_50, %max3A_51 : vector<64x128xf32>
      %div3A = arith.divf %get3A_47, %max3A_52 : vector<64x128xf32>
      %get3A_53 = arith.constant 0 : index
      %get3A_54 = arith.constant 0 : index
      %get3A_55 = vector.load %arg5[%get3A_53, %get3A_54] : memref<10x128xf32, #tpu.memory_space<vmem>>, vector<10x128xf32>
      %dot_general3A_56 = arith.constant dense<0.000000e+00> : vector<64x10xf32>
      %dot_general3A_57 = tpu.matmul %div3A, %get3A_55, %dot_general3A_56 {dimension_numbers = #tpu.dot_dimension_numbers<[1], [1], [0], [0], [0, 0, 1, 0], [], []>, transpose_lhs_hint = false} : vector<64x128xf32>, vector<10x128xf32>, vector<64x10xf32> -> vector<64x10xf32>
      %get3A_58 = arith.constant 0 : index
      %get3A_59 = vector.load %arg6[%get3A_58] : memref<10xf32, #tpu.memory_space<vmem>>, vector<10xf32>
      %broadcast_in_dim3A_60 = vector.shape_cast %get3A_59 : vector<10xf32> to vector<1x10xf32>
      %add3A_61 = vector.broadcast %broadcast_in_dim3A_60 : vector<1x10xf32> to vector<64x10xf32>
      %add3A_62 = arith.addf %dot_general3A_57, %add3A_61 : vector<64x10xf32>
      %swap3A_63 = arith.constant 0 : index
      %swap3A_64 = arith.constant 0 : index
      %swap3A_65 = vector.load %arg7[%swap3A_63, %swap3A_64] : memref<64x10xf32, #tpu.memory_space<vmem>>, vector<64x10xf32>
      tpu.vector_store %arg7[%swap3A_63, %swap3A_64], %add3A_62 {strides = array<i32>} : memref<64x10xf32, #tpu.memory_space<vmem>>, vector<64x10xf32>,
    } else {
    }
    return
  }
  func.func @transform_0(%arg0: i32) -> (i32, i32, i32) {
    %c0_i32 = arith.constant 0 : i32
    %c0_i32_0 = arith.constant 0 : i32
    %c0_i32_1 = arith.constant 0 : i32
    return %c0_i32, %arg0, %c0_i32_0 : i32, i32, i32
  }
  func.func @transform_1(%arg0: i32) -> (i32, i32, i32) {
    %c1_i32 = arith.constant 1 : i32
    %c0_i32 = arith.constant 0 : i32
    %c0_i32_0 = arith.constant 0 : i32
    return %c1_i32, %arg0, %c0_i32 : i32, i32, i32
  }
  func.func @transform_2(%arg0: i32) -> (i32, i32) {
    %c0_i32 = arith.constant 0 : i32
    %c0_i32_0 = arith.constant 0 : i32
    return %arg0, %c0_i32 : i32, i32
  }
  func.func @transform_3(%arg0: i32) -> (i32, i32) {
    %c0_i32 = arith.constant 0 : i32
    %c0_i32_0 = arith.constant 0 : i32
    return %arg0, %c0_i32 : i32, i32
  }
  func.func @transform_4(%arg0: i32) -> (i32, i32) {
    %c0_i32 = arith.constant 0 : i32
    %c0_i32_0 = arith.constant 0 : i32
    %c0_i32_1 = arith.constant 0 : i32
    return %c0_i32, %c0_i32_0 : i32, i32
  }
  func.func @transform_5(%arg0: i32) -> i32 {
    %c0_i32 = arith.constant 0 : i32
    %c0_i32_0 = arith.constant 0 : i32
    return %c0_i32 : i32
  }
  func.func @transform_6(%arg0: i32) -> (i32, i32) {
    %c0_i32 = arith.constant 0 : i32
    %c0_i32_0 = arith.constant 0 : i32
    %c0_i32_1 = arith.constant 0 : i32
    return %c0_i32, %c0_i32_0 : i32, i32
  }
}

</mosaic_0001>

<sc_bundles>
// kernel: kernel.12.cloned.1.call-start
scs
__scs_entry_jumppad:
0x0: {  	(pc) =	sbr.rel $0x88, $3  }
0x1: {  	(tag) =	ssettag $0x0;
	lr =	simm.s32 $0x1  }
0x2: {  	[smem:$0x3F93] =	sst lr;
	_ =	strace $0xD0000000  }
0x3: {  	_ = 	snop  }
0x4: {  	_ = 	snop  }
0x5: {  	_ = 	snop  }
0x6: {  	_ = 	snop  }
0x7: {  	_ = 	snop  }
__scs_overlays_trampoline_lowered:
0x8: {  	[smem:$0x3FA2] =	sst s0  }
0x9: {  	[smem:$0x3FA3] =	sst s1  }
0xa: {  	[smem:$0x3FA4] =	sst s2  }
0xb: {  	[smem:$0x3FA5] =	sst s3  }
0xc: {  	[smem:$0x3FA6] =	sst s4  }
0xd: {  	[smem:$0x3FA7] =	sst s5  }
0xe: {  	[smem:$0x3FA8] =	sst s6  }
0xf: {  	[smem:$0x3FA9] =	sst s7  }
0x10: {  	[smem:$0x3FAA] =	sst s8  }
0x11: {  	[smem:$0x3FAB] =	sst s9;
	s0 =	simm.s32 @!p0 $0x0  }
0x12: {  	s1 =	sld [smem:$0x3F91];
	s0 =	simm.s32 @p0 $0x1  }
0x13: {  	[smem:$0x3FAC] =	sst s0;
	s0 =	simm.s32 @!p1 $0x0  }
0x14: {  	s2 =	sld [smem:$0x3F90];
	s0 =	simm.s32 @p1 $0x1  }
0x15: {  	[smem:$0x3FAD] =	sst s0;
	s0 =	simm.s32 @!p2 $0x0  }
0x16: {  	s3 =	sld [smem:$0x3FDB];
	s0 =	simm.s32 @p2 $0x1  }
0x17: {  	s4 =	simm.s32 $0x1BF5;
	[smem:$0x3FAF] =	sst s0  }
0x18: {  	s0 =	sld [smem:$0x3F92];
	_ =	swait.ge [sflag:s4], $0x0  }
0x19: {  	s7 =	sld [smem:$0x3F93]  }
0x1a: {  	s8 =	sadd.s32 $0xFFFFE003, lr  }
0x1b: {  	s9 =	sadd.s32 $0xFFFFFEF7, lr;
	s5 =	simm.s32 $0xFFFFFFFF;
	p2 =	slt.u32 s8, $0xFFFFF086  }
0x1c: {  	p1 =	slt.u32 s9, $0xF7A;
	s5 =	simm.s32 @!p2 $0x0  }
0x1d: {  	s5 =	simm.s32 @p1 $0x1;
	p0 =	seq.s32 s7, s2  }
0x1e: {  	s7 =	smul.u32 @!p0 $0xF7A, s2;
	p2 =	seq.s32 @!p0 s5, $0x0  }
0x1f: {  	s9 =	smul.u32 $0xF7A, s1;
	s8 =	simm.s32 @!p0 $0x1BF5;
	p2 =	por !p2, p0  }
0x20: {  	[sflag:s8] =	ssyncset.s32 @!p0 $0xFFFFF086;
	s6 =	sadd.s32 @!p0 s3, s7;
	s7 =	simm.s32 @!p0 $0x108  }
0x21: {  	s3 =	sadd.s32 s3, s9;
	s6 =	sadd.s32 @!p0 $0x88, s6;
	s7 =	simm.s32 @p2 $0x1082  }
0x22: {  	[simem:s7], [sflag:s8] =	dma.local @!p0 [hbm:s6], $0xF7A  }
0x23: {  	s9 =	sor.u32 $0xD0000000, s2;
	s6 =	simm.s32 $0x108;
	_ =	swait.ge @!p0 [sflag:s8], $0x0  }
0x24: {  	s3 =	sadd.s32 $0x88, s3;
	s6 =	simm.s32 @!p1 $0x1082;
	[sflag:s4] =	ssyncset.s32 $0xFFFFF086  }
0x25: {  	[simem:s6], [sflag:s4] =	dma.local [hbm:s3], $0xF7A  }
0x26: {  	[smem:$0x3F93] =	sst s1;
	(tag) =	ssettag s2;
	_ =	strace s9  }
0x27: {  	s1 =	sld [smem:$0x3FA3]  }
0x28: {  	s2 =	sld [smem:$0x3FA4]  }
0x29: {  	s4 =	sld [smem:$0x3FA6]  }
0x2a: {  	p0 =	seq.s32 s5, $0x0;
	s5 =	sld [smem:$0x3FA7]  }
0x2b: {  	s6 =	sld [smem:$0x3FA8]  }
0x2c: {  	s7 =	sld [smem:$0x3FA9]  }
0x2d: {  	s3 =	simm.s32 $0x108;
	s8 =	sld [smem:$0x3FAA]  }
0x2e: {  	s3 =	simm.s32 @!p0 $0x1082;
	s9 =	sld [smem:$0x3FAB]  }
0x2f: {  	lr =	sadd.s32 s0, s3;
	s0 =	sld [smem:$0x3FA2]  }
0x30: {  	s3 =	sld [smem:$0x3FA5]  }
0x31: {  	[smem:$0x3FAE] =	sst s10  }
0x32: {  	s10 =	sld [smem:$0x3FAC];
	_ =	sdelay $0x3  }
0x33: {  	p0 =	seq.s32 s10, $0x1;
	s10 =	sld [smem:$0x3FAE];
	_ =	sdelay $0x3  }
0x34: {  	[smem:$0x3FAE] =	sst s10  }
0x35: {  	s10 =	sld [smem:$0x3FAD];
	_ =	sdelay $0x3  }
0x36: {  	p1 =	seq.s32 s10, $0x1;
	s10 =	sld [smem:$0x3FAE];
	_ =	sdelay $0x3  }
0x37: {  	[smem:$0x3FAE] =	sst s10  }
0x38: {  	s10 =	sld [smem:$0x3FAF]  }
0x39: {  	_ = 	snop;
	(pc) =	sbr.ind lr, $3  }
0x3a: {  	_ = 	snop  }
0x3b: {  	_ = 	snop  }
0x3c: {  	p2 =	seq.s32 s10, $0x1;
	s10 =	sld [smem:$0x3FAE]  }
0x3d: {  	_ =	shalt  }
0x3e: {  	_ =	shalt  }
0x3f: {  	_ =	shalt  }
0x40: {  	_ =	shalt  }
0x41: {  	_ =	shalt  }
0x42: {  	_ =	shalt  }
0x43: {  	_ =	shalt  }
0x44: {  	_ =	shalt  }
0x45: {  	_ =	shalt  }
0x46: {  	_ =	shalt  }
0x47: {  	_ =	shalt  }
0x48: {  	_ =	shalt  }
0x49: {  	_ =	shalt  }
0x4a: {  	_ =	shalt  }
0x4b: {  	_ =	shalt  }
0x4c: {  	_ =	shalt  }
0x4d: {  	_ =	shalt  }
0x4e: {  	_ =	shalt  }
0x4f: {  	_ =	shalt  }
0x50: {  	_ =	shalt  }
0x51: {  	_ =	shalt  }
0x52: {  	_ =	shalt  }
0x53: {  	_ =	shalt  }
0x54: {  	_ =	shalt  }
0x55: {  	_ =	shalt  }
0x56: {  	_ =	shalt  }
0x57: {  	_ =	shalt  }
0x58: {  	_ =	shalt  }
0x59: {  	_ =	shalt  }
0x5a: {  	_ =	shalt  }
0x5b: {  	_ =	shalt  }
0x5c: {  	_ =	shalt  }
0x5d: {  	_ =	shalt  }
0x5e: {  	_ =	shalt  }
0x5f: {  	_ =	shalt  }
0x60: {  	_ =	shalt  }
0x61: {  	_ =	shalt  }
0x62: {  	_ =	shalt  }
0x63: {  	_ =	shalt  }
0x64: {  	_ =	shalt  }
0x65: {  	_ =	shalt  }
0x66: {  	_ =	shalt  }
0x67: {  	_ =	shalt  }
0x68: {  	_ =	shalt  }
0x69: {  	_ =	shalt  }
0x6a: {  	_ =	shalt  }
0x6b: {  	_ =	shalt  }
0x6c: {  	_ =	shalt  }
0x6d: {  	_ =	shalt  }
0x6e: {  	_ =	shalt  }
0x6f: {  	_ =	shalt  }
0x70: {  	_ =	shalt  }
0x71: {  	_ =	shalt  }
0x72: {  	_ =	shalt  }
0x73: {  	_ =	shalt  }
0x74: {  	_ =	shalt  }
0x75: {  	_ =	shalt  }
0x76: {  	_ =	shalt  }
0x77: {  	_ =	shalt  }
0x78: {  	_ =	shalt  }
0x79: {  	_ =	shalt  }
0x7a: {  	_ =	shalt  }
0x7b: {  	_ =	shalt  }
0x7c: {  	_ =	shalt  }
0x7d: {  	_ =	shalt  }
0x7e: {  	_ =	shalt  }
0x7f: {  	_ =	shalt  }
0x80: {  	_ =	shalt  }
0x81: {  	_ =	shalt  }
0x82: {  	_ =	shalt  }
0x83: {  	_ =	shalt  }
0x84: {  	_ =	shalt  }
0x85: {  	_ =	shalt  }
0x86: {  	_ =	shalt  }
0x87: {  	_ =	shalt  }
.Lfunc_end0:
.L_simem_size_0:
called_computation_lowered:
.L_overlay_start_0:
0x88: {  	s2 =	sld [smem:$0x3FD9]  }
0x89: {  	s3 =	sld [smem:$0x3FFE];
	_ =	sdelay $0x1  }
0x8a: {  	s1 =	srdreg.scid  }
0x8b: {  	s0 =	sand.u32 $0x1, s1  }
0x8c: {  	s16 =	sshll.u32 s0, $0xA;
	s2 =	sadd.s32 s3, s2  }
0x8d: {  	s2 =	sadd.s32 s2, s16  }
0x8e: {  	[smem:$0x3FBA] =	sst s2  }
0x8f: {  	_ = 	snop  }
0x90: {  	(tm) =	ssettm $0x1  }
0x91: {  	s17 =	sld [smem:$0x3FFB];
	_ =	sdelay $0x3  }
0x92: {  	_ =	strace s17  }
0x93: {  	s2 =	sld [smem:$0x3FFC];
	_ =	sdelay $0x3  }
0x94: {  	_ =	strace s2  }
0x95: {  	s2 =	sld [smem:$0x3FFD];
	_ =	sdelay $0x3  }
0x96: {  	_ =	strace s2  }
0x97: {  	_ =	strace $0x8FFFFFFF  }
0x98: {  	s18 =	sld [smem:$0x3FDB];
	_ =	sdelay $0x1  }
0x99: {  	s19 =	simm.s32 $_scs_section_size  }
0x9a: {  	s4 =	simm.s32 $_size__tile_overlayer_lowered;
	s5 =	simm.s32 $_tile_overlayer_lowered  }
0x9b: {  	s22 =	simm.s32 $0x1BFF;
	s21 =	sshll.u32 s5, $0x1;
	s2 =	sadd.s32 s19, s18  }
0x9c: {  	s6 =	simm.s32 $0x0;
	s20 =	sshll.u32 s4, $0x1;
	s4 =	sadd.s32 s21, s2  }
0x9d: {  	[timem:s6], [sflag:s22] =	dma.local [hbm:s4], s20  }
0x9e: {  	_ =	swait.ge [sflag:s22], s20  }
0x9f: {  	s3 =	ssub.s32 $0x0, s20;
	[sflag:s22] =	ssyncset.done $0x0  }
0xa0: {  	[sflag:s22] =	ssyncadd.s32 s3;
	_ =	sdelay $0x1  }
0xa1: {  	s23 =	simm.s32 $0x1B8B  }
0xa2: {  	_ =	swait.ge [sflag:s23], $0x1  }
0xa3: {  	[sflag:s23] =	ssyncset.done $0x0  }
0xa4: {  	s25 =	simm.s32 $0x1B8E;
	s24 =	sld [smem:$0x3FFE];
	[sflag:s23] =	ssyncadd.s32 $0xFFFFFFFF  }
0xa5: {  	s26 =	simm.s32 $execute0_lowered;
	[smem:$0x3FD2] =	sst s25  }
0xa6: {  	s4 =	sshll.u32 s26, $0x1;
	_ =	strace $0x80000046;
	[dreg:$0x1] =	wrdreg $0xFFFFFFFF  }
0xa7: {  	s28 =	simm.s32 $_size_execute0_lowered;
	s2 =	sadd.s32 s2, s4;
	[dreg:$0x0] =	wrdreg $0x0  }
0xa8: {  	s4 =	sshll.u32 s28, $0x1;
	[dreg:$0x2] =	wrdreg s2  }
0xa9: {  	[dreg:$0x3] =	wrdreg s4  }
0xaa: {  	[dreg:$0x4] =	wrdreg $0xC0  }
0xab: {  	_ =	task [dreg:s6], $0x5FFFF  }
0xac: {  	[dreg:$0x1] =	wrdreg $0xFFFFFFFF  }
0xad: {  	[dreg:$0x0] =	wrdreg $0x60  }
0xae: {  	[dreg:$0x2] =	wrdreg s24  }
0xaf: {  	[dreg:$0x3] =	wrdreg $0xB7800  }
0xb0: {  	[dreg:$0x4] =	wrdreg $0x9  }
0xb1: {  	_ =	task.clear_ibuf [dreg:s6], $0x5FFFF;
	_ =	strace $0x90000046  }
0xb2: {  	s29 =	simm.s32 $0x9;
	_ =	strace $0x80000048  }
0xb3: {  	_ =	swait.ge [sflag:s29], $0x1  }
0xb4: {  	[sflag:s29] =	ssyncadd.s32 $0xFFFFFFFF  }
0xb5: {  	_ =	strace $0x90000048  }
0xb6: {  	_ =	sfence  }
0xb7: {  	s30 =	sld [smem:$0x0];
	_ =	sdelay $0x2  }
0xb8: {  	s31 =	sshll.u32 s1, $0xD;
	s1 =	sshrl.u32 s1, $0x2  }
0xb9: {  	s3 =	sand.u32 $0x4000, s31;
	s1 =	sadd.s32 s1, s30  }
0xba: {  	s0 =	sor.u32 s3, s0;
	s1 =	sshll.u32 s1, $0x11  }
0xbb: {  	s0 =	sor.u32 s1, s0  }
0xbc: {  	s0 =	sadd.s32 $0x8F2B, s0  }
0xbd: {  	[sflag:s0] =	ssyncadd.remote.s32 $0x1  }
0xbe: {  	_ =	sfence.sel $0xFFFF  }
0xbf: {  	[dreg:$0x0] =	wrdreg $0xFFFFFFFF;
	(pc) =	sbr.abs _section_cstart, $3  }
0xc0: {  	[dreg:$0x1] =	wrdreg $0xFFFFFFFF  }
0xc1: {  	_ =	task.clear_ibuf [dreg:s6], $0x2FFFF;
	_ =	strace $0x9FFFFFFF  }
0xc2: {  	(tm) =	ssettm $0x7FFFFFFF  }
0xc3: {  	_ =	shalt  }
tec
execute0_lowered:
.L_overlay_start_1:
0x0: {  	(tag) =	ssettag $0x1  }
0x1: {  	s0 =	rddreg [dreg:$0x0]  }
0x2: {  	s1 =	srdreg.scid;
	s9 =	stileid.u32  }
0x3: {  	s2 =	rddreg [dreg:$0x1];
	s18 =	simm.s32 $0x400;
	s19 =	simm.s32 $0x2780  }
0x4: {  	s20 =	simm.s32 $0x6780;
	s21 =	simm.s32 $0x1;
	s22 =	simm.s32 $0x2  }
0x5: {  	s23 =	simm.s32 $0x3;
	s24 =	simm.s32 $0x4;
	s28 =	simm.s32 $0x6580  }
0x6: {  	s29 =	simm.s32 $0x5;
	s1 =	sand.u32 $0x1, s1;
	s8 =	smul.u32 $0x13C00, s9  }
0x7: {  	s3 =	sshll.u32 s9, $0x1;
	s4 =	sshrl.u32 s9, $0x2;
	s9 =	smul.u32 $0x4F000, s9  }
0x8: {  	s30 =	simm.s32 $0x0;
	s5 =	sor.u32 s1, s3;
	s4 =	smul.u32 $0x13C00, s4  }
0x9: {  	s3 =	simm.s32 $0x0;
	s7 =	smul.u32 $0x13C000, s1;
	s1 =	ssub.s32 $0x2, s1  }
0xa: {  	s6 =	sshll.u32 s5, $0x7;
	[smem:$0x7FF] =	sst s3;
	s5 =	sshll.u32 s5, $0xB  }
0xb: {  	s26 =	sshrl.u32 s1, $0x1;
	s31 =	sshrl.u32 s9, $0x2;
	s6 =	sand.u32 $0x380, s6  }
0xc: {  	_ =	strace $0x80000047;
	s10 =	sadd.s32 s5, s0;
	s25 =	sadd.s32 s8, s7  }
0xd: {  	s1 =	ssub.s32 s1, s26;
	s26 =	simm.s32 $0x8F80;
	s6 =	sor.u32 s4, s6  }
0xe: {  	s4 =	sadd.s32 $0x1C800, s0;
	s5 =	sshrl.u32 s25, $0x3;
	s7 =	sadd.s32 $0x2A00, s10  }
0xf: {  	s16 =	smax.u32 s1, $0x1;
	s25 =	simm.s32 $0x50;
	s6 =	sshrl.u32 s6, $0x3  }
0x10: {  	s6 =	sadd.s32 s6, s0;
	s0 =	sadd.s32 s5, s0;
	s5 =	sadd.s32 s31, s2  }
0x11: {  	s6 =	sadd.s32 $0x12A00, s6;
	s8 =	sadd.s32 $0x2800, s5;
	s9 =	sadd.s32 $0x5000, s5  }
0x12: {  	s10 =	sadd.s32 $0x7800, s5;
	s11 =	sadd.s32 $0xA000, s5;
	s12 =	sadd.s32 $0xC800, s5  }
0x13: {  	v0 =	vimm.f32 $0.0e+00;
	s13 =	sadd.s32 $0xF000, s5;
	s14 =	sadd.s32 $0x11800, s5;
	s15 =	sadd.s32 $0x43A00, s0  }
.LBB2_1:
0x14: {  	s1 =	simm.s32 $0x0;
	s31 =	simm.s32 $0x200  }
.LBB2_2:
0x15: {  	p0 =	sne.s32 s31, $0x9E00;
	[tilespmem:s1+$0x67F0] =	vst v0  }
0x16: {  	[tilespmem:s1+$0x6780] =	vst v0  }
0x17: {  	[tilespmem:s1+$0x6790] =	vst v0  }
.Ltmp0:
0x18: {  	[tilespmem:s1+$0x67A0] =	vst v0;
	(pc) =	sbr.rel @p0 .LBB2_2-.Ltmp0, $4  }
0x19: {  	[tilespmem:s1+$0x67B0] =	vst v0  }
0x1a: {  	[tilespmem:s1+$0x67C0] =	vst v0  }
0x1b: {  	[tilespmem:s1+$0x67D0] =	vst v0  }
0x1c: {  	[tilespmem:s1+$0x67E0] =	vst v0;
	s1 =	sshra.s32 s31, $0x2;
	s31 =	sadd.s32 $0x200, s31  }
0x1d: {  	[tilespmem:s1+$0x67F0] =	vst v0  }
0x1e: {  	[tilespmem:s1+$0x6780] =	vst v0  }
0x1f: {  	[tilespmem:s1+$0x6790] =	vst v0  }
0x20: {  	[tilespmem:s1+$0x67A0] =	vst v0  }
0x21: {  	[tilespmem:s1+$0x67B0] =	vst v0  }
0x22: {  	[tilespmem:s1+$0x67C0] =	vst v0  }
0x23: {  	[tilespmem:s1+$0x67D0] =	vst v0  }
0x24: {  	[tilespmem:s1+$0x67E0] =	vst v0;
	s0 =	simm.s32 $0x80  }
0x25: {  	[tilespmem:s3], [sflag:$0x1] =	stream.strided.gather [hbm4b:s6+s0], $0x2780, s18, s0, $0x38;
	[tilespmem:$0x1F380] =	vst v63  }
0x26: {  	_ = 	snop  }
0x27: {  	[tilespmem:s19], [sflag:$0x2] =	stream.linear.gather [hbm4b:s7+s3], $0x3E80, $0x38;
	[tilespmem:$0x1F380] =	vst v63  }
0x28: {  	_ = 	snop  }
0x29: {  	[spmem:s5] =	stream.linear.scatter [tilespmem:s20], [sflag:$0x3], $0x2800, $0x38;
	[tilespmem:$0x1F380] =	vst v63  }
0x2a: {  	_ = 	snop  }
0x2b: {  	[spmem:s8] =	stream.linear.scatter [tilespmem:s20], [sflag:$0x3], $0x2800, $0x38;
	[tilespmem:$0x1F380] =	vst v63  }
0x2c: {  	_ = 	snop  }
0x2d: {  	[spmem:s9] =	stream.linear.scatter [tilespmem:s20], [sflag:$0x3], $0x2800, $0x38;
	[tilespmem:$0x1F380] =	vst v63  }
0x2e: {  	_ = 	snop  }
0x2f: {  	[spmem:s10] =	stream.linear.scatter [tilespmem:s20], [sflag:$0x3], $0x2800, $0x38;
	[tilespmem:$0x1F380] =	vst v63  }
0x30: {  	_ = 	snop  }
0x31: {  	[spmem:s11] =	stream.linear.scatter [tilespmem:s20], [sflag:$0x3], $0x2800, $0x38;
	[tilespmem:$0x1F380] =	vst v63  }
0x32: {  	_ = 	snop  }
0x33: {  	[spmem:s12] =	stream.linear.scatter [tilespmem:s20], [sflag:$0x3], $0x2800, $0x38;
	[tilespmem:$0x1F380] =	vst v63  }
0x34: {  	_ = 	snop  }
0x35: {  	[spmem:s13] =	stream.linear.scatter [tilespmem:s20], [sflag:$0x3], $0x2800, $0x38;
	[tilespmem:$0x1F380] =	vst v63  }
0x36: {  	_ = 	snop  }
0x37: {  	[spmem:s14] =	stream.linear.scatter [tilespmem:s20], [sflag:$0x4], $0x2400, $0x38;
	[tilespmem:$0x1F380] =	vst v63  }
0x38: {  	_ =	swait.ge [sflag:s21], $0x2780  }
0x39: {  	[sflag:s21] =	ssyncset.done $0x0  }
0x3a: {  	[sflag:s21] =	ssyncadd.s32 $0xFFFFD880  }
0x3b: {  	_ =	swait.ge [sflag:s22], $0x3E80  }
0x3c: {  	[sflag:s22] =	ssyncset.done $0x0  }
0x3d: {  	[sflag:s22] =	ssyncadd.s32 $0xFFFFC180  }
0x3e: {  	_ =	swait.ge [sflag:s23], $0x2800  }
0x3f: {  	[sflag:s23] =	ssyncset.done $0x0  }
0x40: {  	[sflag:s23] =	ssyncadd.s32 $0xFFFFD800  }
0x41: {  	_ =	swait.ge [sflag:s23], $0x2800  }
0x42: {  	[sflag:s23] =	ssyncset.done $0x0  }
0x43: {  	[sflag:s23] =	ssyncadd.s32 $0xFFFFD800  }
0x44: {  	_ =	swait.ge [sflag:s23], $0x2800  }
0x45: {  	[sflag:s23] =	ssyncset.done $0x0  }
0x46: {  	[sflag:s23] =	ssyncadd.s32 $0xFFFFD800  }
0x47: {  	_ =	swait.ge [sflag:s23], $0x2800  }
0x48: {  	[sflag:s23] =	ssyncset.done $0x0  }
0x49: {  	[sflag:s23] =	ssyncadd.s32 $0xFFFFD800  }
0x4a: {  	_ =	swait.ge [sflag:s23], $0x2800  }
0x4b: {  	[sflag:s23] =	ssyncset.done $0x0  }
0x4c: {  	[sflag:s23] =	ssyncadd.s32 $0xFFFFD800  }
0x4d: {  	_ =	swait.ge [sflag:s23], $0x2800  }
0x4e: {  	[sflag:s23] =	ssyncset.done $0x0  }
0x4f: {  	[sflag:s23] =	ssyncadd.s32 $0xFFFFD800  }
0x50: {  	_ =	swait.ge [sflag:s23], $0x2800  }
0x51: {  	[sflag:s23] =	ssyncset.done $0x0  }
0x52: {  	[sflag:s23] =	ssyncadd.s32 $0xFFFFD800  }
0x53: {  	_ =	swait.ge [sflag:s24], $0x2400  }
0x54: {  	[sflag:s24] =	ssyncset.done $0x0  }
0x55: {  	[sflag:s24] =	ssyncadd.s32 $0xFFFFDC00  }
0x56: {  	[bflag:$0x0] =	sbarrier.arrive $0xFFFF  }
0x57: {  	[tilespmem:s20], [sflag:$0x1] =	stream.indirect.gather [hbm4b:s4+s25], $0x80, s3, s25, $0xb8;
	[tilespmem:$0x1F380] =	vst v63  }
0x58: {  	_ = 	snop  }
0x59: {  	[tilespmem:s26], [sflag:$0x2] =	stream.indirect.gather [hbm4b:s4+s25], $0x80, s25, s25, $0xb8;
	[tilespmem:$0x1F380] =	vst v63  }
0x5a: {  	_ =	swait.ge [sflag:s21], $0x2800  }
0x5b: {  	[sflag:s21] =	ssyncset.done $0x0  }
0x5c: {  	[sflag:s21] =	ssyncadd.s32 $0xFFFFD800  }
0x5d: {  	[spmem:s2] =	stream.indirect.scatter.add.f32 [tilespmem:s20], [sflag:$0x3], $0x80, s19, s25, $0xb8;
	[tilespmem:$0x1F380] =	vst v63  }
0x5e: {  	_ =	swait.ge [sflag:s23], $0x2800  }
0x5f: {  	[sflag:s23] =	ssyncset.done $0x0  }
0x60: {  	s17 =	simm.s32 $0xA0;
	[sflag:s23] =	ssyncadd.s32 $0xFFFFD800  }
0x61: {  	[tilespmem:s20], [sflag:$0x1] =	stream.indirect.gather [hbm4b:s4+s25], $0x80, s17, s25, $0xb8;
	[tilespmem:$0x1F380] =	vst v63  }
0x62: {  	_ =	swait.ge [sflag:s22], $0x2800  }
0x63: {  	[sflag:s22] =	ssyncset.done $0x0  }
0x64: {  	s1 =	simm.s32 $0x2800;
	[sflag:s22] =	ssyncadd.s32 $0xFFFFD800  }
0x65: {  	[spmem:s2] =	stream.indirect.scatter.add.f32 [tilespmem:s26], [sflag:$0x4], $0x80, s1, s25, $0xb8;
	[tilespmem:$0x1F380] =	vst v63  }
0x66: {  	_ =	swait.ge [sflag:s24], $0x2800  }
0x67: {  	[sflag:s24] =	ssyncset.done $0x0  }
0x68: {  	s17 =	simm.s32 $0xF0;
	[sflag:s24] =	ssyncadd.s32 $0xFFFFD800  }
0x69: {  	[tilespmem:s26], [sflag:$0x2] =	stream.indirect.gather [hbm4b:s4+s25], $0x80, s17, s25, $0xb8;
	[tilespmem:$0x1F380] =	vst v63  }
0x6a: {  	_ =	swait.ge [sflag:s21], $0x2800  }
0x6b: {  	s31 =	simm.s32 $0xFFFF1000;
	[sflag:s21] =	ssyncset.done $0x0  }
0x6c: {  	s0 =	simm.s32 $0x2880;
	s1 =	simm.s32 $0x190;
	[sflag:s21] =	ssyncadd.s32 $0xFFFFD800  }
.LBB2_4:
0x6d: {  	[spmem:s2] =	stream.indirect.scatter.add.f32 [tilespmem:s20], [sflag:$0x3], $0x80, s0, s25, $0xb8;
	[tilespmem:$0x1F380] =	vst v63  }
0x6e: {  	s0 =	smov.u32 s31  }
0x6f: {  	p0 =	sne.s32 s31, $0xFFFFFC00;
	s31 =	sadd.s32 $0x400, s31;
	_ =	swait.ge [sflag:s23], $0x2800  }
0x70: {  	[sflag:s23] =	ssyncset.done $0x0  }
0x71: {  	s17 =	sadd.s32 $0xFFFFFFB0, s1;
	[sflag:s23] =	ssyncadd.s32 $0xFFFFD800  }
0x72: {  	[tilespmem:s20], [sflag:$0x1] =	stream.indirect.gather [hbm4b:s4+s25], $0x80, s17, s25, $0xb8;
	[tilespmem:$0x1F380] =	vst v63  }
0x73: {  	_ =	swait.ge [sflag:s22], $0x2800  }
0x74: {  	s0 =	sshra.s32 s0, $0x2;
	[sflag:s22] =	ssyncset.done $0x0  }
0x75: {  	s17 =	sadd.s32 $0x6500, s0;
	[sflag:s22] =	ssyncadd.s32 $0xFFFFD800  }
0x76: {  	[spmem:s2] =	stream.indirect.scatter.add.f32 [tilespmem:s26], [sflag:$0x4], $0x80, s17, s25, $0xb8;
	[tilespmem:$0x1F380] =	vst v63  }
0x77: {  	_ =	swait.ge [sflag:s24], $0x2800  }
0x78: {  	[sflag:s24] =	ssyncset.done $0x0  }
.Ltmp1:
0x79: {  	[sflag:s24] =	ssyncadd.s32 $0xFFFFD800;
	(pc) =	sbr.rel @p0 .LBB2_4-.Ltmp1, $4  }
0x7a: {  	[tilespmem:s26], [sflag:$0x2] =	stream.indirect.gather [hbm4b:s4+s25], $0x80, s1, s25, $0xb8;
	[tilespmem:$0x1F380] =	vst v63  }
0x7b: {  	_ =	swait.ge [sflag:s21], $0x2800  }
0x7c: {  	[sflag:s21] =	ssyncset.done $0x0  }
0x7d: {  	s0 =	sadd.s32 $0x6580, s0;
	s1 =	sadd.s32 $0xA0, s1;
	[sflag:s21] =	ssyncadd.s32 $0xFFFFD800  }
0x7e: {  	[spmem:s2] =	stream.indirect.scatter.add.f32 [tilespmem:s20], [sflag:$0x3], $0x80, s0, s25, $0xb8;
	[tilespmem:$0x1F380] =	vst v63  }
0x7f: {  	_ =	swait.ge [sflag:s22], $0x2800  }
0x80: {  	[sflag:s22] =	ssyncset.done $0x0  }
0x81: {  	[sflag:s22] =	ssyncadd.s32 $0xFFFFD800  }
0x82: {  	[spmem:s2] =	stream.indirect.scatter.add.f32 [tilespmem:s26], [sflag:$0x4], $0x80, s28, s25, $0xb8;
	[tilespmem:$0x1F380] =	vst v63  }
0x83: {  	_ =	swait.ge [sflag:s23], $0x2800  }
0x84: {  	[sflag:s23] =	ssyncset.done $0x0  }
0x85: {  	[sflag:s23] =	ssyncadd.s32 $0xFFFFD800  }
0x86: {  	s31 =	stileid.u32;
	_ =	swait.ge [sflag:s24], $0x2800  }
0x87: {  	s1 =	sshrl.u32 s5, $0x3;
	s30 =	sadd.s32 $0x1, s30;
	[sflag:s24] =	ssyncset.done $0x0  }
0x88: {  	s0 =	sshll.u32 s31, $0x6;
	p0 =	sne.s32 s30, s16;
	[sflag:s24] =	ssyncadd.s32 $0xFFFFD800  }
.Ltmp2:
0x89: {  	s0 =	sor.u32 $0x1C05, s0;
	[bflag:$0x0] =	sbarrier.arrive $0xFFFF;
	(pc) =	sbr.rel @p0 .LBB2_1-.Ltmp2, $4  }
0x8a: {  	[hbm:s15], [sflag:s0] =	dma.local [spmem:s1], $0x2780  }
0x8b: {  	_ =	swait.ge [sflag:s29], $0x2780  }
0x8c: {  	[sflag:s29] =	ssyncset.done $0x0  }
0x8d: {  	[sflag:s29] =	ssyncadd.s32 $0xFFFFD880  }
0x8e: {  	_ =	sfence.sel $0x180000  }
0x8f: {  	[bflag:$0x0] =	sbarrier.arrive $0xFFFF  }
0x90: {  	_ =	strace $0x90000047  }
0x91: {  	s0 =	stileid.u32;
	[bflag:$0x2] =	sbarrier.arrive $0xFFFF  }
0x92: {  	p0 =	sne.s32 s0, $0x0;
	s0 =	rddreg [dreg:$0x2]  }
0x93: {  	s0 =	sadd.s32 @!p0 $0x100000, s0  }
0x94: {  	[sflag:s0] =	ssyncadd.tile.s32 @!p0 $0x1;
	_ =	shalt  }
.Lfunc_end2:
_tile_overlayer_lowered:
.L_overlay_start_2:
0x95: {  	(tag) =	ssettag $0x2  }
0x96: {  	s0 =	rddreg [dreg:$0x0];
	s2 =	stileid.u32  }
0x97: {  	s1 =	rddreg [dreg:$0x1];
	p0 =	sne.s32 s2, $0x0  }
0x98: {  	s3 =	rddreg [dreg:$0x2];
	[bflag:$0x3] =	sbarrier.arrive $0xFFFF;
	s2 =	simm.s32 @!p0 $0x1C05  }
0x99: {  	[timem:s3], [sflag:s2] =	dma.local @!p0 [hbm:s0], s1  }
0x9a: {  	s0 =	simm.s32 @!p0 $0x5  }
0x9b: {  	_ =	swait.ge @!p0 [sflag:s0], s1  }
0x9c: {  	s1 =	ssub.s32 @!p0 $0x0, s1;
	[sflag:s0] =	ssyncset.done @!p0 $0x0  }
0x9d: {  	[sflag:s0] =	ssyncadd.s32 @!p0 s1  }
0x9e: {  	[bflag:$0x3] =	sbarrier.arrive $0xFFFF  }
0x9f: {  	_ =	shalt  }

// kernel: kernel.15.cloned.1.call-start
scs
__scs_entry_jumppad:
0x0: {  	(pc) =	sbr.rel $0x88, $3  }
0x1: {  	(tag) =	ssettag $0x0;
	lr =	simm.s32 $0x1  }
0x2: {  	[smem:$0x3F93] =	sst lr;
	_ =	strace $0xD0000000  }
0x3: {  	_ = 	snop  }
0x4: {  	_ = 	snop  }
0x5: {  	_ = 	snop  }
0x6: {  	_ = 	snop  }
0x7: {  	_ = 	snop  }
__scs_overlays_trampoline_lowered:
0x8: {  	[smem:$0x3FA2] =	sst s0  }
0x9: {  	[smem:$0x3FA3] =	sst s1  }
0xa: {  	[smem:$0x3FA4] =	sst s2  }
0xb: {  	[smem:$0x3FA5] =	sst s3  }
0xc: {  	[smem:$0x3FA6] =	sst s4  }
0xd: {  	[smem:$0x3FA7] =	sst s5  }
0xe: {  	[smem:$0x3FA8] =	sst s6  }
0xf: {  	[smem:$0x3FA9] =	sst s7  }
0x10: {  	[smem:$0x3FAA] =	sst s8  }
0x11: {  	[smem:$0x3FAB] =	sst s9;
	s0 =	simm.s32 @!p0 $0x0  }
0x12: {  	s1 =	sld [smem:$0x3F91];
	s0 =	simm.s32 @p0 $0x1  }
0x13: {  	[smem:$0x3FAC] =	sst s0;
	s0 =	simm.s32 @!p1 $0x0  }
0x14: {  	s2 =	sld [smem:$0x3F90];
	s0 =	simm.s32 @p1 $0x1  }
0x15: {  	[smem:$0x3FAD] =	sst s0;
	s0 =	simm.s32 @!p2 $0x0  }
0x16: {  	s3 =	sld [smem:$0x3FDB];
	s0 =	simm.s32 @p2 $0x1  }
0x17: {  	s4 =	simm.s32 $0x1BF5;
	[smem:$0x3FAF] =	sst s0  }
0x18: {  	s0 =	sld [smem:$0x3F92];
	_ =	swait.ge [sflag:s4], $0x0  }
0x19: {  	s7 =	sld [smem:$0x3F93]  }
0x1a: {  	s8 =	sadd.s32 $0xFFFFE003, lr  }
0x1b: {  	s9 =	sadd.s32 $0xFFFFFEF7, lr;
	s5 =	simm.s32 $0xFFFFFFFF;
	p2 =	slt.u32 s8, $0xFFFFF086  }
0x1c: {  	p1 =	slt.u32 s9, $0xF7A;
	s5 =	simm.s32 @!p2 $0x0  }
0x1d: {  	s5 =	simm.s32 @p1 $0x1;
	p0 =	seq.s32 s7, s2  }
0x1e: {  	s7 =	smul.u32 @!p0 $0xF7A, s2;
	p2 =	seq.s32 @!p0 s5, $0x0  }
0x1f: {  	s9 =	smul.u32 $0xF7A, s1;
	s8 =	simm.s32 @!p0 $0x1BF5;
	p2 =	por !p2, p0  }
0x20: {  	[sflag:s8] =	ssyncset.s32 @!p0 $0xFFFFF086;
	s6 =	sadd.s32 @!p0 s3, s7;
	s7 =	simm.s32 @!p0 $0x108  }
0x21: {  	s3 =	sadd.s32 s3, s9;
	s6 =	sadd.s32 @!p0 $0x88, s6;
	s7 =	simm.s32 @p2 $0x1082  }
0x22: {  	[simem:s7], [sflag:s8] =	dma.local @!p0 [hbm:s6], $0xF7A  }
0x23: {  	s9 =	sor.u32 $0xD0000000, s2;
	s6 =	simm.s32 $0x108;
	_ =	swait.ge @!p0 [sflag:s8], $0x0  }
0x24: {  	s3 =	sadd.s32 $0x88, s3;
	s6 =	simm.s32 @!p1 $0x1082;
	[sflag:s4] =	ssyncset.s32 $0xFFFFF086  }
0x25: {  	[simem:s6], [sflag:s4] =	dma.local [hbm:s3], $0xF7A  }
0x26: {  	[smem:$0x3F93] =	sst s1;
	(tag) =	ssettag s2;
	_ =	strace s9  }
0x27: {  	s1 =	sld [smem:$0x3FA3]  }
0x28: {  	s2 =	sld [smem:$0x3FA4]  }
0x29: {  	s4 =	sld [smem:$0x3FA6]  }
0x2a: {  	p0 =	seq.s32 s5, $0x0;
	s5 =	sld [smem:$0x3FA7]  }
0x2b: {  	s6 =	sld [smem:$0x3FA8]  }
0x2c: {  	s7 =	sld [smem:$0x3FA9]  }
0x2d: {  	s3 =	simm.s32 $0x108;
	s8 =	sld [smem:$0x3FAA]  }
0x2e: {  	s3 =	simm.s32 @!p0 $0x1082;
	s9 =	sld [smem:$0x3FAB]  }
0x2f: {  	lr =	sadd.s32 s0, s3;
	s0 =	sld [smem:$0x3FA2]  }
0x30: {  	s3 =	sld [smem:$0x3FA5]  }
0x31: {  	[smem:$0x3FAE] =	sst s10  }
0x32: {  	s10 =	sld [smem:$0x3FAC];
	_ =	sdelay $0x3  }
0x33: {  	p0 =	seq.s32 s10, $0x1;
	s10 =	sld [smem:$0x3FAE];
	_ =	sdelay $0x3  }
0x34: {  	[smem:$0x3FAE] =	sst s10  }
0x35: {  	s10 =	sld [smem:$0x3FAD];
	_ =	sdelay $0x3  }
0x36: {  	p1 =	seq.s32 s10, $0x1;
	s10 =	sld [smem:$0x3FAE];
	_ =	sdelay $0x3  }
0x37: {  	[smem:$0x3FAE] =	sst s10  }
0x38: {  	s10 =	sld [smem:$0x3FAF]  }
0x39: {  	_ = 	snop;
	(pc) =	sbr.ind lr, $3  }
0x3a: {  	_ = 	snop  }
0x3b: {  	_ = 	snop  }
0x3c: {  	p2 =	seq.s32 s10, $0x1;
	s10 =	sld [smem:$0x3FAE]  }
0x3d: {  	_ =	shalt  }
0x3e: {  	_ =	shalt  }
0x3f: {  	_ =	shalt  }
0x40: {  	_ =	shalt  }
0x41: {  	_ =	shalt  }
0x42: {  	_ =	shalt  }
0x43: {  	_ =	shalt  }
0x44: {  	_ =	shalt  }
0x45: {  	_ =	shalt  }
0x46: {  	_ =	shalt  }
0x47: {  	_ =	shalt  }
0x48: {  	_ =	shalt  }
0x49: {  	_ =	shalt  }
0x4a: {  	_ =	shalt  }
0x4b: {  	_ =	shalt  }
0x4c: {  	_ =	shalt  }
0x4d: {  	_ =	shalt  }
0x4e: {  	_ =	shalt  }
0x4f: {  	_ =	shalt  }
0x50: {  	_ =	shalt  }
0x51: {  	_ =	shalt  }
0x52: {  	_ =	shalt  }
0x53: {  	_ =	shalt  }
0x54: {  	_ =	shalt  }
0x55: {  	_ =	shalt  }
0x56: {  	_ =	shalt  }
0x57: {  	_ =	shalt  }
0x58: {  	_ =	shalt  }
0x59: {  	_ =	shalt  }
0x5a: {  	_ =	shalt  }
0x5b: {  	_ =	shalt  }
0x5c: {  	_ =	shalt  }
0x5d: {  	_ =	shalt  }
0x5e: {  	_ =	shalt  }
0x5f: {  	_ =	shalt  }
0x60: {  	_ =	shalt  }
0x61: {  	_ =	shalt  }
0x62: {  	_ =	shalt  }
0x63: {  	_ =	shalt  }
0x64: {  	_ =	shalt  }
0x65: {  	_ =	shalt  }
0x66: {  	_ =	shalt  }
0x67: {  	_ =	shalt  }
0x68: {  	_ =	shalt  }
0x69: {  	_ =	shalt  }
0x6a: {  	_ =	shalt  }
0x6b: {  	_ =	shalt  }
0x6c: {  	_ =	shalt  }
0x6d: {  	_ =	shalt  }
0x6e: {  	_ =	shalt  }
0x6f: {  	_ =	shalt  }
0x70: {  	_ =	shalt  }
0x71: {  	_ =	shalt  }
0x72: {  	_ =	shalt  }
0x73: {  	_ =	shalt  }
0x74: {  	_ =	shalt  }
0x75: {  	_ =	shalt  }
0x76: {  	_ =	shalt  }
0x77: {  	_ =	shalt  }
0x78: {  	_ =	shalt  }
0x79: {  	_ =	shalt  }
0x7a: {  	_ =	shalt  }
0x7b: {  	_ =	shalt  }
0x7c: {  	_ =	shalt  }
0x7d: {  	_ =	shalt  }
0x7e: {  	_ =	shalt  }
0x7f: {  	_ =	shalt  }
0x80: {  	_ =	shalt  }
0x81: {  	_ =	shalt  }
0x82: {  	_ =	shalt  }
0x83: {  	_ =	shalt  }
0x84: {  	_ =	shalt  }
0x85: {  	_ =	shalt  }
0x86: {  	_ =	shalt  }
0x87: {  	_ =	shalt  }
.Lfunc_end0:
.L_simem_size_0:
called_computation.1_lowered:
.L_overlay_start_0:
0x88: {  	s2 =	sld [smem:$0x3FD9]  }
0x89: {  	s3 =	sld [smem:$0x3FFE];
	_ =	sdelay $0x1  }
0x8a: {  	s1 =	srdreg.scid  }
0x8b: {  	s0 =	sand.u32 $0x1, s1  }
0x8c: {  	s16 =	sshll.u32 s0, $0xA;
	s2 =	sadd.s32 s3, s2  }
0x8d: {  	s2 =	sadd.s32 s2, s16  }
0x8e: {  	[smem:$0x3FBA] =	sst s2  }
0x8f: {  	_ = 	snop  }
0x90: {  	(tm) =	ssettm $0x1  }
0x91: {  	s17 =	sld [smem:$0x3FFB];
	_ =	sdelay $0x3  }
0x92: {  	_ =	strace s17  }
0x93: {  	s2 =	sld [smem:$0x3FFC];
	_ =	sdelay $0x3  }
0x94: {  	_ =	strace s2  }
0x95: {  	s2 =	sld [smem:$0x3FFD];
	_ =	sdelay $0x3  }
0x96: {  	_ =	strace s2  }
0x97: {  	_ =	strace $0x8FFFFFFF  }
0x98: {  	s18 =	sld [smem:$0x3FDB];
	_ =	sdelay $0x1  }
0x99: {  	s19 =	simm.s32 $_scs_section_size  }
0x9a: {  	s4 =	simm.s32 $_size__tile_overlayer_lowered;
	s5 =	simm.s32 $_tile_overlayer_lowered  }
0x9b: {  	s22 =	simm.s32 $0x1BFF;
	s21 =	sshll.u32 s5, $0x1;
	s2 =	sadd.s32 s19, s18  }
0x9c: {  	s6 =	simm.s32 $0x0;
	s20 =	sshll.u32 s4, $0x1;
	s4 =	sadd.s32 s21, s2  }
0x9d: {  	[timem:s6], [sflag:s22] =	dma.local [hbm:s4], s20  }
0x9e: {  	_ =	swait.ge [sflag:s22], s20  }
0x9f: {  	s3 =	ssub.s32 $0x0, s20;
	[sflag:s22] =	ssyncset.done $0x0  }
0xa0: {  	[sflag:s22] =	ssyncadd.s32 s3;
	_ =	sdelay $0x1  }
0xa1: {  	s23 =	simm.s32 $0x1B8B  }
0xa2: {  	_ =	swait.ge [sflag:s23], $0x1  }
0xa3: {  	[sflag:s23] =	ssyncset.done $0x0  }
0xa4: {  	s25 =	simm.s32 $0x1B8E;
	s24 =	sld [smem:$0x3FFE];
	[sflag:s23] =	ssyncadd.s32 $0xFFFFFFFF  }
0xa5: {  	s26 =	simm.s32 $execute0_lowered;
	[smem:$0x3FD2] =	sst s25  }
0xa6: {  	s4 =	sshll.u32 s26, $0x1;
	_ =	strace $0x80000049;
	[dreg:$0x1] =	wrdreg $0xFFFFFFFF  }
0xa7: {  	s28 =	simm.s32 $_size_execute0_lowered;
	s2 =	sadd.s32 s2, s4;
	[dreg:$0x0] =	wrdreg $0x0  }
0xa8: {  	s4 =	sshll.u32 s28, $0x1;
	[dreg:$0x2] =	wrdreg s2  }
0xa9: {  	[dreg:$0x3] =	wrdreg s4  }
0xaa: {  	[dreg:$0x4] =	wrdreg $0xC0  }
0xab: {  	_ =	task [dreg:s6], $0x5FFFF  }
0xac: {  	[dreg:$0x1] =	wrdreg $0xFFFFFFFF  }
0xad: {  	[dreg:$0x0] =	wrdreg $0x60  }
0xae: {  	[dreg:$0x2] =	wrdreg s24  }
0xaf: {  	[dreg:$0x3] =	wrdreg $0xB7800  }
0xb0: {  	[dreg:$0x4] =	wrdreg $0x9  }
0xb1: {  	_ =	task.clear_ibuf [dreg:s6], $0x5FFFF;
	_ =	strace $0x90000049  }
0xb2: {  	s29 =	simm.s32 $0x9;
	_ =	strace $0x8000004B  }
0xb3: {  	_ =	swait.ge [sflag:s29], $0x1  }
0xb4: {  	[sflag:s29] =	ssyncadd.s32 $0xFFFFFFFF  }
0xb5: {  	_ =	strace $0x9000004B  }
0xb6: {  	_ =	sfence  }
0xb7: {  	s30 =	sld [smem:$0x0];
	_ =	sdelay $0x2  }
0xb8: {  	s31 =	sshll.u32 s1, $0xD;
	s1 =	sshrl.u32 s1, $0x2  }
0xb9: {  	s3 =	sand.u32 $0x4000, s31;
	s1 =	sadd.s32 s1, s30  }
0xba: {  	s0 =	sor.u32 s3, s0;
	s1 =	sshll.u32 s1, $0x11  }
0xbb: {  	s0 =	sor.u32 s1, s0  }
0xbc: {  	s0 =	sadd.s32 $0x8F2B, s0  }
0xbd: {  	[sflag:s0] =	ssyncadd.remote.s32 $0x1  }
0xbe: {  	_ =	sfence.sel $0xFFFF  }
0xbf: {  	[dreg:$0x0] =	wrdreg $0xFFFFFFFF;
	(pc) =	sbr.abs _section_cstart, $3  }
0xc0: {  	[dreg:$0x1] =	wrdreg $0xFFFFFFFF  }
0xc1: {  	_ =	task.clear_ibuf [dreg:s6], $0x2FFFF;
	_ =	strace $0x9FFFFFFF  }
0xc2: {  	(tm) =	ssettm $0x7FFFFFFF  }
0xc3: {  	_ =	shalt  }
tec
execute0_lowered:
.L_overlay_start_1:
0x0: {  	(tag) =	ssettag $0x1  }
0x1: {  	s0 =	rddreg [dreg:$0x0]  }
0x2: {  	s1 =	srdreg.scid;
	s9 =	stileid.u32  }
0x3: {  	s2 =	rddreg [dreg:$0x1];
	s18 =	simm.s32 $0x400;
	s19 =	simm.s32 $0x2780  }
0x4: {  	s20 =	simm.s32 $0x6780;
	s21 =	simm.s32 $0x1;
	s22 =	simm.s32 $0x2  }
0x5: {  	s23 =	simm.s32 $0x3;
	s24 =	simm.s32 $0x4;
	s28 =	simm.s32 $0x6580  }
0x6: {  	s29 =	simm.s32 $0x5;
	s1 =	sand.u32 $0x1, s1;
	s8 =	smul.u32 $0x13C00, s9  }
0x7: {  	s3 =	sshll.u32 s9, $0x1;
	s4 =	sshrl.u32 s9, $0x2;
	s9 =	smul.u32 $0x4F000, s9  }
0x8: {  	s30 =	simm.s32 $0x0;
	s5 =	sor.u32 s1, s3;
	s4 =	smul.u32 $0x13C00, s4  }
0x9: {  	s3 =	simm.s32 $0x0;
	s7 =	smul.u32 $0x13C000, s1;
	s1 =	ssub.s32 $0x2, s1  }
0xa: {  	s6 =	sshll.u32 s5, $0x7;
	[smem:$0x7FF] =	sst s3;
	s5 =	sshll.u32 s5, $0xB  }
0xb: {  	s26 =	sshrl.u32 s1, $0x1;
	s31 =	sshrl.u32 s9, $0x2;
	s6 =	sand.u32 $0x380, s6  }
0xc: {  	_ =	strace $0x8000004A;
	s10 =	sadd.s32 s5, s0;
	s25 =	sadd.s32 s8, s7  }
0xd: {  	s1 =	ssub.s32 s1, s26;
	s26 =	simm.s32 $0x8F80;
	s6 =	sor.u32 s4, s6  }
0xe: {  	s4 =	sadd.s32 $0x1C800, s0;
	s5 =	sshrl.u32 s25, $0x3;
	s7 =	sadd.s32 $0x2A00, s10  }
0xf: {  	s16 =	smax.u32 s1, $0x1;
	s25 =	simm.s32 $0x50;
	s6 =	sshrl.u32 s6, $0x3  }
0x10: {  	s6 =	sadd.s32 s6, s0;
	s0 =	sadd.s32 s5, s0;
	s5 =	sadd.s32 s31, s2  }
0x11: {  	s6 =	sadd.s32 $0x12A00, s6;
	s8 =	sadd.s32 $0x2800, s5;
	s9 =	sadd.s32 $0x5000, s5  }
0x12: {  	s10 =	sadd.s32 $0x7800, s5;
	s11 =	sadd.s32 $0xA000, s5;
	s12 =	sadd.s32 $0xC800, s5  }
0x13: {  	v0 =	vimm.f32 $0.0e+00;
	s13 =	sadd.s32 $0xF000, s5;
	s14 =	sadd.s32 $0x11800, s5;
	s15 =	sadd.s32 $0x43A00, s0  }
.LBB2_1:
0x14: {  	s1 =	simm.s32 $0x0;
	s31 =	simm.s32 $0x200  }
.LBB2_2:
0x15: {  	p0 =	sne.s32 s31, $0x9E00;
	[tilespmem:s1+$0x67F0] =	vst v0  }
0x16: {  	[tilespmem:s1+$0x6780] =	vst v0  }
0x17: {  	[tilespmem:s1+$0x6790] =	vst v0  }
.Ltmp0:
0x18: {  	[tilespmem:s1+$0x67A0] =	vst v0;
	(pc) =	sbr.rel @p0 .LBB2_2-.Ltmp0, $4  }
0x19: {  	[tilespmem:s1+$0x67B0] =	vst v0  }
0x1a: {  	[tilespmem:s1+$0x67C0] =	vst v0  }
0x1b: {  	[tilespmem:s1+$0x67D0] =	vst v0  }
0x1c: {  	[tilespmem:s1+$0x67E0] =	vst v0;
	s1 =	sshra.s32 s31, $0x2;
	s31 =	sadd.s32 $0x200, s31  }
0x1d: {  	[tilespmem:s1+$0x67F0] =	vst v0  }
0x1e: {  	[tilespmem:s1+$0x6780] =	vst v0  }
0x1f: {  	[tilespmem:s1+$0x6790] =	vst v0  }
0x20: {  	[tilespmem:s1+$0x67A0] =	vst v0  }
0x21: {  	[tilespmem:s1+$0x67B0] =	vst v0  }
0x22: {  	[tilespmem:s1+$0x67C0] =	vst v0  }
0x23: {  	[tilespmem:s1+$0x67D0] =	vst v0  }
0x24: {  	[tilespmem:s1+$0x67E0] =	vst v0;
	s0 =	simm.s32 $0x80  }
0x25: {  	[tilespmem:s3], [sflag:$0x1] =	stream.strided.gather [hbm4b:s6+s0], $0x2780, s18, s0, $0x38;
	[tilespmem:$0x1F380] =	vst v63  }
0x26: {  	_ = 	snop  }
0x27: {  	[tilespmem:s19], [sflag:$0x2] =	stream.linear.gather [hbm4b:s7+s3], $0x3E80, $0x38;
	[tilespmem:$0x1F380] =	vst v63  }
0x28: {  	_ = 	snop  }
0x29: {  	[spmem:s5] =	stream.linear.scatter [tilespmem:s20], [sflag:$0x3], $0x2800, $0x38;
	[tilespmem:$0x1F380] =	vst v63  }
0x2a: {  	_ = 	snop  }
0x2b: {  	[spmem:s8] =	stream.linear.scatter [tilespmem:s20], [sflag:$0x3], $0x2800, $0x38;
	[tilespmem:$0x1F380] =	vst v63  }
0x2c: {  	_ = 	snop  }
0x2d: {  	[spmem:s9] =	stream.linear.scatter [tilespmem:s20], [sflag:$0x3], $0x2800, $0x38;
	[tilespmem:$0x1F380] =	vst v63  }
0x2e: {  	_ = 	snop  }
0x2f: {  	[spmem:s10] =	stream.linear.scatter [tilespmem:s20], [sflag:$0x3], $0x2800, $0x38;
	[tilespmem:$0x1F380] =	vst v63  }
0x30: {  	_ = 	snop  }
0x31: {  	[spmem:s11] =	stream.linear.scatter [tilespmem:s20], [sflag:$0x3], $0x2800, $0x38;
	[tilespmem:$0x1F380] =	vst v63  }
0x32: {  	_ = 	snop  }
0x33: {  	[spmem:s12] =	stream.linear.scatter [tilespmem:s20], [sflag:$0x3], $0x2800, $0x38;
	[tilespmem:$0x1F380] =	vst v63  }
0x34: {  	_ = 	snop  }
0x35: {  	[spmem:s13] =	stream.linear.scatter [tilespmem:s20], [sflag:$0x3], $0x2800, $0x38;
	[tilespmem:$0x1F380] =	vst v63  }
0x36: {  	_ = 	snop  }
0x37: {  	[spmem:s14] =	stream.linear.scatter [tilespmem:s20], [sflag:$0x4], $0x2400, $0x38;
	[tilespmem:$0x1F380] =	vst v63  }
0x38: {  	_ =	swait.ge [sflag:s21], $0x2780  }
0x39: {  	[sflag:s21] =	ssyncset.done $0x0  }
0x3a: {  	[sflag:s21] =	ssyncadd.s32 $0xFFFFD880  }
0x3b: {  	_ =	swait.ge [sflag:s22], $0x3E80  }
0x3c: {  	[sflag:s22] =	ssyncset.done $0x0  }
0x3d: {  	[sflag:s22] =	ssyncadd.s32 $0xFFFFC180  }
0x3e: {  	_ =	swait.ge [sflag:s23], $0x2800  }
0x3f: {  	[sflag:s23] =	ssyncset.done $0x0  }
0x40: {  	[sflag:s23] =	ssyncadd.s32 $0xFFFFD800  }
0x41: {  	_ =	swait.ge [sflag:s23], $0x2800  }
0x42: {  	[sflag:s23] =	ssyncset.done $0x0  }
0x43: {  	[sflag:s23] =	ssyncadd.s32 $0xFFFFD800  }
0x44: {  	_ =	swait.ge [sflag:s23], $0x2800  }
0x45: {  	[sflag:s23] =	ssyncset.done $0x0  }
0x46: {  	[sflag:s23] =	ssyncadd.s32 $0xFFFFD800  }
0x47: {  	_ =	swait.ge [sflag:s23], $0x2800  }
0x48: {  	[sflag:s23] =	ssyncset.done $0x0  }
0x49: {  	[sflag:s23] =	ssyncadd.s32 $0xFFFFD800  }
0x4a: {  	_ =	swait.ge [sflag:s23], $0x2800  }
0x4b: {  	[sflag:s23] =	ssyncset.done $0x0  }
0x4c: {  	[sflag:s23] =	ssyncadd.s32 $0xFFFFD800  }
0x4d: {  	_ =	swait.ge [sflag:s23], $0x2800  }
0x4e: {  	[sflag:s23] =	ssyncset.done $0x0  }
0x4f: {  	[sflag:s23] =	ssyncadd.s32 $0xFFFFD800  }
0x50: {  	_ =	swait.ge [sflag:s23], $0x2800  }
0x51: {  	[sflag:s23] =	ssyncset.done $0x0  }
0x52: {  	[sflag:s23] =	ssyncadd.s32 $0xFFFFD800  }
0x53: {  	_ =	swait.ge [sflag:s24], $0x2400  }
0x54: {  	[sflag:s24] =	ssyncset.done $0x0  }
0x55: {  	[sflag:s24] =	ssyncadd.s32 $0xFFFFDC00  }
0x56: {  	[bflag:$0x0] =	sbarrier.arrive $0xFFFF  }
0x57: {  	[tilespmem:s20], [sflag:$0x1] =	stream.indirect.gather [hbm4b:s4+s25], $0x80, s3, s25, $0xb8;
	[tilespmem:$0x1F380] =	vst v63  }
0x58: {  	_ = 	snop  }
0x59: {  	[tilespmem:s26], [sflag:$0x2] =	stream.indirect.gather [hbm4b:s4+s25], $0x80, s25, s25, $0xb8;
	[tilespmem:$0x1F380] =	vst v63  }
0x5a: {  	_ =	swait.ge [sflag:s21], $0x2800  }
0x5b: {  	[sflag:s21] =	ssyncset.done $0x0  }
0x5c: {  	[sflag:s21] =	ssyncadd.s32 $0xFFFFD800  }
0x5d: {  	[spmem:s2] =	stream.indirect.scatter.add.f32 [tilespmem:s20], [sflag:$0x3], $0x80, s19, s25, $0xb8;
	[tilespmem:$0x1F380] =	vst v63  }
0x5e: {  	_ =	swait.ge [sflag:s23], $0x2800  }
0x5f: {  	[sflag:s23] =	ssyncset.done $0x0  }
0x60: {  	s17 =	simm.s32 $0xA0;
	[sflag:s23] =	ssyncadd.s32 $0xFFFFD800  }
0x61: {  	[tilespmem:s20], [sflag:$0x1] =	stream.indirect.gather [hbm4b:s4+s25], $0x80, s17, s25, $0xb8;
	[tilespmem:$0x1F380] =	vst v63  }
0x62: {  	_ =	swait.ge [sflag:s22], $0x2800  }
0x63: {  	[sflag:s22] =	ssyncset.done $0x0  }
0x64: {  	s1 =	simm.s32 $0x2800;
	[sflag:s22] =	ssyncadd.s32 $0xFFFFD800  }
0x65: {  	[spmem:s2] =	stream.indirect.scatter.add.f32 [tilespmem:s26], [sflag:$0x4], $0x80, s1, s25, $0xb8;
	[tilespmem:$0x1F380] =	vst v63  }
0x66: {  	_ =	swait.ge [sflag:s24], $0x2800  }
0x67: {  	[sflag:s24] =	ssyncset.done $0x0  }
0x68: {  	s17 =	simm.s32 $0xF0;
	[sflag:s24] =	ssyncadd.s32 $0xFFFFD800  }
0x69: {  	[tilespmem:s26], [sflag:$0x2] =	stream.indirect.gather [hbm4b:s4+s25], $0x80, s17, s25, $0xb8;
	[tilespmem:$0x1F380] =	vst v63  }
0x6a: {  	_ =	swait.ge [sflag:s21], $0x2800  }
0x6b: {  	s31 =	simm.s32 $0xFFFF1000;
	[sflag:s21] =	ssyncset.done $0x0  }
0x6c: {  	s0 =	simm.s32 $0x2880;
	s1 =	simm.s32 $0x190;
	[sflag:s21] =	ssyncadd.s32 $0xFFFFD800  }
.LBB2_4:
0x6d: {  	[spmem:s2] =	stream.indirect.scatter.add.f32 [tilespmem:s20], [sflag:$0x3], $0x80, s0, s25, $0xb8;
	[tilespmem:$0x1F380] =	vst v63  }
0x6e: {  	s0 =	smov.u32 s31  }
0x6f: {  	p0 =	sne.s32 s31, $0xFFFFFC00;
	s31 =	sadd.s32 $0x400, s31;
	_ =	swait.ge [sflag:s23], $0x2800  }
0x70: {  	[sflag:s23] =	ssyncset.done $0x0  }
0x71: {  	s17 =	sadd.s32 $0xFFFFFFB0, s1;
	[sflag:s23] =	ssyncadd.s32 $0xFFFFD800  }
0x72: {  	[tilespmem:s20], [sflag:$0x1] =	stream.indirect.gather [hbm4b:s4+s25], $0x80, s17, s25, $0xb8;
	[tilespmem:$0x1F380] =	vst v63  }
0x73: {  	_ =	swait.ge [sflag:s22], $0x2800  }
0x74: {  	s0 =	sshra.s32 s0, $0x2;
	[sflag:s22] =	ssyncset.done $0x0  }
0x75: {  	s17 =	sadd.s32 $0x6500, s0;
	[sflag:s22] =	ssyncadd.s32 $0xFFFFD800  }
0x76: {  	[spmem:s2] =	stream.indirect.scatter.add.f32 [tilespmem:s26], [sflag:$0x4], $0x80, s17, s25, $0xb8;
	[tilespmem:$0x1F380] =	vst v63  }
0x77: {  	_ =	swait.ge [sflag:s24], $0x2800  }
0x78: {  	[sflag:s24] =	ssyncset.done $0x0  }
.Ltmp1:
0x79: {  	[sflag:s24] =	ssyncadd.s32 $0xFFFFD800;
	(pc) =	sbr.rel @p0 .LBB2_4-.Ltmp1, $4  }
0x7a: {  	[tilespmem:s26], [sflag:$0x2] =	stream.indirect.gather [hbm4b:s4+s25], $0x80, s1, s25, $0xb8;
	[tilespmem:$0x1F380] =	vst v63  }
0x7b: {  	_ =	swait.ge [sflag:s21], $0x2800  }
0x7c: {  	[sflag:s21] =	ssyncset.done $0x0  }
0x7d: {  	s0 =	sadd.s32 $0x6580, s0;
	s1 =	sadd.s32 $0xA0, s1;
	[sflag:s21] =	ssyncadd.s32 $0xFFFFD800  }
0x7e: {  	[spmem:s2] =	stream.indirect.scatter.add.f32 [tilespmem:s20], [sflag:$0x3], $0x80, s0, s25, $0xb8;
	[tilespmem:$0x1F380] =	vst v63  }
0x7f: {  	_ =	swait.ge [sflag:s22], $0x2800  }
0x80: {  	[sflag:s22] =	ssyncset.done $0x0  }
0x81: {  	[sflag:s22] =	ssyncadd.s32 $0xFFFFD800  }
0x82: {  	[spmem:s2] =	stream.indirect.scatter.add.f32 [tilespmem:s26], [sflag:$0x4], $0x80, s28, s25, $0xb8;
	[tilespmem:$0x1F380] =	vst v63  }
0x83: {  	_ =	swait.ge [sflag:s23], $0x2800  }
0x84: {  	[sflag:s23] =	ssyncset.done $0x0  }
0x85: {  	[sflag:s23] =	ssyncadd.s32 $0xFFFFD800  }
0x86: {  	s31 =	stileid.u32;
	_ =	swait.ge [sflag:s24], $0x2800  }
0x87: {  	s1 =	sshrl.u32 s5, $0x3;
	s30 =	sadd.s32 $0x1, s30;
	[sflag:s24] =	ssyncset.done $0x0  }
0x88: {  	s0 =	sshll.u32 s31, $0x6;
	p0 =	sne.s32 s30, s16;
	[sflag:s24] =	ssyncadd.s32 $0xFFFFD800  }
.Ltmp2:
0x89: {  	s0 =	sor.u32 $0x1C05, s0;
	[bflag:$0x0] =	sbarrier.arrive $0xFFFF;
	(pc) =	sbr.rel @p0 .LBB2_1-.Ltmp2, $4  }
0x8a: {  	[hbm:s15], [sflag:s0] =	dma.local [spmem:s1], $0x2780  }
0x8b: {  	_ =	swait.ge [sflag:s29], $0x2780  }
0x8c: {  	[sflag:s29] =	ssyncset.done $0x0  }
0x8d: {  	[sflag:s29] =	ssyncadd.s32 $0xFFFFD880  }
0x8e: {  	_ =	sfence.sel $0x180000  }
0x8f: {  	[bflag:$0x0] =	sbarrier.arrive $0xFFFF  }
0x90: {  	_ =	strace $0x9000004A  }
0x91: {  	s0 =	stileid.u32;
	[bflag:$0x2] =	sbarrier.arrive $0xFFFF  }
0x92: {  	p0 =	sne.s32 s0, $0x0;
	s0 =	rddreg [dreg:$0x2]  }
0x93: {  	s0 =	sadd.s32 @!p0 $0x100000, s0  }
0x94: {  	[sflag:s0] =	ssyncadd.tile.s32 @!p0 $0x1;
	_ =	shalt  }
.Lfunc_end2:
_tile_overlayer_lowered:
.L_overlay_start_2:
0x95: {  	(tag) =	ssettag $0x2  }
0x96: {  	s0 =	rddreg [dreg:$0x0];
	s2 =	stileid.u32  }
0x97: {  	s1 =	rddreg [dreg:$0x1];
	p0 =	sne.s32 s2, $0x0  }
0x98: {  	s3 =	rddreg [dreg:$0x2];
	[bflag:$0x3] =	sbarrier.arrive $0xFFFF;
	s2 =	simm.s32 @!p0 $0x1C05  }
0x99: {  	[timem:s3], [sflag:s2] =	dma.local @!p0 [hbm:s0], s1  }
0x9a: {  	s0 =	simm.s32 @!p0 $0x5  }
0x9b: {  	_ =	swait.ge @!p0 [sflag:s0], s1  }
0x9c: {  	s1 =	ssub.s32 @!p0 $0x0, s1;
	[sflag:s0] =	ssyncset.done @!p0 $0x0  }
0x9d: {  	[sflag:s0] =	ssyncadd.s32 @!p0 s1  }
0x9e: {  	[bflag:$0x3] =	sbarrier.arrive $0xFFFF  }
0x9f: {  	_ =	shalt  }

// kernel: kernel.18.cloned.1.call-start
scs
__scs_entry_jumppad:
0x0: {  	(pc) =	sbr.rel $0x88, $3  }
0x1: {  	(tag) =	ssettag $0x0;
	lr =	simm.s32 $0x1  }
0x2: {  	[smem:$0x3F93] =	sst lr;
	_ =	strace $0xD0000000  }
0x3: {  	_ = 	snop  }
0x4: {  	_ = 	snop  }
0x5: {  	_ = 	snop  }
0x6: {  	_ = 	snop  }
0x7: {  	_ = 	snop  }
__scs_overlays_trampoline_lowered:
0x8: {  	[smem:$0x3FA2] =	sst s0  }
0x9: {  	[smem:$0x3FA3] =	sst s1  }
0xa: {  	[smem:$0x3FA4] =	sst s2  }
0xb: {  	[smem:$0x3FA5] =	sst s3  }
0xc: {  	[smem:$0x3FA6] =	sst s4  }
0xd: {  	[smem:$0x3FA7] =	sst s5  }
0xe: {  	[smem:$0x3FA8] =	sst s6  }
0xf: {  	[smem:$0x3FA9] =	sst s7  }
0x10: {  	[smem:$0x3FAA] =	sst s8  }
0x11: {  	[smem:$0x3FAB] =	sst s9;
	s0 =	simm.s32 @!p0 $0x0  }
0x12: {  	s1 =	sld [smem:$0x3F91];
	s0 =	simm.s32 @p0 $0x1  }
0x13: {  	[smem:$0x3FAC] =	sst s0;
	s0 =	simm.s32 @!p1 $0x0  }
0x14: {  	s2 =	sld [smem:$0x3F90];
	s0 =	simm.s32 @p1 $0x1  }
0x15: {  	[smem:$0x3FAD] =	sst s0;
	s0 =	simm.s32 @!p2 $0x0  }
0x16: {  	s3 =	sld [smem:$0x3FDB];
	s0 =	simm.s32 @p2 $0x1  }
0x17: {  	s4 =	simm.s32 $0x1BF5;
	[smem:$0x3FAF] =	sst s0  }
0x18: {  	s0 =	sld [smem:$0x3F92];
	_ =	swait.ge [sflag:s4], $0x0  }
0x19: {  	s7 =	sld [smem:$0x3F93]  }
0x1a: {  	s8 =	sadd.s32 $0xFFFFE003, lr  }
0x1b: {  	s9 =	sadd.s32 $0xFFFFFEF7, lr;
	s5 =	simm.s32 $0xFFFFFFFF;
	p2 =	slt.u32 s8, $0xFFFFF086  }
0x1c: {  	p1 =	slt.u32 s9, $0xF7A;
	s5 =	simm.s32 @!p2 $0x0  }
0x1d: {  	s5 =	simm.s32 @p1 $0x1;
	p0 =	seq.s32 s7, s2  }
0x1e: {  	s7 =	smul.u32 @!p0 $0xF7A, s2;
	p2 =	seq.s32 @!p0 s5, $0x0  }
0x1f: {  	s9 =	smul.u32 $0xF7A, s1;
	s8 =	simm.s32 @!p0 $0x1BF5;
	p2 =	por !p2, p0  }
0x20: {  	[sflag:s8] =	ssyncset.s32 @!p0 $0xFFFFF086;
	s6 =	sadd.s32 @!p0 s3, s7;
	s7 =	simm.s32 @!p0 $0x108  }
0x21: {  	s3 =	sadd.s32 s3, s9;
	s6 =	sadd.s32 @!p0 $0x88, s6;
	s7 =	simm.s32 @p2 $0x1082  }
0x22: {  	[simem:s7], [sflag:s8] =	dma.local @!p0 [hbm:s6], $0xF7A  }
0x23: {  	s9 =	sor.u32 $0xD0000000, s2;
	s6 =	simm.s32 $0x108;
	_ =	swait.ge @!p0 [sflag:s8], $0x0  }
0x24: {  	s3 =	sadd.s32 $0x88, s3;
	s6 =	simm.s32 @!p1 $0x1082;
	[sflag:s4] =	ssyncset.s32 $0xFFFFF086  }
0x25: {  	[simem:s6], [sflag:s4] =	dma.local [hbm:s3], $0xF7A  }
0x26: {  	[smem:$0x3F93] =	sst s1;
	(tag) =	ssettag s2;
	_ =	strace s9  }
0x27: {  	s1 =	sld [smem:$0x3FA3]  }
0x28: {  	s2 =	sld [smem:$0x3FA4]  }
0x29: {  	s4 =	sld [smem:$0x3FA6]  }
0x2a: {  	p0 =	seq.s32 s5, $0x0;
	s5 =	sld [smem:$0x3FA7]  }
0x2b: {  	s6 =	sld [smem:$0x3FA8]  }
0x2c: {  	s7 =	sld [smem:$0x3FA9]  }
0x2d: {  	s3 =	simm.s32 $0x108;
	s8 =	sld [smem:$0x3FAA]  }
0x2e: {  	s3 =	simm.s32 @!p0 $0x1082;
	s9 =	sld [smem:$0x3FAB]  }
0x2f: {  	lr =	sadd.s32 s0, s3;
	s0 =	sld [smem:$0x3FA2]  }
0x30: {  	s3 =	sld [smem:$0x3FA5]  }
0x31: {  	[smem:$0x3FAE] =	sst s10  }
0x32: {  	s10 =	sld [smem:$0x3FAC];
	_ =	sdelay $0x3  }
0x33: {  	p0 =	seq.s32 s10, $0x1;
	s10 =	sld [smem:$0x3FAE];
	_ =	sdelay $0x3  }
0x34: {  	[smem:$0x3FAE] =	sst s10  }
0x35: {  	s10 =	sld [smem:$0x3FAD];
	_ =	sdelay $0x3  }
0x36: {  	p1 =	seq.s32 s10, $0x1;
	s10 =	sld [smem:$0x3FAE];
	_ =	sdelay $0x3  }
0x37: {  	[smem:$0x3FAE] =	sst s10  }
0x38: {  	s10 =	sld [smem:$0x3FAF]  }
0x39: {  	_ = 	snop;
	(pc) =	sbr.ind lr, $3  }
0x3a: {  	_ = 	snop  }
0x3b: {  	_ = 	snop  }
0x3c: {  	p2 =	seq.s32 s10, $0x1;
	s10 =	sld [smem:$0x3FAE]  }
0x3d: {  	_ =	shalt  }
0x3e: {  	_ =	shalt  }
0x3f: {  	_ =	shalt  }
0x40: {  	_ =	shalt  }
0x41: {  	_ =	shalt  }
0x42: {  	_ =	shalt  }
0x43: {  	_ =	shalt  }
0x44: {  	_ =	shalt  }
0x45: {  	_ =	shalt  }
0x46: {  	_ =	shalt  }
0x47: {  	_ =	shalt  }
0x48: {  	_ =	shalt  }
0x49: {  	_ =	shalt  }
0x4a: {  	_ =	shalt  }
0x4b: {  	_ =	shalt  }
0x4c: {  	_ =	shalt  }
0x4d: {  	_ =	shalt  }
0x4e: {  	_ =	shalt  }
0x4f: {  	_ =	shalt  }
0x50: {  	_ =	shalt  }
0x51: {  	_ =	shalt  }
0x52: {  	_ =	shalt  }
0x53: {  	_ =	shalt  }
0x54: {  	_ =	shalt  }
0x55: {  	_ =	shalt  }
0x56: {  	_ =	shalt  }
0x57: {  	_ =	shalt  }
0x58: {  	_ =	shalt  }
0x59: {  	_ =	shalt  }
0x5a: {  	_ =	shalt  }
0x5b: {  	_ =	shalt  }
0x5c: {  	_ =	shalt  }
0x5d: {  	_ =	shalt  }
0x5e: {  	_ =	shalt  }
0x5f: {  	_ =	shalt  }
0x60: {  	_ =	shalt  }
0x61: {  	_ =	shalt  }
0x62: {  	_ =	shalt  }
0x63: {  	_ =	shalt  }
0x64: {  	_ =	shalt  }
0x65: {  	_ =	shalt  }
0x66: {  	_ =	shalt  }
0x67: {  	_ =	shalt  }
0x68: {  	_ =	shalt  }
0x69: {  	_ =	shalt  }
0x6a: {  	_ =	shalt  }
0x6b: {  	_ =	shalt  }
0x6c: {  	_ =	shalt  }
0x6d: {  	_ =	shalt  }
0x6e: {  	_ =	shalt  }
0x6f: {  	_ =	shalt  }
0x70: {  	_ =	shalt  }
0x71: {  	_ =	shalt  }
0x72: {  	_ =	shalt  }
0x73: {  	_ =	shalt  }
0x74: {  	_ =	shalt  }
0x75: {  	_ =	shalt  }
0x76: {  	_ =	shalt  }
0x77: {  	_ =	shalt  }
0x78: {  	_ =	shalt  }
0x79: {  	_ =	shalt  }
0x7a: {  	_ =	shalt  }
0x7b: {  	_ =	shalt  }
0x7c: {  	_ =	shalt  }
0x7d: {  	_ =	shalt  }
0x7e: {  	_ =	shalt  }
0x7f: {  	_ =	shalt  }
0x80: {  	_ =	shalt  }
0x81: {  	_ =	shalt  }
0x82: {  	_ =	shalt  }
0x83: {  	_ =	shalt  }
0x84: {  	_ =	shalt  }
0x85: {  	_ =	shalt  }
0x86: {  	_ =	shalt  }
0x87: {  	_ =	shalt  }
.Lfunc_end0:
.L_simem_size_0:
called_computation.2_lowered:
.L_overlay_start_0:
0x88: {  	s2 =	sld [smem:$0x3FD9]  }
0x89: {  	s3 =	sld [smem:$0x3FFE];
	_ =	sdelay $0x1  }
0x8a: {  	s1 =	srdreg.scid  }
0x8b: {  	s0 =	sand.u32 $0x1, s1  }
0x8c: {  	s16 =	sshll.u32 s0, $0xA;
	s2 =	sadd.s32 s3, s2  }
0x8d: {  	s2 =	sadd.s32 s2, s16  }
0x8e: {  	[smem:$0x3FBA] =	sst s2  }
0x8f: {  	_ = 	snop  }
0x90: {  	(tm) =	ssettm $0x1  }
0x91: {  	s17 =	sld [smem:$0x3FFB];
	_ =	sdelay $0x3  }
0x92: {  	_ =	strace s17  }
0x93: {  	s2 =	sld [smem:$0x3FFC];
	_ =	sdelay $0x3  }
0x94: {  	_ =	strace s2  }
0x95: {  	s2 =	sld [smem:$0x3FFD];
	_ =	sdelay $0x3  }
0x96: {  	_ =	strace s2  }
0x97: {  	_ =	strace $0x8FFFFFFF  }
0x98: {  	s18 =	sld [smem:$0x3FDB];
	_ =	sdelay $0x1  }
0x99: {  	s19 =	simm.s32 $_scs_section_size  }
0x9a: {  	s4 =	simm.s32 $_size__tile_overlayer_lowered;
	s5 =	simm.s32 $_tile_overlayer_lowered  }
0x9b: {  	s22 =	simm.s32 $0x1BFF;
	s21 =	sshll.u32 s5, $0x1;
	s2 =	sadd.s32 s19, s18  }
0x9c: {  	s6 =	simm.s32 $0x0;
	s20 =	sshll.u32 s4, $0x1;
	s4 =	sadd.s32 s21, s2  }
0x9d: {  	[timem:s6], [sflag:s22] =	dma.local [hbm:s4], s20  }
0x9e: {  	_ =	swait.ge [sflag:s22], s20  }
0x9f: {  	s3 =	ssub.s32 $0x0, s20;
	[sflag:s22] =	ssyncset.done $0x0  }
0xa0: {  	[sflag:s22] =	ssyncadd.s32 s3;
	_ =	sdelay $0x1  }
0xa1: {  	s23 =	simm.s32 $0x1B8B  }
0xa2: {  	_ =	swait.ge [sflag:s23], $0x1  }
0xa3: {  	[sflag:s23] =	ssyncset.done $0x0  }
0xa4: {  	s25 =	simm.s32 $0x1B8E;
	s24 =	sld [smem:$0x3FFE];
	[sflag:s23] =	ssyncadd.s32 $0xFFFFFFFF  }
0xa5: {  	s26 =	simm.s32 $execute0_lowered;
	[smem:$0x3FD2] =	sst s25  }
0xa6: {  	s4 =	sshll.u32 s26, $0x1;
	_ =	strace $0x8000004C;
	[dreg:$0x1] =	wrdreg $0xFFFFFFFF  }
0xa7: {  	s28 =	simm.s32 $_size_execute0_lowered;
	s2 =	sadd.s32 s2, s4;
	[dreg:$0x0] =	wrdreg $0x0  }
0xa8: {  	s4 =	sshll.u32 s28, $0x1;
	[dreg:$0x2] =	wrdreg s2  }
0xa9: {  	[dreg:$0x3] =	wrdreg s4  }
0xaa: {  	[dreg:$0x4] =	wrdreg $0xC0  }
0xab: {  	_ =	task [dreg:s6], $0x5FFFF  }
0xac: {  	[dreg:$0x1] =	wrdreg $0xFFFFFFFF  }
0xad: {  	[dreg:$0x0] =	wrdreg $0x60  }
0xae: {  	[dreg:$0x2] =	wrdreg s24  }
0xaf: {  	[dreg:$0x3] =	wrdreg $0xB7800  }
0xb0: {  	[dreg:$0x4] =	wrdreg $0x9  }
0xb1: {  	_ =	task.clear_ibuf [dreg:s6], $0x5FFFF;
	_ =	strace $0x9000004C  }
0xb2: {  	s29 =	simm.s32 $0x9;
	_ =	strace $0x8000004E  }
0xb3: {  	_ =	swait.ge [sflag:s29], $0x1  }
0xb4: {  	[sflag:s29] =	ssyncadd.s32 $0xFFFFFFFF  }
0xb5: {  	_ =	strace $0x9000004E  }
0xb6: {  	_ =	sfence  }
0xb7: {  	s30 =	sld [smem:$0x0];
	_ =	sdelay $0x2  }
0xb8: {  	s31 =	sshll.u32 s1, $0xD;
	s1 =	sshrl.u32 s1, $0x2  }
0xb9: {  	s3 =	sand.u32 $0x4000, s31;
	s1 =	sadd.s32 s1, s30  }
0xba: {  	s0 =	sor.u32 s3, s0;
	s1 =	sshll.u32 s1, $0x11  }
0xbb: {  	s0 =	sor.u32 s1, s0  }
0xbc: {  	s0 =	sadd.s32 $0x8F2B, s0  }
0xbd: {  	[sflag:s0] =	ssyncadd.remote.s32 $0x1  }
0xbe: {  	_ =	sfence.sel $0xFFFF  }
0xbf: {  	[dreg:$0x0] =	wrdreg $0xFFFFFFFF;
	(pc) =	sbr.abs _section_cstart, $3  }
0xc0: {  	[dreg:$0x1] =	wrdreg $0xFFFFFFFF  }
0xc1: {  	_ =	task.clear_ibuf [dreg:s6], $0x2FFFF;
	_ =	strace $0x9FFFFFFF  }
0xc2: {  	(tm) =	ssettm $0x7FFFFFFF  }
0xc3: {  	_ =	shalt  }
tec
execute0_lowered:
.L_overlay_start_1:
0x0: {  	(tag) =	ssettag $0x1  }
0x1: {  	s0 =	rddreg [dreg:$0x0]  }
0x2: {  	s1 =	srdreg.scid;
	s9 =	stileid.u32  }
0x3: {  	s2 =	rddreg [dreg:$0x1];
	s18 =	simm.s32 $0x400;
	s19 =	simm.s32 $0x2780  }
0x4: {  	s20 =	simm.s32 $0x6780;
	s21 =	simm.s32 $0x1;
	s22 =	simm.s32 $0x2  }
0x5: {  	s23 =	simm.s32 $0x3;
	s24 =	simm.s32 $0x4;
	s28 =	simm.s32 $0x6580  }
0x6: {  	s29 =	simm.s32 $0x5;
	s1 =	sand.u32 $0x1, s1;
	s8 =	smul.u32 $0x13C00, s9  }
0x7: {  	s3 =	sshll.u32 s9, $0x1;
	s4 =	sshrl.u32 s9, $0x2;
	s9 =	smul.u32 $0x4F000, s9  }
0x8: {  	s30 =	simm.s32 $0x0;
	s5 =	sor.u32 s1, s3;
	s4 =	smul.u32 $0x13C00, s4  }
0x9: {  	s3 =	simm.s32 $0x0;
	s7 =	smul.u32 $0x13C000, s1;
	s1 =	ssub.s32 $0x2, s1  }
0xa: {  	s6 =	sshll.u32 s5, $0x7;
	[smem:$0x7FF] =	sst s3;
	s5 =	sshll.u32 s5, $0xB  }
0xb: {  	s26 =	sshrl.u32 s1, $0x1;
	s31 =	sshrl.u32 s9, $0x2;
	s6 =	sand.u32 $0x380, s6  }
0xc: {  	_ =	strace $0x8000004D;
	s10 =	sadd.s32 s5, s0;
	s25 =	sadd.s32 s8, s7  }
0xd: {  	s1 =	ssub.s32 s1, s26;
	s26 =	simm.s32 $0x8F80;
	s6 =	sor.u32 s4, s6  }
0xe: {  	s4 =	sadd.s32 $0x1C800, s0;
	s5 =	sshrl.u32 s25, $0x3;
	s7 =	sadd.s32 $0x2A00, s10  }
0xf: {  	s16 =	smax.u32 s1, $0x1;
	s25 =	simm.s32 $0x50;
	s6 =	sshrl.u32 s6, $0x3  }
0x10: {  	s6 =	sadd.s32 s6, s0;
	s0 =	sadd.s32 s5, s0;
	s5 =	sadd.s32 s31, s2  }
0x11: {  	s6 =	sadd.s32 $0x12A00, s6;
	s8 =	sadd.s32 $0x2800, s5;
	s9 =	sadd.s32 $0x5000, s5  }
0x12: {  	s10 =	sadd.s32 $0x7800, s5;
	s11 =	sadd.s32 $0xA000, s5;
	s12 =	sadd.s32 $0xC800, s5  }
0x13: {  	v0 =	vimm.f32 $0.0e+00;
	s13 =	sadd.s32 $0xF000, s5;
	s14 =	sadd.s32 $0x11800, s5;
	s15 =	sadd.s32 $0x43A00, s0  }
.LBB2_1:
0x14: {  	s1 =	simm.s32 $0x0;
	s31 =	simm.s32 $0x200  }
.LBB2_2:
0x15: {  	p0 =	sne.s32 s31, $0x9E00;
	[tilespmem:s1+$0x67F0] =	vst v0  }
0x16: {  	[tilespmem:s1+$0x6780] =	vst v0  }
0x17: {  	[tilespmem:s1+$0x6790] =	vst v0  }
.Ltmp0:
0x18: {  	[tilespmem:s1+$0x67A0] =	vst v0;
	(pc) =	sbr.rel @p0 .LBB2_2-.Ltmp0, $4  }
0x19: {  	[tilespmem:s1+$0x67B0] =	vst v0  }
0x1a: {  	[tilespmem:s1+$0x67C0] =	vst v0  }
0x1b: {  	[tilespmem:s1+$0x67D0] =	vst v0  }
0x1c: {  	[tilespmem:s1+$0x67E0] =	vst v0;
	s1 =	sshra.s32 s31, $0x2;
	s31 =	sadd.s32 $0x200, s31  }
0x1d: {  	[tilespmem:s1+$0x67F0] =	vst v0  }
0x1e: {  	[tilespmem:s1+$0x6780] =	vst v0  }
0x1f: {  	[tilespmem:s1+$0x6790] =	vst v0  }
0x20: {  	[tilespmem:s1+$0x67A0] =	vst v0  }
0x21: {  	[tilespmem:s1+$0x67B0] =	vst v0  }
0x22: {  	[tilespmem:s1+$0x67C0] =	vst v0  }
0x23: {  	[tilespmem:s1+$0x67D0] =	vst v0  }
0x24: {  	[tilespmem:s1+$0x67E0] =	vst v0;
	s0 =	simm.s32 $0x80  }
0x25: {  	[tilespmem:s3], [sflag:$0x1] =	stream.strided.gather [hbm4b:s6+s0], $0x2780, s18, s0, $0x38;
	[tilespmem:$0x1F380] =	vst v63  }
0x26: {  	_ = 	snop  }
0x27: {  	[tilespmem:s19], [sflag:$0x2] =	stream.linear.gather [hbm4b:s7+s3], $0x3E80, $0x38;
	[tilespmem:$0x1F380] =	vst v63  }
0x28: {  	_ = 	snop  }
0x29: {  	[spmem:s5] =	stream.linear.scatter [tilespmem:s20], [sflag:$0x3], $0x2800, $0x38;
	[tilespmem:$0x1F380] =	vst v63  }
0x2a: {  	_ = 	snop  }
0x2b: {  	[spmem:s8] =	stream.linear.scatter [tilespmem:s20], [sflag:$0x3], $0x2800, $0x38;
	[tilespmem:$0x1F380] =	vst v63  }
0x2c: {  	_ = 	snop  }
0x2d: {  	[spmem:s9] =	stream.linear.scatter [tilespmem:s20], [sflag:$0x3], $0x2800, $0x38;
	[tilespmem:$0x1F380] =	vst v63  }
0x2e: {  	_ = 	snop  }
0x2f: {  	[spmem:s10] =	stream.linear.scatter [tilespmem:s20], [sflag:$0x3], $0x2800, $0x38;
	[tilespmem:$0x1F380] =	vst v63  }
0x30: {  	_ = 	snop  }
0x31: {  	[spmem:s11] =	stream.linear.scatter [tilespmem:s20], [sflag:$0x3], $0x2800, $0x38;
	[tilespmem:$0x1F380] =	vst v63  }
0x32: {  	_ = 	snop  }
0x33: {  	[spmem:s12] =	stream.linear.scatter [tilespmem:s20], [sflag:$0x3], $0x2800, $0x38;
	[tilespmem:$0x1F380] =	vst v63  }
0x34: {  	_ = 	snop  }
0x35: {  	[spmem:s13] =	stream.linear.scatter [tilespmem:s20], [sflag:$0x3], $0x2800, $0x38;
	[tilespmem:$0x1F380] =	vst v63  }
0x36: {  	_ = 	snop  }
0x37: {  	[spmem:s14] =	stream.linear.scatter [tilespmem:s20], [sflag:$0x4], $0x2400, $0x38;
	[tilespmem:$0x1F380] =	vst v63  }
0x38: {  	_ =	swait.ge [sflag:s21], $0x2780  }
0x39: {  	[sflag:s21] =	ssyncset.done $0x0  }
0x3a: {  	[sflag:s21] =	ssyncadd.s32 $0xFFFFD880  }
0x3b: {  	_ =	swait.ge [sflag:s22], $0x3E80  }
0x3c: {  	[sflag:s22] =	ssyncset.done $0x0  }
0x3d: {  	[sflag:s22] =	ssyncadd.s32 $0xFFFFC180  }
0x3e: {  	_ =	swait.ge [sflag:s23], $0x2800  }
0x3f: {  	[sflag:s23] =	ssyncset.done $0x0  }
0x40: {  	[sflag:s23] =	ssyncadd.s32 $0xFFFFD800  }
0x41: {  	_ =	swait.ge [sflag:s23], $0x2800  }
0x42: {  	[sflag:s23] =	ssyncset.done $0x0  }
0x43: {  	[sflag:s23] =	ssyncadd.s32 $0xFFFFD800  }
0x44: {  	_ =	swait.ge [sflag:s23], $0x2800  }
0x45: {  	[sflag:s23] =	ssyncset.done $0x0  }
0x46: {  	[sflag:s23] =	ssyncadd.s32 $0xFFFFD800  }
0x47: {  	_ =	swait.ge [sflag:s23], $0x2800  }
0x48: {  	[sflag:s23] =	ssyncset.done $0x0  }
0x49: {  	[sflag:s23] =	ssyncadd.s32 $0xFFFFD800  }
0x4a: {  	_ =	swait.ge [sflag:s23], $0x2800  }
0x4b: {  	[sflag:s23] =	ssyncset.done $0x0  }
0x4c: {  	[sflag:s23] =	ssyncadd.s32 $0xFFFFD800  }
0x4d: {  	_ =	swait.ge [sflag:s23], $0x2800  }
0x4e: {  	[sflag:s23] =	ssyncset.done $0x0  }
0x4f: {  	[sflag:s23] =	ssyncadd.s32 $0xFFFFD800  }
0x50: {  	_ =	swait.ge [sflag:s23], $0x2800  }
0x51: {  	[sflag:s23] =	ssyncset.done $0x0  }
0x52: {  	[sflag:s23] =	ssyncadd.s32 $0xFFFFD800  }
0x53: {  	_ =	swait.ge [sflag:s24], $0x2400  }
0x54: {  	[sflag:s24] =	ssyncset.done $0x0  }
0x55: {  	[sflag:s24] =	ssyncadd.s32 $0xFFFFDC00  }
0x56: {  	[bflag:$0x0] =	sbarrier.arrive $0xFFFF  }
0x57: {  	[tilespmem:s20], [sflag:$0x1] =	stream.indirect.gather [hbm4b:s4+s25], $0x80, s3, s25, $0xb8;
	[tilespmem:$0x1F380] =	vst v63  }
0x58: {  	_ = 	snop  }
0x59: {  	[tilespmem:s26], [sflag:$0x2] =	stream.indirect.gather [hbm4b:s4+s25], $0x80, s25, s25, $0xb8;
	[tilespmem:$0x1F380] =	vst v63  }
0x5a: {  	_ =	swait.ge [sflag:s21], $0x2800  }
0x5b: {  	[sflag:s21] =	ssyncset.done $0x0  }
0x5c: {  	[sflag:s21] =	ssyncadd.s32 $0xFFFFD800  }
0x5d: {  	[spmem:s2] =	stream.indirect.scatter.add.f32 [tilespmem:s20], [sflag:$0x3], $0x80, s19, s25, $0xb8;
	[tilespmem:$0x1F380] =	vst v63  }
0x5e: {  	_ =	swait.ge [sflag:s23], $0x2800  }
0x5f: {  	[sflag:s23] =	ssyncset.done $0x0  }
0x60: {  	s17 =	simm.s32 $0xA0;
	[sflag:s23] =	ssyncadd.s32 $0xFFFFD800  }
0x61: {  	[tilespmem:s20], [sflag:$0x1] =	stream.indirect.gather [hbm4b:s4+s25], $0x80, s17, s25, $0xb8;
	[tilespmem:$0x1F380] =	vst v63  }
0x62: {  	_ =	swait.ge [sflag:s22], $0x2800  }
0x63: {  	[sflag:s22] =	ssyncset.done $0x0  }
0x64: {  	s1 =	simm.s32 $0x2800;
	[sflag:s22] =	ssyncadd.s32 $0xFFFFD800  }
0x65: {  	[spmem:s2] =	stream.indirect.scatter.add.f32 [tilespmem:s26], [sflag:$0x4], $0x80, s1, s25, $0xb8;
	[tilespmem:$0x1F380] =	vst v63  }
0x66: {  	_ =	swait.ge [sflag:s24], $0x2800  }
0x67: {  	[sflag:s24] =	ssyncset.done $0x0  }
0x68: {  	s17 =	simm.s32 $0xF0;
	[sflag:s24] =	ssyncadd.s32 $0xFFFFD800  }
0x69: {  	[tilespmem:s26], [sflag:$0x2] =	stream.indirect.gather [hbm4b:s4+s25], $0x80, s17, s25, $0xb8;
	[tilespmem:$0x1F380] =	vst v63  }
0x6a: {  	_ =	swait.ge [sflag:s21], $0x2800  }
0x6b: {  	s31 =	simm.s32 $0xFFFF1000;
	[sflag:s21] =	ssyncset.done $0x0  }
0x6c: {  	s0 =	simm.s32 $0x2880;
	s1 =	simm.s32 $0x190;
	[sflag:s21] =	ssyncadd.s32 $0xFFFFD800  }
.LBB2_4:
0x6d: {  	[spmem:s2] =	stream.indirect.scatter.add.f32 [tilespmem:s20], [sflag:$0x3], $0x80, s0, s25, $0xb8;
	[tilespmem:$0x1F380] =	vst v63  }
0x6e: {  	s0 =	smov.u32 s31  }
0x6f: {  	p0 =	sne.s32 s31, $0xFFFFFC00;
	s31 =	sadd.s32 $0x400, s31;
	_ =	swait.ge [sflag:s23], $0x2800  }
0x70: {  	[sflag:s23] =	ssyncset.done $0x0  }
0x71: {  	s17 =	sadd.s32 $0xFFFFFFB0, s1;
	[sflag:s23] =	ssyncadd.s32 $0xFFFFD800  }
0x72: {  	[tilespmem:s20], [sflag:$0x1] =	stream.indirect.gather [hbm4b:s4+s25], $0x80, s17, s25, $0xb8;
	[tilespmem:$0x1F380] =	vst v63  }
0x73: {  	_ =	swait.ge [sflag:s22], $0x2800  }
0x74: {  	s0 =	sshra.s32 s0, $0x2;
	[sflag:s22] =	ssyncset.done $0x0  }
0x75: {  	s17 =	sadd.s32 $0x6500, s0;
	[sflag:s22] =	ssyncadd.s32 $0xFFFFD800  }
0x76: {  	[spmem:s2] =	stream.indirect.scatter.add.f32 [tilespmem:s26], [sflag:$0x4], $0x80, s17, s25, $0xb8;
	[tilespmem:$0x1F380] =	vst v63  }
0x77: {  	_ =	swait.ge [sflag:s24], $0x2800  }
0x78: {  	[sflag:s24] =	ssyncset.done $0x0  }
.Ltmp1:
0x79: {  	[sflag:s24] =	ssyncadd.s32 $0xFFFFD800;
	(pc) =	sbr.rel @p0 .LBB2_4-.Ltmp1, $4  }
0x7a: {  	[tilespmem:s26], [sflag:$0x2] =	stream.indirect.gather [hbm4b:s4+s25], $0x80, s1, s25, $0xb8;
	[tilespmem:$0x1F380] =	vst v63  }
0x7b: {  	_ =	swait.ge [sflag:s21], $0x2800  }
0x7c: {  	[sflag:s21] =	ssyncset.done $0x0  }
0x7d: {  	s0 =	sadd.s32 $0x6580, s0;
	s1 =	sadd.s32 $0xA0, s1;
	[sflag:s21] =	ssyncadd.s32 $0xFFFFD800  }
0x7e: {  	[spmem:s2] =	stream.indirect.scatter.add.f32 [tilespmem:s20], [sflag:$0x3], $0x80, s0, s25, $0xb8;
	[tilespmem:$0x1F380] =	vst v63  }
0x7f: {  	_ =	swait.ge [sflag:s22], $0x2800  }
0x80: {  	[sflag:s22] =	ssyncset.done $0x0  }
0x81: {  	[sflag:s22] =	ssyncadd.s32 $0xFFFFD800  }
0x82: {  	[spmem:s2] =	stream.indirect.scatter.add.f32 [tilespmem:s26], [sflag:$0x4], $0x80, s28, s25, $0xb8;
	[tilespmem:$0x1F380] =	vst v63  }
0x83: {  	_ =	swait.ge [sflag:s23], $0x2800  }
0x84: {  	[sflag:s23] =	ssyncset.done $0x0  }
0x85: {  	[sflag:s23] =	ssyncadd.s32 $0xFFFFD800  }
0x86: {  	s31 =	stileid.u32;
	_ =	swait.ge [sflag:s24], $0x2800  }
0x87: {  	s1 =	sshrl.u32 s5, $0x3;
	s30 =	sadd.s32 $0x1, s30;
	[sflag:s24] =	ssyncset.done $0x0  }
0x88: {  	s0 =	sshll.u32 s31, $0x6;
	p0 =	sne.s32 s30, s16;
	[sflag:s24] =	ssyncadd.s32 $0xFFFFD800  }
.Ltmp2:
0x89: {  	s0 =	sor.u32 $0x1C05, s0;
	[bflag:$0x0] =	sbarrier.arrive $0xFFFF;
	(pc) =	sbr.rel @p0 .LBB2_1-.Ltmp2, $4  }
0x8a: {  	[hbm:s15], [sflag:s0] =	dma.local [spmem:s1], $0x2780  }
0x8b: {  	_ =	swait.ge [sflag:s29], $0x2780  }
0x8c: {  	[sflag:s29] =	ssyncset.done $0x0  }
0x8d: {  	[sflag:s29] =	ssyncadd.s32 $0xFFFFD880  }
0x8e: {  	_ =	sfence.sel $0x180000  }
0x8f: {  	[bflag:$0x0] =	sbarrier.arrive $0xFFFF  }
0x90: {  	_ =	strace $0x9000004D  }
0x91: {  	s0 =	stileid.u32;
	[bflag:$0x2] =	sbarrier.arrive $0xFFFF  }
0x92: {  	p0 =	sne.s32 s0, $0x0;
	s0 =	rddreg [dreg:$0x2]  }
0x93: {  	s0 =	sadd.s32 @!p0 $0x100000, s0  }
0x94: {  	[sflag:s0] =	ssyncadd.tile.s32 @!p0 $0x1;
	_ =	shalt  }
.Lfunc_end2:
_tile_overlayer_lowered:
.L_overlay_start_2:
0x95: {  	(tag) =	ssettag $0x2  }
0x96: {  	s0 =	rddreg [dreg:$0x0];
	s2 =	stileid.u32  }
0x97: {  	s1 =	rddreg [dreg:$0x1];
	p0 =	sne.s32 s2, $0x0  }
0x98: {  	s3 =	rddreg [dreg:$0x2];
	[bflag:$0x3] =	sbarrier.arrive $0xFFFF;
	s2 =	simm.s32 @!p0 $0x1C05  }
0x99: {  	[timem:s3], [sflag:s2] =	dma.local @!p0 [hbm:s0], s1  }
0x9a: {  	s0 =	simm.s32 @!p0 $0x5  }
0x9b: {  	_ =	swait.ge @!p0 [sflag:s0], s1  }
0x9c: {  	s1 =	ssub.s32 @!p0 $0x0, s1;
	[sflag:s0] =	ssyncset.done @!p0 $0x0  }
0x9d: {  	[sflag:s0] =	ssyncadd.s32 @!p0 s1  }
0x9e: {  	[bflag:$0x3] =	sbarrier.arrive $0xFFFF  }
0x9f: {  	_ =	shalt  }

</sc_bundles>
